<compile_context>
chip_gen: v7x
topology: tpu7x:2x2x1
jax: 0.10.2.dev20260603
libtpu: 0.0.44.dev20260713+nightly
codegen_flags: <defaults>
</compile_context>

<pallas_src>
import functools

import jax
import jax.numpy as jnp
from jax import lax
from jax.experimental import pallas as pl
from jax.experimental.pallas import tpu as pltpu
from jax.experimental.pallas import tpu_sc as plsc

KE = 14.399645351950548

_NC = 2
_NS = 16
_UNROLL = 2


def _sc_body(nch, chunk, nsp, E,
             dist_hbm, cut_hbm, send_hbm, recv_hbm, spk_hbm, zz_hbm, zps_hbm,
             par_hbm, zeros_hbm, part_hbm,
             spk_v, zz_v, zps_v, par_v,
             d_v0, d_v1, d_v2, c_v0, c_v1, c_v2, s_v0, s_v1, s_v2,
             r_v0, r_v1, r_v2, v_v0, v_v1, v_v2,
             acc_sh, sem_i0, sem_i1, sem_i2, sem_s0, sem_s1, sem_s2):
    cid = lax.axis_index("c")
    sid = lax.axis_index("s")
    wid = cid * _NS + sid
    per_w = nch * chunk

    dist_v = (d_v0, d_v1, d_v2)
    cut_v = (c_v0, c_v1, c_v2)
    send_v = (s_v0, s_v1, s_v2)
    recv_v = (r_v0, r_v1, r_v2)
    vals_v = (v_v0, v_v1, v_v2)
    sem_in = (sem_i0, sem_i1, sem_i2)
    sem_sc = (sem_s0, sem_s1, sem_s2)

    pltpu.sync_copy(spk_hbm, spk_v)
    pltpu.sync_copy(zz_hbm, zz_v)
    pltpu.sync_copy(zps_hbm, zps_v)
    pltpu.sync_copy(par_hbm, par_v)

    @pl.when(sid == 0)
    def _():
        pltpu.sync_copy(zeros_hbm, acc_sh)

    plsc.subcore_barrier()

    def bc(k):
        return plsc.load_gather(par_v, [jnp.full((16,), k, jnp.int32)])

    na0, na1, na2, na3 = bc(0), bc(1), bc(2), bc(3)
    cw0, cw1, cw2, cw3 = bc(4), bc(5), bc(6), bc(7)

    base = wid * per_w

    def species_lookup(node_idx):
        word = plsc.load_gather(spk_v, [lax.shift_right_logical(node_idx, 2)])
        shift = lax.shift_left(jnp.bitwise_and(node_idx, 3), 3)
        return jnp.bitwise_and(lax.shift_right_logical(word, shift), 0xFF)

    def start_inputs(off, b):
        pltpu.async_copy(dist_hbm.at[pl.ds(off, chunk)], dist_v[b], sem_in[b])
        pltpu.async_copy(cut_hbm.at[pl.ds(off, chunk)], cut_v[b], sem_in[b])
        pltpu.async_copy(send_hbm.at[pl.ds(off, chunk)], send_v[b], sem_in[b])
        pltpu.async_copy(recv_hbm.at[pl.ds(off, chunk)], recv_v[b], sem_in[b])

    def wait_inputs(b):
        for hbmref, vref in ((dist_hbm, dist_v[b]), (cut_hbm, cut_v[b]),
                             (send_hbm, send_v[b]), (recv_hbm, recv_v[b])):
            pltpu.make_async_copy(hbmref.at[pl.ds(0, chunk)], vref,
                                  sem_in[b]).wait()

    def wait_scatter(b):
        pltpu.make_async_copy(vals_v[b], acc_sh.at[recv_v[b]],
                              sem_sc[b]).wait()

    for b in (1, 2):
        pltpu.sync_copy(zeros_hbm.at[pl.ds(0, chunk)], vals_v[b])
        pltpu.sync_copy(recv_hbm.at[pl.ds(0, chunk)], recv_v[b])
        pltpu.async_copy(vals_v[b], acc_sh.at[recv_v[b]], sem_sc[b],
                         add=True)

    start_inputs(base, 0)

    def phase(c_idx, p):
        b = p
        bn = (p + 1) % 3
        wait_inputs(b)
        wait_scatter(bn)
        off1 = jnp.minimum(base + (c_idx + 1) * chunk, E - chunk)
        start_inputs(off1, bn)

        rv = recv_v[b]
        sv = send_v[b]
        dv = dist_v[b]
        cv = cut_v[b]
        vv = vals_v[b]

        @plsc.parallel_loop(0, chunk, step=16, unroll=_UNROLL)
        def _(i):
            sl = pl.ds(i, 16)
            r = rv[sl]
            s = sv[sl]
            dd = dv[sl]
            ct = cv[sl]
            si = species_lookup(r)
            sj = species_lookup(s)
            pid = si * nsp + sj
            zz = plsc.load_gather(zz_v, [pid])
            zps = plsc.load_gather(zps_v, [pid])
            x = ct * zz / (dd + 1e-8)
            rzd = dd * zps
            y = (cw0 * jnp.exp(na0 * rzd) + cw1 * jnp.exp(na1 * rzd)
                 + cw2 * jnp.exp(na2 * rzd) + cw3 * jnp.exp(na3 * rzd))
            sd = dd * (1.0 / 1.5)
            t = 1.0 / (1.0 - sd) - 1.0 / jnp.maximum(sd, 1e-8)
            w = 1.0 / (1.0 + jnp.exp(t))
            vv[sl] = w * x * y

        pltpu.async_copy(vv, acc_sh.at[rv], sem_sc[b], add=True)

    nmain = (nch - 2) // 3
    nrest = nch - 3 * nmain

    def outer(g, carry):
        c0 = 3 * g
        phase(c0, 0)
        phase(c0 + 1, 1)
        phase(c0 + 2, 2)
        return carry

    lax.fori_loop(0, nmain, outer, 0)
    for i in range(nrest):
        phase(3 * nmain + i, i % 3)

    for c_last in (nch - 2, nch - 1):
        wait_scatter(c_last % 3)
    wait_inputs(nch % 3)

    plsc.subcore_barrier()

    @pl.when(sid == 0)
    def _():
        pltpu.sync_copy(acc_sh, part_hbm.at[cid])


def _combine_body(p_ref, o_ref):
    o_ref[...] = p_ref[0, :] + p_ref[1, :]


def kernel(node_species, distances, cutoffs, senders, receivers, index_to_z,
           a, c, p, d):
    N = node_species.shape[0]
    E = distances.shape[0]
    nsp = index_to_z.shape[0]
    nw = _NC * _NS
    assert E % nw == 0
    per_w = E // nw
    chunk = None
    for cand in (4000, 2000, 1600, 800, 400, 80, 16):
        if per_w % cand == 0:
            chunk = cand
            break
    assert chunk is not None
    nch = per_w // chunk
    assert nch >= 5

    a_s = jax.nn.softplus(a.astype(jnp.float32))
    c_s = jax.nn.softplus(c.astype(jnp.float32))
    cw = c_s / jnp.sum(c_s)
    p_s = jax.nn.softplus(p.astype(jnp.float32))[0]
    d_s = jax.nn.softplus(d.astype(jnp.float32))[0]
    zt = index_to_z.astype(jnp.float32)
    zpt = jnp.power(zt, p_s)
    zz_tab = ((KE / 2) * (zt[:, None] * zt[None, :])).reshape(-1)
    zps_tab = (d_s * (zpt[:, None] + zpt[None, :])).reshape(-1)
    tpad = (-zz_tab.shape[0]) % 16
    if tpad:
        zz_tab = jnp.concatenate([zz_tab, jnp.zeros((tpad,), jnp.float32)])
        zps_tab = jnp.concatenate([zps_tab, jnp.zeros((tpad,), jnp.float32)])
    par = jnp.zeros((128,), jnp.float32)
    par = par.at[0:4].set(-a_s).at[4:8].set(cw)

    sp = node_species.astype(jnp.int32)
    npad = (-N) % 4
    if npad:
        sp = jnp.concatenate([sp, jnp.zeros((npad,), jnp.int32)])
    sp4 = sp.reshape(-1, 4)
    spk = (sp4[:, 0] | (sp4[:, 1] << 8) | (sp4[:, 2] << 16)
           | (sp4[:, 3] << 24))
    wpad = (-spk.shape[0]) % 16
    if wpad:
        spk = jnp.concatenate([spk, jnp.zeros((wpad,), jnp.int32)])

    dist = distances.astype(jnp.float32)
    cut = cutoffs.astype(jnp.float32)
    send = senders.astype(jnp.int32)
    recv = receivers.astype(jnp.int32)
    zeros = jnp.zeros((N,), jnp.float32)

    mesh = plsc.VectorSubcoreMesh(core_axis_name="c", subcore_axis_name="s")
    fbuf = pltpu.VMEM((chunk,), jnp.float32)
    ibuf = pltpu.VMEM((chunk,), jnp.int32)
    sc_call = pl.kernel(
        functools.partial(_sc_body, nch, chunk, nsp, E),
        out_type=jax.ShapeDtypeStruct((_NC, N), jnp.float32),
        mesh=mesh,
        compiler_params=pltpu.CompilerParams(needs_layout_passes=False),
        scratch_types=[
            pltpu.VMEM((spk.shape[0],), jnp.int32),
            pltpu.VMEM((zz_tab.shape[0],), jnp.float32),
            pltpu.VMEM((zps_tab.shape[0],), jnp.float32),
            pltpu.VMEM((128,), jnp.float32),
            fbuf, fbuf, fbuf,
            fbuf, fbuf, fbuf,
            ibuf, ibuf, ibuf,
            ibuf, ibuf, ibuf,
            fbuf, fbuf, fbuf,
            pltpu.VMEM_SHARED((N,), jnp.float32),
            pltpu.SemaphoreType.DMA,
            pltpu.SemaphoreType.DMA,
            pltpu.SemaphoreType.DMA,
            pltpu.SemaphoreType.DMA,
            pltpu.SemaphoreType.DMA,
            pltpu.SemaphoreType.DMA,
        ],
    )
    partial = sc_call(dist, cut, send, recv, spk, zz_tab, zps_tab, par, zeros)

    out = pl.pallas_call(
        _combine_body,
        out_shape=jax.ShapeDtypeStruct((N,), jnp.float32),
    )(partial)
    return out

# --- scband reference (transcript-rebuilt; emitter-appended) ---
"""Pipeline reference for scband-zblrepulsion-5265629905688 (READ-ONLY COPY).

The authoritative reference and input builder live on the scoring server;
editing this copy changes nothing except your own understanding.
"""

import jax, jax.numpy as jnp
import numpy as np

KE = 14.399645351950548
A0 = 0.5291772105638411

def softplus_inverse(x):
    return x + jnp.log(-jnp.expm1(-x))

def setup_inputs(seed: int = 0) -> dict:
    key = jax.random.key(seed)
    k1, k2, k3, k4, k5 = jax.random.split(key, 5)
    N = 100000
    E = 6400000
    node_species = jax.random.randint(k1, (N,), 0, 100, dtype=jnp.int64)
    distances = jax.random.uniform(k2, (E,), dtype=jnp.float32)
    cutoffs = jax.random.uniform(k3, (E,), dtype=jnp.float32)
    senders = jax.random.randint(k4, (E,), 0, N, dtype=jnp.int64)
    receivers = jax.random.randint(k5, (E,), 0, N, dtype=jnp.int64)
    index_to_z = jnp.arange(1, 101, dtype=jnp.float32)
    a = softplus_inverse(jnp.array([3.2, 0.9423, 0.4028, 0.2016], dtype=jnp.float32))
    c = softplus_inverse(jnp.array([0.1818, 0.5099, 0.2802, 0.02817], dtype=jnp.float32))
    p = jnp.full((1,), softplus_inverse(jnp.float32(0.23)), dtype=jnp.float32)
    d = jnp.full((1,), softplus_inverse(jnp.float32(1.0 / (0.8854 * A0))), dtype=jnp.float32)
    return {"node_species": node_species, "distances": distances, "cutoffs": cutoffs,
            "senders": senders, "receivers": receivers, "index_to_z": index_to_z,
            "a": a, "c": c, "p": p, "d": d}

def reference(node_species, distances, cutoffs, senders, receivers, index_to_z, a, c, p, d):
    z = jnp.take(index_to_z, node_species, axis=0)
    z_i = jnp.take(z, receivers, axis=0)
    z_j = jnp.take(z, senders, axis=0)
    x = KE * cutoffs * z_i * z_j / (distances + 1e-08)
    p_s = jax.nn.softplus(p)
    rzd = distances * (jnp.power(z_i, p_s) + jnp.power(z_j, p_s)) * jax.nn.softplus(d)
    c_s = jax.nn.softplus(c)
    y = jnp.sum(c_s / jnp.sum(c_s) * jnp.exp(-jax.nn.softplus(a) * rzd[:, None]), axis=-1)
    scaled_d = distances / 1.5
    sigma_d = jnp.exp(-1.0 / jnp.where(scaled_d > 1e-08, scaled_d, 1e-08))
    sigma_1_d = jnp.exp(-1.0 / jnp.where(1 - scaled_d > 1e-08, 1 - scaled_d, 1e-08))
    w = sigma_1_d / (sigma_1_d + sigma_d)
    energy_rep = w * x * y / 2
    return jax.ops.segment_sum(energy_rep, receivers, num_segments=node_species.shape[0])

if __name__ == "__main__":
    import jax
    _d = setup_inputs()
    print(jax.jit(kernel)(*tuple(_d.values())))

</pallas_src>

<mosaic_0001>
#map = affine_map<(d0, d1) -> (0)>
#map1 = affine_map<(d0, d1) -> (0, 0)>
module attributes {stable_mosaic.version = 14 : i64} {
  func.func @_sc_body(%arg0: i32, %arg1: i32, %arg2: memref<6400000xf32, #tpu.memory_space<hbm>>, %arg3: memref<6400000xf32, #tpu.memory_space<hbm>>, %arg4: memref<6400000xi32, #tpu.memory_space<hbm>>, %arg5: memref<6400000xi32, #tpu.memory_space<hbm>>, %arg6: memref<25008xi32, #tpu.memory_space<hbm>>, %arg7: memref<10000xf32, #tpu.memory_space<hbm>>, %arg8: memref<10000xf32, #tpu.memory_space<hbm>>, %arg9: memref<128xf32, #tpu.memory_space<hbm>>, %arg10: memref<100000xf32, #tpu.memory_space<hbm>>, %arg11: memref<2x100000xf32, #tpu.memory_space<hbm>>, %arg12: memref<25008xi32, #tpu.memory_space<vmem>>, %arg13: memref<10000xf32, #tpu.memory_space<vmem>>, %arg14: memref<10000xf32, #tpu.memory_space<vmem>>, %arg15: memref<128xf32, #tpu.memory_space<vmem>>, %arg16: memref<4000xf32, #tpu.memory_space<vmem>>, %arg17: memref<4000xf32, #tpu.memory_space<vmem>>, %arg18: memref<4000xf32, #tpu.memory_space<vmem>>, %arg19: memref<4000xf32, #tpu.memory_space<vmem>>, %arg20: memref<4000xf32, #tpu.memory_space<vmem>>, %arg21: memref<4000xf32, #tpu.memory_space<vmem>>, %arg22: memref<4000xi32, #tpu.memory_space<vmem>>, %arg23: memref<4000xi32, #tpu.memory_space<vmem>>, %arg24: memref<4000xi32, #tpu.memory_space<vmem>>, %arg25: memref<4000xi32, #tpu.memory_space<vmem>>, %arg26: memref<4000xi32, #tpu.memory_space<vmem>>, %arg27: memref<4000xi32, #tpu.memory_space<vmem>>, %arg28: memref<4000xf32, #tpu.memory_space<vmem>>, %arg29: memref<4000xf32, #tpu.memory_space<vmem>>, %arg30: memref<4000xf32, #tpu.memory_space<vmem>>, %arg31: memref<100000xf32, #tpu.memory_space<vmem_shared>>, %arg32: memref<!tpu.dma_semaphore, #tpu.memory_space<semaphore_mem>>, %arg33: memref<!tpu.dma_semaphore, #tpu.memory_space<semaphore_mem>>, %arg34: memref<!tpu.dma_semaphore, #tpu.memory_space<semaphore_mem>>, %arg35: memref<!tpu.dma_semaphore, #tpu.memory_space<semaphore_mem>>, %arg36: memref<!tpu.dma_semaphore, #tpu.memory_space<semaphore_mem>>, %arg37: memref<!tpu.dma_semaphore, #tpu.memory_space<semaphore_mem>>) attributes {dimension_semantics = [#tpu.dimension_semantics<core_parallel>, #tpu.dimension_semantics<subcore_parallel>], iteration_bounds = array<i64: 2, 16>, scalar_prefetch = 0 : i64, scratch_operands = 26 : i64, tpu.core_type = #tpu.core_type<sc_vector_subcore>, window_params = [{transform_indices = #map}, {transform_indices = #map}, {transform_indices = #map}, {transform_indices = #map}, {transform_indices = #map}, {transform_indices = #map}, {transform_indices = #map}, {transform_indices = #map}, {transform_indices = #map}, {transform_indices = #map1}]} {
    %mul3A = arith.constant 16 : i32
    %mul3A_0 = arith.muli %arg0, %mul3A : i32
    %add3A = arith.addi %mul3A_0, %arg1 : i32
    "tpu.region"() ({
      %run_scoped3A = tpu.sem_alloc : memref<!tpu.dma_semaphore, #tpu.memory_space<semaphore_mem>>
      tpu.enqueue_dma source(%arg6 : memref<25008xi32, #tpu.memory_space<hbm>>) target(%arg12 : memref<25008xi32, #tpu.memory_space<vmem>>) target_semaphore(%run_scoped3A : memref<!tpu.dma_semaphore, #tpu.memory_space<semaphore_mem>>)
      tpu.wait_dma2 semaphore(%run_scoped3A : memref<!tpu.dma_semaphore, #tpu.memory_space<semaphore_mem>>) src(%arg6 : memref<25008xi32, #tpu.memory_space<hbm>>) dst(%arg12 : memref<25008xi32, #tpu.memory_space<vmem>>)
      tpu.yield
    }) : () -> ()
    "tpu.region"() ({
      %run_scoped3A = tpu.sem_alloc : memref<!tpu.dma_semaphore, #tpu.memory_space<semaphore_mem>>
      tpu.enqueue_dma source(%arg7 : memref<10000xf32, #tpu.memory_space<hbm>>) target(%arg13 : memref<10000xf32, #tpu.memory_space<vmem>>) target_semaphore(%run_scoped3A : memref<!tpu.dma_semaphore, #tpu.memory_space<semaphore_mem>>)
      tpu.wait_dma2 semaphore(%run_scoped3A : memref<!tpu.dma_semaphore, #tpu.memory_space<semaphore_mem>>) src(%arg7 : memref<10000xf32, #tpu.memory_space<hbm>>) dst(%arg13 : memref<10000xf32, #tpu.memory_space<vmem>>)
      tpu.yield
    }) : () -> ()
    "tpu.region"() ({
      %run_scoped3A = tpu.sem_alloc : memref<!tpu.dma_semaphore, #tpu.memory_space<semaphore_mem>>
      tpu.enqueue_dma source(%arg8 : memref<10000xf32, #tpu.memory_space<hbm>>) target(%arg14 : memref<10000xf32, #tpu.memory_space<vmem>>) target_semaphore(%run_scoped3A : memref<!tpu.dma_semaphore, #tpu.memory_space<semaphore_mem>>)
      tpu.wait_dma2 semaphore(%run_scoped3A : memref<!tpu.dma_semaphore, #tpu.memory_space<semaphore_mem>>) src(%arg8 : memref<10000xf32, #tpu.memory_space<hbm>>) dst(%arg14 : memref<10000xf32, #tpu.memory_space<vmem>>)
      tpu.yield
    }) : () -> ()
    "tpu.region"() ({
      %run_scoped3A = tpu.sem_alloc : memref<!tpu.dma_semaphore, #tpu.memory_space<semaphore_mem>>
      tpu.enqueue_dma source(%arg9 : memref<128xf32, #tpu.memory_space<hbm>>) target(%arg15 : memref<128xf32, #tpu.memory_space<vmem>>) target_semaphore(%run_scoped3A : memref<!tpu.dma_semaphore, #tpu.memory_space<semaphore_mem>>)
      tpu.wait_dma2 semaphore(%run_scoped3A : memref<!tpu.dma_semaphore, #tpu.memory_space<semaphore_mem>>) src(%arg9 : memref<128xf32, #tpu.memory_space<hbm>>) dst(%arg15 : memref<128xf32, #tpu.memory_space<vmem>>)
      tpu.yield
    }) : () -> ()
    %eq3A = arith.constant 0 : i32
    %eq3A_1 = arith.cmpi eq, %arg1, %eq3A : i32
    %convert_element_type3A = arith.extui %eq3A_1 : i1 to i32
    %cond3A = arith.constant 0 : i32
    %cond3A_2 = arith.cmpi ne, %convert_element_type3A, %cond3A : i32
    scf.if %cond3A_2 {
      "tpu.region"() ({
        %run_scoped3A = tpu.sem_alloc : memref<!tpu.dma_semaphore, #tpu.memory_space<semaphore_mem>>
        tpu.enqueue_dma source(%arg10 : memref<100000xf32, #tpu.memory_space<hbm>>) target(%arg31 : memref<100000xf32, #tpu.memory_space<vmem_shared>>) target_semaphore(%run_scoped3A : memref<!tpu.dma_semaphore, #tpu.memory_space<semaphore_mem>>)
        tpu.wait_dma2 semaphore(%run_scoped3A : memref<!tpu.dma_semaphore, #tpu.memory_space<semaphore_mem>>) src(%arg10 : memref<100000xf32, #tpu.memory_space<hbm>>) dst(%arg31 : memref<100000xf32, #tpu.memory_space<vmem_shared>>)
        tpu.yield
      }) : () -> ()
    } else {
    }
    %barrier3A = arith.constant 0 : index
    tpu.barrier barrier_id(%barrier3A)
    %broadcast_in_dim3A = arith.constant 0 : i32
    %broadcast_in_dim3A_3 = vector.broadcast %broadcast_in_dim3A : i32 to vector<16xi32>
    %gather3A = tpu.vector_load_idx %arg15[%broadcast_in_dim3A_3] : memref<128xf32, #tpu.memory_space<vmem>>[vector<16xi32>], vector<16xf32>,
    %broadcast_in_dim3A_4 = arith.constant 1 : i32
    %broadcast_in_dim3A_5 = vector.broadcast %broadcast_in_dim3A_4 : i32 to vector<16xi32>
    %gather3A_6 = tpu.vector_load_idx %arg15[%broadcast_in_dim3A_5] : memref<128xf32, #tpu.memory_space<vmem>>[vector<16xi32>], vector<16xf32>,
    %broadcast_in_dim3A_7 = arith.constant 2 : i32
    %broadcast_in_dim3A_8 = vector.broadcast %broadcast_in_dim3A_7 : i32 to vector<16xi32>
    %gather3A_9 = tpu.vector_load_idx %arg15[%broadcast_in_dim3A_8] : memref<128xf32, #tpu.memory_space<vmem>>[vector<16xi32>], vector<16xf32>,
    %broadcast_in_dim3A_10 = arith.constant 3 : i32
    %broadcast_in_dim3A_11 = vector.broadcast %broadcast_in_dim3A_10 : i32 to vector<16xi32>
    %gather3A_12 = tpu.vector_load_idx %arg15[%broadcast_in_dim3A_11] : memref<128xf32, #tpu.memory_space<vmem>>[vector<16xi32>], vector<16xf32>,
    %broadcast_in_dim3A_13 = arith.constant 4 : i32
    %broadcast_in_dim3A_14 = vector.broadcast %broadcast_in_dim3A_13 : i32 to vector<16xi32>
    %gather3A_15 = tpu.vector_load_idx %arg15[%broadcast_in_dim3A_14] : memref<128xf32, #tpu.memory_space<vmem>>[vector<16xi32>], vector<16xf32>,
    %broadcast_in_dim3A_16 = arith.constant 5 : i32
    %broadcast_in_dim3A_17 = vector.broadcast %broadcast_in_dim3A_16 : i32 to vector<16xi32>
    %gather3A_18 = tpu.vector_load_idx %arg15[%broadcast_in_dim3A_17] : memref<128xf32, #tpu.memory_space<vmem>>[vector<16xi32>], vector<16xf32>,
    %broadcast_in_dim3A_19 = arith.constant 6 : i32
    %broadcast_in_dim3A_20 = vector.broadcast %broadcast_in_dim3A_19 : i32 to vector<16xi32>
    %gather3A_21 = tpu.vector_load_idx %arg15[%broadcast_in_dim3A_20] : memref<128xf32, #tpu.memory_space<vmem>>[vector<16xi32>], vector<16xf32>,
    %broadcast_in_dim3A_22 = arith.constant 7 : i32
    %broadcast_in_dim3A_23 = vector.broadcast %broadcast_in_dim3A_22 : i32 to vector<16xi32>
    %gather3A_24 = tpu.vector_load_idx %arg15[%broadcast_in_dim3A_23] : memref<128xf32, #tpu.memory_space<vmem>>[vector<16xi32>], vector<16xf32>,
    %mul3A_25 = arith.constant 200000 : i32
    %mul3A_26 = arith.muli %add3A, %mul3A_25 : i32
    "tpu.region"() ({
      %run_scoped3A = tpu.sem_alloc : memref<!tpu.dma_semaphore, #tpu.memory_space<semaphore_mem>>
      %dma_start3A_136 = arith.constant 0 : i32
      %dma_start3A_137 = tpu.memref_slice %arg10[%dma_start3A_136] : memref<100000xf32, #tpu.memory_space<hbm>> -> memref<4000xf32, #tpu.memory_space<hbm>>
      %dma_start3A_138 = arith.constant 0 : i32
      %dma_start3A_139 = tpu.memref_slice %arg10[%dma_start3A_138] : memref<100000xf32, #tpu.memory_space<hbm>> -> memref<4000xf32, #tpu.memory_space<hbm>>
      tpu.enqueue_dma source(%dma_start3A_139 : memref<4000xf32, #tpu.memory_space<hbm>>) target(%arg29 : memref<4000xf32, #tpu.memory_space<vmem>>) target_semaphore(%run_scoped3A : memref<!tpu.dma_semaphore, #tpu.memory_space<semaphore_mem>>)
      %dma_wait3A_140 = arith.constant 0 : i32
      %dma_wait3A_141 = tpu.memref_slice %arg10[%dma_wait3A_140] : memref<100000xf32, #tpu.memory_space<hbm>> -> memref<4000xf32, #tpu.memory_space<hbm>>
      %dma_wait3A_142 = arith.constant 0 : i32
      %dma_wait3A_143 = tpu.memref_slice %arg10[%dma_wait3A_142] : memref<100000xf32, #tpu.memory_space<hbm>> -> memref<4000xf32, #tpu.memory_space<hbm>>
      tpu.wait_dma2 semaphore(%run_scoped3A : memref<!tpu.dma_semaphore, #tpu.memory_space<semaphore_mem>>) src(%dma_wait3A_143 : memref<4000xf32, #tpu.memory_space<hbm>>) dst(%arg29 : memref<4000xf32, #tpu.memory_space<vmem>>)
      tpu.yield
    }) : () -> ()
    "tpu.region"() ({
      %run_scoped3A = tpu.sem_alloc : memref<!tpu.dma_semaphore, #tpu.memory_space<semaphore_mem>>
      %dma_start3A_136 = arith.constant 0 : i32
      %dma_start3A_137 = tpu.memref_slice %arg5[%dma_start3A_136] : memref<6400000xi32, #tpu.memory_space<hbm>> -> memref<4000xi32, #tpu.memory_space<hbm>>
      %dma_start3A_138 = arith.constant 0 : i32
      %dma_start3A_139 = tpu.memref_slice %arg5[%dma_start3A_138] : memref<6400000xi32, #tpu.memory_space<hbm>> -> memref<4000xi32, #tpu.memory_space<hbm>>
      tpu.enqueue_dma source(%dma_start3A_139 : memref<4000xi32, #tpu.memory_space<hbm>>) target(%arg26 : memref<4000xi32, #tpu.memory_space<vmem>>) target_semaphore(%run_scoped3A : memref<!tpu.dma_semaphore, #tpu.memory_space<semaphore_mem>>)
      %dma_wait3A_140 = arith.constant 0 : i32
      %dma_wait3A_141 = tpu.memref_slice %arg5[%dma_wait3A_140] : memref<6400000xi32, #tpu.memory_space<hbm>> -> memref<4000xi32, #tpu.memory_space<hbm>>
      %dma_wait3A_142 = arith.constant 0 : i32
      %dma_wait3A_143 = tpu.memref_slice %arg5[%dma_wait3A_142] : memref<6400000xi32, #tpu.memory_space<hbm>> -> memref<4000xi32, #tpu.memory_space<hbm>>
      tpu.wait_dma2 semaphore(%run_scoped3A : memref<!tpu.dma_semaphore, #tpu.memory_space<semaphore_mem>>) src(%dma_wait3A_143 : memref<4000xi32, #tpu.memory_space<hbm>>) dst(%arg26 : memref<4000xi32, #tpu.memory_space<vmem>>)
      tpu.yield
    }) : () -> ()
    %dma_start3A = arith.constant 0 : i32
    %dma_start3A_27 = tpu.memref_slice %arg31[%dma_start3A] : memref<100000xf32, #tpu.memory_space<vmem_shared>> -> memref<100000xf32, #tpu.memory_space<vmem_shared>>
    tpu.enqueue_indirect_dma source(%arg29 : memref<4000xf32, #tpu.memory_space<vmem>>) target(%dma_start3A_27 : memref<100000xf32, #tpu.memory_space<vmem_shared>>) offsets(%arg26 : memref<4000xi32, #tpu.memory_space<vmem>>) semaphore(%arg36 : memref<!tpu.dma_semaphore, #tpu.memory_space<semaphore_mem>>) {add = true}
    "tpu.region"() ({
      %run_scoped3A = tpu.sem_alloc : memref<!tpu.dma_semaphore, #tpu.memory_space<semaphore_mem>>
      %dma_start3A_136 = arith.constant 0 : i32
      %dma_start3A_137 = tpu.memref_slice %arg10[%dma_start3A_136] : memref<100000xf32, #tpu.memory_space<hbm>> -> memref<4000xf32, #tpu.memory_space<hbm>>
      %dma_start3A_138 = arith.constant 0 : i32
      %dma_start3A_139 = tpu.memref_slice %arg10[%dma_start3A_138] : memref<100000xf32, #tpu.memory_space<hbm>> -> memref<4000xf32, #tpu.memory_space<hbm>>
      tpu.enqueue_dma source(%dma_start3A_139 : memref<4000xf32, #tpu.memory_space<hbm>>) target(%arg30 : memref<4000xf32, #tpu.memory_space<vmem>>) target_semaphore(%run_scoped3A : memref<!tpu.dma_semaphore, #tpu.memory_space<semaphore_mem>>)
      %dma_wait3A_140 = arith.constant 0 : i32
      %dma_wait3A_141 = tpu.memref_slice %arg10[%dma_wait3A_140] : memref<100000xf32, #tpu.memory_space<hbm>> -> memref<4000xf32, #tpu.memory_space<hbm>>
      %dma_wait3A_142 = arith.constant 0 : i32
      %dma_wait3A_143 = tpu.memref_slice %arg10[%dma_wait3A_142] : memref<100000xf32, #tpu.memory_space<hbm>> -> memref<4000xf32, #tpu.memory_space<hbm>>
      tpu.wait_dma2 semaphore(%run_scoped3A : memref<!tpu.dma_semaphore, #tpu.memory_space<semaphore_mem>>) src(%dma_wait3A_143 : memref<4000xf32, #tpu.memory_space<hbm>>) dst(%arg30 : memref<4000xf32, #tpu.memory_space<vmem>>)
      tpu.yield
    }) : () -> ()
    "tpu.region"() ({
      %run_scoped3A = tpu.sem_alloc : memref<!tpu.dma_semaphore, #tpu.memory_space<semaphore_mem>>
      %dma_start3A_136 = arith.constant 0 : i32
      %dma_start3A_137 = tpu.memref_slice %arg5[%dma_start3A_136] : memref<6400000xi32, #tpu.memory_space<hbm>> -> memref<4000xi32, #tpu.memory_space<hbm>>
      %dma_start3A_138 = arith.constant 0 : i32
      %dma_start3A_139 = tpu.memref_slice %arg5[%dma_start3A_138] : memref<6400000xi32, #tpu.memory_space<hbm>> -> memref<4000xi32, #tpu.memory_space<hbm>>
      tpu.enqueue_dma source(%dma_start3A_139 : memref<4000xi32, #tpu.memory_space<hbm>>) target(%arg27 : memref<4000xi32, #tpu.memory_space<vmem>>) target_semaphore(%run_scoped3A : memref<!tpu.dma_semaphore, #tpu.memory_space<semaphore_mem>>)
      %dma_wait3A_140 = arith.constant 0 : i32
      %dma_wait3A_141 = tpu.memref_slice %arg5[%dma_wait3A_140] : memref<6400000xi32, #tpu.memory_space<hbm>> -> memref<4000xi32, #tpu.memory_space<hbm>>
      %dma_wait3A_142 = arith.constant 0 : i32
      %dma_wait3A_143 = tpu.memref_slice %arg5[%dma_wait3A_142] : memref<6400000xi32, #tpu.memory_space<hbm>> -> memref<4000xi32, #tpu.memory_space<hbm>>
      tpu.wait_dma2 semaphore(%run_scoped3A : memref<!tpu.dma_semaphore, #tpu.memory_space<semaphore_mem>>) src(%dma_wait3A_143 : memref<4000xi32, #tpu.memory_space<hbm>>) dst(%arg27 : memref<4000xi32, #tpu.memory_space<vmem>>)
      tpu.yield
    }) : () -> ()
    %dma_start3A_28 = arith.constant 0 : i32
    %dma_start3A_29 = tpu.memref_slice %arg31[%dma_start3A_28] : memref<100000xf32, #tpu.memory_space<vmem_shared>> -> memref<100000xf32, #tpu.memory_space<vmem_shared>>
    tpu.enqueue_indirect_dma source(%arg30 : memref<4000xf32, #tpu.memory_space<vmem>>) target(%dma_start3A_29 : memref<100000xf32, #tpu.memory_space<vmem_shared>>) offsets(%arg27 : memref<4000xi32, #tpu.memory_space<vmem>>) semaphore(%arg37 : memref<!tpu.dma_semaphore, #tpu.memory_space<semaphore_mem>>) {add = true}
    %dma_start3A_30 = tpu.memref_slice %arg2[%mul3A_26] : memref<6400000xf32, #tpu.memory_space<hbm>> -> memref<4000xf32, #tpu.memory_space<hbm>>
    %dma_start3A_31 = tpu.memref_slice %arg2[%mul3A_26] : memref<6400000xf32, #tpu.memory_space<hbm>> -> memref<4000xf32, #tpu.memory_space<hbm>>
    tpu.enqueue_dma source(%dma_start3A_31 : memref<4000xf32, #tpu.memory_space<hbm>>) target(%arg16 : memref<4000xf32, #tpu.memory_space<vmem>>) target_semaphore(%arg32 : memref<!tpu.dma_semaphore, #tpu.memory_space<semaphore_mem>>)
    %dma_start3A_32 = tpu.memref_slice %arg3[%mul3A_26] : memref<6400000xf32, #tpu.memory_space<hbm>> -> memref<4000xf32, #tpu.memory_space<hbm>>
    %dma_start3A_33 = tpu.memref_slice %arg3[%mul3A_26] : memref<6400000xf32, #tpu.memory_space<hbm>> -> memref<4000xf32, #tpu.memory_space<hbm>>
    tpu.enqueue_dma source(%dma_start3A_33 : memref<4000xf32, #tpu.memory_space<hbm>>) target(%arg19 : memref<4000xf32, #tpu.memory_space<vmem>>) target_semaphore(%arg32 : memref<!tpu.dma_semaphore, #tpu.memory_space<semaphore_mem>>)
    %dma_start3A_34 = tpu.memref_slice %arg4[%mul3A_26] : memref<6400000xi32, #tpu.memory_space<hbm>> -> memref<4000xi32, #tpu.memory_space<hbm>>
    %dma_start3A_35 = tpu.memref_slice %arg4[%mul3A_26] : memref<6400000xi32, #tpu.memory_space<hbm>> -> memref<4000xi32, #tpu.memory_space<hbm>>
    tpu.enqueue_dma source(%dma_start3A_35 : memref<4000xi32, #tpu.memory_space<hbm>>) target(%arg22 : memref<4000xi32, #tpu.memory_space<vmem>>) target_semaphore(%arg32 : memref<!tpu.dma_semaphore, #tpu.memory_space<semaphore_mem>>)
    %dma_start3A_36 = tpu.memref_slice %arg5[%mul3A_26] : memref<6400000xi32, #tpu.memory_space<hbm>> -> memref<4000xi32, #tpu.memory_space<hbm>>
    %dma_start3A_37 = tpu.memref_slice %arg5[%mul3A_26] : memref<6400000xi32, #tpu.memory_space<hbm>> -> memref<4000xi32, #tpu.memory_space<hbm>>
    tpu.enqueue_dma source(%dma_start3A_37 : memref<4000xi32, #tpu.memory_space<hbm>>) target(%arg25 : memref<4000xi32, #tpu.memory_space<vmem>>) target_semaphore(%arg32 : memref<!tpu.dma_semaphore, #tpu.memory_space<semaphore_mem>>)
    %scan3A = arith.constant 0 : i32
    %scan3A_38 = arith.constant 0 : i32
    %scan3A_39 = arith.constant 16 : i32
    %scan3A_40 = arith.addi %scan3A_38, %scan3A_39 : i32
    %scan3A_41 = arith.constant 1 : i32
    scf.for %scan3A_136 = %scan3A_38 to %scan3A_40 step %scan3A_41  : i32 {
      %mul3A_137 = arith.constant 3 : i32
      %mul3A_138 = arith.muli %mul3A_137, %scan3A_136 : i32
      %dma_wait3A_139 = arith.constant 0 : i32
      %dma_wait3A_140 = tpu.memref_slice %arg2[%dma_wait3A_139] : memref<6400000xf32, #tpu.memory_space<hbm>> -> memref<4000xf32, #tpu.memory_space<hbm>>
      %dma_wait3A_141 = arith.constant 0 : i32
      %dma_wait3A_142 = tpu.memref_slice %arg2[%dma_wait3A_141] : memref<6400000xf32, #tpu.memory_space<hbm>> -> memref<4000xf32, #tpu.memory_space<hbm>>
      tpu.wait_dma2 semaphore(%arg32 : memref<!tpu.dma_semaphore, #tpu.memory_space<semaphore_mem>>) src(%dma_wait3A_142 : memref<4000xf32, #tpu.memory_space<hbm>>) dst(%arg16 : memref<4000xf32, #tpu.memory_space<vmem>>)
      %dma_wait3A_143 = arith.constant 0 : i32
      %dma_wait3A_144 = tpu.memref_slice %arg3[%dma_wait3A_143] : memref<6400000xf32, #tpu.memory_space<hbm>> -> memref<4000xf32, #tpu.memory_space<hbm>>
      %dma_wait3A_145 = arith.constant 0 : i32
      %dma_wait3A_146 = tpu.memref_slice %arg3[%dma_wait3A_145] : memref<6400000xf32, #tpu.memory_space<hbm>> -> memref<4000xf32, #tpu.memory_space<hbm>>
      tpu.wait_dma2 semaphore(%arg32 : memref<!tpu.dma_semaphore, #tpu.memory_space<semaphore_mem>>) src(%dma_wait3A_146 : memref<4000xf32, #tpu.memory_space<hbm>>) dst(%arg19 : memref<4000xf32, #tpu.memory_space<vmem>>)
      %dma_wait3A_147 = arith.constant 0 : i32
      %dma_wait3A_148 = tpu.memref_slice %arg4[%dma_wait3A_147] : memref<6400000xi32, #tpu.memory_space<hbm>> -> memref<4000xi32, #tpu.memory_space<hbm>>
      %dma_wait3A_149 = arith.constant 0 : i32
      %dma_wait3A_150 = tpu.memref_slice %arg4[%dma_wait3A_149] : memref<6400000xi32, #tpu.memory_space<hbm>> -> memref<4000xi32, #tpu.memory_space<hbm>>
      tpu.wait_dma2 semaphore(%arg32 : memref<!tpu.dma_semaphore, #tpu.memory_space<semaphore_mem>>) src(%dma_wait3A_150 : memref<4000xi32, #tpu.memory_space<hbm>>) dst(%arg22 : memref<4000xi32, #tpu.memory_space<vmem>>)
      %dma_wait3A_151 = arith.constant 0 : i32
      %dma_wait3A_152 = tpu.memref_slice %arg5[%dma_wait3A_151] : memref<6400000xi32, #tpu.memory_space<hbm>> -> memref<4000xi32, #tpu.memory_space<hbm>>
      %dma_wait3A_153 = arith.constant 0 : i32
      %dma_wait3A_154 = tpu.memref_slice %arg5[%dma_wait3A_153] : memref<6400000xi32, #tpu.memory_space<hbm>> -> memref<4000xi32, #tpu.memory_space<hbm>>
      tpu.wait_dma2 semaphore(%arg32 : memref<!tpu.dma_semaphore, #tpu.memory_space<semaphore_mem>>) src(%dma_wait3A_154 : memref<4000xi32, #tpu.memory_space<hbm>>) dst(%arg25 : memref<4000xi32, #tpu.memory_space<vmem>>)
      %dma_wait3A_155 = arith.constant 0 : i32
      %dma_wait3A_156 = tpu.memref_slice %arg31[%dma_wait3A_155] : memref<100000xf32, #tpu.memory_space<vmem_shared>> -> memref<100000xf32, #tpu.memory_space<vmem_shared>>
      tpu.wait_indirect_dma semaphore(%arg36 : memref<!tpu.dma_semaphore, #tpu.memory_space<semaphore_mem>>) src(%arg29 : memref<4000xf32, #tpu.memory_space<vmem>>) dst(%dma_wait3A_156 : memref<100000xf32, #tpu.memory_space<vmem_shared>>)
      %add3A_157 = arith.constant 1 : i32
      %add3A_158 = arith.addi %mul3A_138, %add3A_157 : i32
      %mul3A_159 = arith.constant 4000 : i32
      %mul3A_160 = arith.muli %add3A_158, %mul3A_159 : i32
      %add3A_161 = arith.addi %mul3A_26, %mul3A_160 : i32
      %min3A_162 = arith.constant 6396000 : i32
      %min3A_163 = arith.minsi %add3A_161, %min3A_162 : i32
      %dma_start3A_164 = tpu.memref_slice %arg2[%min3A_163] : memref<6400000xf32, #tpu.memory_space<hbm>> -> memref<4000xf32, #tpu.memory_space<hbm>>
      %dma_start3A_165 = tpu.memref_slice %arg2[%min3A_163] : memref<6400000xf32, #tpu.memory_space<hbm>> -> memref<4000xf32, #tpu.memory_space<hbm>>
      tpu.enqueue_dma source(%dma_start3A_165 : memref<4000xf32, #tpu.memory_space<hbm>>) target(%arg17 : memref<4000xf32, #tpu.memory_space<vmem>>) target_semaphore(%arg33 : memref<!tpu.dma_semaphore, #tpu.memory_space<semaphore_mem>>)
      %dma_start3A_166 = tpu.memref_slice %arg3[%min3A_163] : memref<6400000xf32, #tpu.memory_space<hbm>> -> memref<4000xf32, #tpu.memory_space<hbm>>
      %dma_start3A_167 = tpu.memref_slice %arg3[%min3A_163] : memref<6400000xf32, #tpu.memory_space<hbm>> -> memref<4000xf32, #tpu.memory_space<hbm>>
      tpu.enqueue_dma source(%dma_start3A_167 : memref<4000xf32, #tpu.memory_space<hbm>>) target(%arg20 : memref<4000xf32, #tpu.memory_space<vmem>>) target_semaphore(%arg33 : memref<!tpu.dma_semaphore, #tpu.memory_space<semaphore_mem>>)
      %dma_start3A_168 = tpu.memref_slice %arg4[%min3A_163] : memref<6400000xi32, #tpu.memory_space<hbm>> -> memref<4000xi32, #tpu.memory_space<hbm>>
      %dma_start3A_169 = tpu.memref_slice %arg4[%min3A_163] : memref<6400000xi32, #tpu.memory_space<hbm>> -> memref<4000xi32, #tpu.memory_space<hbm>>
      tpu.enqueue_dma source(%dma_start3A_169 : memref<4000xi32, #tpu.memory_space<hbm>>) target(%arg23 : memref<4000xi32, #tpu.memory_space<vmem>>) target_semaphore(%arg33 : memref<!tpu.dma_semaphore, #tpu.memory_space<semaphore_mem>>)
      %dma_start3A_170 = tpu.memref_slice %arg5[%min3A_163] : memref<6400000xi32, #tpu.memory_space<hbm>> -> memref<4000xi32, #tpu.memory_space<hbm>>
      %dma_start3A_171 = tpu.memref_slice %arg5[%min3A_163] : memref<6400000xi32, #tpu.memory_space<hbm>> -> memref<4000xi32, #tpu.memory_space<hbm>>
      tpu.enqueue_dma source(%dma_start3A_171 : memref<4000xi32, #tpu.memory_space<hbm>>) target(%arg26 : memref<4000xi32, #tpu.memory_space<vmem>>) target_semaphore(%arg33 : memref<!tpu.dma_semaphore, #tpu.memory_space<semaphore_mem>>)
      %parallel_loop3A_172 = arith.constant 0 : i32
      %parallel_loop3A_173 = arith.constant 4000 : i32
      %parallel_loop3A_174 = arith.constant 16 : i32
      scf.for %parallel_loop3A_257 = %parallel_loop3A_172 to %parallel_loop3A_173 step %parallel_loop3A_174  : i32 {
        %parallel_loop3A_258 = arith.index_cast %parallel_loop3A_257 : i32 to index
        %parallel_loop3A_259 = tpu.vector_load %arg25[%parallel_loop3A_258] {strides = array<i32>} : memref<4000xi32, #tpu.memory_space<vmem>>, vector<16xi32>,
        %parallel_loop3A_260 = arith.index_cast %parallel_loop3A_257 : i32 to index
        %parallel_loop3A_261 = tpu.vector_load %arg22[%parallel_loop3A_260] {strides = array<i32>} : memref<4000xi32, #tpu.memory_space<vmem>>, vector<16xi32>,
        %parallel_loop3A_262 = arith.index_cast %parallel_loop3A_257 : i32 to index
        %parallel_loop3A_263 = tpu.vector_load %arg16[%parallel_loop3A_262] {strides = array<i32>} : memref<4000xf32, #tpu.memory_space<vmem>>, vector<16xf32>,
        %parallel_loop3A_264 = arith.index_cast %parallel_loop3A_257 : i32 to index
        %parallel_loop3A_265 = tpu.vector_load %arg19[%parallel_loop3A_264] {strides = array<i32>} : memref<4000xf32, #tpu.memory_space<vmem>>, vector<16xf32>,
        %parallel_loop3A_266 = arith.constant 2 : i32
        %parallel_loop3A_267 = vector.broadcast %parallel_loop3A_266 : i32 to vector<16xi32>
        %parallel_loop3A_268 = arith.shrui %parallel_loop3A_259, %parallel_loop3A_267 : vector<16xi32>
        %parallel_loop3A_269 = tpu.vector_load_idx %arg12[%parallel_loop3A_268] : memref<25008xi32, #tpu.memory_space<vmem>>[vector<16xi32>], vector<16xi32>,
        %parallel_loop3A_270 = arith.constant 3 : i32
        %parallel_loop3A_271 = vector.broadcast %parallel_loop3A_270 : i32 to vector<16xi32>
        %parallel_loop3A_272 = arith.andi %parallel_loop3A_259, %parallel_loop3A_271 : vector<16xi32>
        %parallel_loop3A_273 = arith.constant 3 : i32
        %parallel_loop3A_274 = vector.broadcast %parallel_loop3A_273 : i32 to vector<16xi32>
        %parallel_loop3A_275 = arith.shli %parallel_loop3A_272, %parallel_loop3A_274 : vector<16xi32>
        %parallel_loop3A_276 = arith.shrui %parallel_loop3A_269, %parallel_loop3A_275 : vector<16xi32>
        %parallel_loop3A_277 = arith.constant 255 : i32
        %parallel_loop3A_278 = vector.broadcast %parallel_loop3A_277 : i32 to vector<16xi32>
        %parallel_loop3A_279 = arith.andi %parallel_loop3A_276, %parallel_loop3A_278 : vector<16xi32>
        %parallel_loop3A_280 = arith.constant 2 : i32
        %parallel_loop3A_281 = vector.broadcast %parallel_loop3A_280 : i32 to vector<16xi32>
        %parallel_loop3A_282 = arith.shrui %parallel_loop3A_261, %parallel_loop3A_281 : vector<16xi32>
        %parallel_loop3A_283 = tpu.vector_load_idx %arg12[%parallel_loop3A_282] : memref<25008xi32, #tpu.memory_space<vmem>>[vector<16xi32>], vector<16xi32>,
        %parallel_loop3A_284 = arith.constant 3 : i32
        %parallel_loop3A_285 = vector.broadcast %parallel_loop3A_284 : i32 to vector<16xi32>
        %parallel_loop3A_286 = arith.andi %parallel_loop3A_261, %parallel_loop3A_285 : vector<16xi32>
        %parallel_loop3A_287 = arith.constant 3 : i32
        %parallel_loop3A_288 = vector.broadcast %parallel_loop3A_287 : i32 to vector<16xi32>
        %parallel_loop3A_289 = arith.shli %parallel_loop3A_286, %parallel_loop3A_288 : vector<16xi32>
        %parallel_loop3A_290 = arith.shrui %parallel_loop3A_283, %parallel_loop3A_289 : vector<16xi32>
        %parallel_loop3A_291 = arith.constant 255 : i32
        %parallel_loop3A_292 = vector.broadcast %parallel_loop3A_291 : i32 to vector<16xi32>
        %parallel_loop3A_293 = arith.andi %parallel_loop3A_290, %parallel_loop3A_292 : vector<16xi32>
        %parallel_loop3A_294 = arith.constant 100 : i32
        %parallel_loop3A_295 = vector.broadcast %parallel_loop3A_294 : i32 to vector<16xi32>
        %parallel_loop3A_296 = arith.muli %parallel_loop3A_279, %parallel_loop3A_295 : vector<16xi32>
        %parallel_loop3A_297 = arith.addi %parallel_loop3A_296, %parallel_loop3A_293 : vector<16xi32>
        %parallel_loop3A_298 = tpu.vector_load_idx %arg13[%parallel_loop3A_297] : memref<10000xf32, #tpu.memory_space<vmem>>[vector<16xi32>], vector<16xf32>,
        %parallel_loop3A_299 = tpu.vector_load_idx %arg14[%parallel_loop3A_297] : memref<10000xf32, #tpu.memory_space<vmem>>[vector<16xi32>], vector<16xf32>,
        %parallel_loop3A_300 = arith.mulf %parallel_loop3A_265, %parallel_loop3A_298 : vector<16xf32>
        %parallel_loop3A_301 = arith.constant 9.99999993E-9 : f32
        %parallel_loop3A_302 = vector.broadcast %parallel_loop3A_301 : f32 to vector<16xf32>
        %parallel_loop3A_303 = arith.addf %parallel_loop3A_263, %parallel_loop3A_302 : vector<16xf32>
        %parallel_loop3A_304 = arith.divf %parallel_loop3A_300, %parallel_loop3A_303 : vector<16xf32>
        %parallel_loop3A_305 = arith.mulf %parallel_loop3A_263, %parallel_loop3A_299 : vector<16xf32>
        %parallel_loop3A_306 = arith.mulf %gather3A, %parallel_loop3A_305 : vector<16xf32>
        %parallel_loop3A_307 = math.exp %parallel_loop3A_306 : vector<16xf32>
        %parallel_loop3A_308 = arith.mulf %gather3A_15, %parallel_loop3A_307 : vector<16xf32>
        %parallel_loop3A_309 = arith.mulf %gather3A_6, %parallel_loop3A_305 : vector<16xf32>
        %parallel_loop3A_310 = math.exp %parallel_loop3A_309 : vector<16xf32>
        %parallel_loop3A_311 = arith.mulf %gather3A_18, %parallel_loop3A_310 : vector<16xf32>
        %parallel_loop3A_312 = arith.addf %parallel_loop3A_308, %parallel_loop3A_311 : vector<16xf32>
        %parallel_loop3A_313 = arith.mulf %gather3A_9, %parallel_loop3A_305 : vector<16xf32>
        %parallel_loop3A_314 = math.exp %parallel_loop3A_313 : vector<16xf32>
        %parallel_loop3A_315 = arith.mulf %gather3A_21, %parallel_loop3A_314 : vector<16xf32>
        %parallel_loop3A_316 = arith.addf %parallel_loop3A_312, %parallel_loop3A_315 : vector<16xf32>
        %parallel_loop3A_317 = arith.mulf %gather3A_12, %parallel_loop3A_305 : vector<16xf32>
        %parallel_loop3A_318 = math.exp %parallel_loop3A_317 : vector<16xf32>
        %parallel_loop3A_319 = arith.mulf %gather3A_24, %parallel_loop3A_318 : vector<16xf32>
        %parallel_loop3A_320 = arith.addf %parallel_loop3A_316, %parallel_loop3A_319 : vector<16xf32>
        %parallel_loop3A_321 = arith.constant 0.666666686 : f32
        %parallel_loop3A_322 = vector.broadcast %parallel_loop3A_321 : f32 to vector<16xf32>
        %parallel_loop3A_323 = arith.mulf %parallel_loop3A_263, %parallel_loop3A_322 : vector<16xf32>
        %parallel_loop3A_324 = arith.constant 1.000000e+00 : f32
        %parallel_loop3A_325 = vector.broadcast %parallel_loop3A_324 : f32 to vector<16xf32>
        %parallel_loop3A_326 = arith.subf %parallel_loop3A_325, %parallel_loop3A_323 : vector<16xf32>
        %parallel_loop3A_327 = arith.constant 1.000000e+00 : f32
        %parallel_loop3A_328 = vector.broadcast %parallel_loop3A_327 : f32 to vector<16xf32>
        %parallel_loop3A_329 = arith.divf %parallel_loop3A_328, %parallel_loop3A_326 : vector<16xf32>
        %parallel_loop3A_330 = arith.constant 9.99999993E-9 : f32
        %parallel_loop3A_331 = vector.broadcast %parallel_loop3A_330 : f32 to vector<16xf32>
        %parallel_loop3A_332 = arith.maximumf %parallel_loop3A_323, %parallel_loop3A_331 : vector<16xf32>
        %parallel_loop3A_333 = arith.constant 1.000000e+00 : f32
        %parallel_loop3A_334 = vector.broadcast %parallel_loop3A_333 : f32 to vector<16xf32>
        %parallel_loop3A_335 = arith.divf %parallel_loop3A_334, %parallel_loop3A_332 : vector<16xf32>
        %parallel_loop3A_336 = arith.subf %parallel_loop3A_329, %parallel_loop3A_335 : vector<16xf32>
        %parallel_loop3A_337 = math.exp %parallel_loop3A_336 : vector<16xf32>
        %parallel_loop3A_338 = arith.constant 1.000000e+00 : f32
        %parallel_loop3A_339 = vector.broadcast %parallel_loop3A_338 : f32 to vector<16xf32>
        %parallel_loop3A_340 = arith.addf %parallel_loop3A_339, %parallel_loop3A_337 : vector<16xf32>
        %parallel_loop3A_341 = arith.constant 1.000000e+00 : f32
        %parallel_loop3A_342 = vector.broadcast %parallel_loop3A_341 : f32 to vector<16xf32>
        %parallel_loop3A_343 = arith.divf %parallel_loop3A_342, %parallel_loop3A_340 : vector<16xf32>
        %parallel_loop3A_344 = arith.mulf %parallel_loop3A_343, %parallel_loop3A_304 : vector<16xf32>
        %parallel_loop3A_345 = arith.mulf %parallel_loop3A_344, %parallel_loop3A_320 : vector<16xf32>
        %parallel_loop3A_346 = arith.index_cast %parallel_loop3A_257 : i32 to index
        %parallel_loop3A_347 = tpu.vector_load %arg28[%parallel_loop3A_346] {strides = array<i32>} : memref<4000xf32, #tpu.memory_space<vmem>>, vector<16xf32>,
        tpu.vector_store %arg28[%parallel_loop3A_346], %parallel_loop3A_345 {strides = array<i32>} : memref<4000xf32, #tpu.memory_space<vmem>>, vector<16xf32>,
      } {sc.loop_unroll_factor = 2 : i64, sc.parallel_access}
      %dma_start3A_175 = arith.constant 0 : i32
      %dma_start3A_176 = tpu.memref_slice %arg31[%dma_start3A_175] : memref<100000xf32, #tpu.memory_space<vmem_shared>> -> memref<100000xf32, #tpu.memory_space<vmem_shared>>
      tpu.enqueue_indirect_dma source(%arg28 : memref<4000xf32, #tpu.memory_space<vmem>>) target(%dma_start3A_176 : memref<100000xf32, #tpu.memory_space<vmem_shared>>) offsets(%arg25 : memref<4000xi32, #tpu.memory_space<vmem>>) semaphore(%arg35 : memref<!tpu.dma_semaphore, #tpu.memory_space<semaphore_mem>>) {add = true}
      %add3A_177 = arith.constant 1 : i32
      %add3A_178 = arith.addi %mul3A_138, %add3A_177 : i32
      %dma_wait3A_179 = arith.constant 0 : i32
      %dma_wait3A_180 = tpu.memref_slice %arg2[%dma_wait3A_179] : memref<6400000xf32, #tpu.memory_space<hbm>> -> memref<4000xf32, #tpu.memory_space<hbm>>
      %dma_wait3A_181 = arith.constant 0 : i32
      %dma_wait3A_182 = tpu.memref_slice %arg2[%dma_wait3A_181] : memref<6400000xf32, #tpu.memory_space<hbm>> -> memref<4000xf32, #tpu.memory_space<hbm>>
      tpu.wait_dma2 semaphore(%arg33 : memref<!tpu.dma_semaphore, #tpu.memory_space<semaphore_mem>>) src(%dma_wait3A_182 : memref<4000xf32, #tpu.memory_space<hbm>>) dst(%arg17 : memref<4000xf32, #tpu.memory_space<vmem>>)
      %dma_wait3A_183 = arith.constant 0 : i32
      %dma_wait3A_184 = tpu.memref_slice %arg3[%dma_wait3A_183] : memref<6400000xf32, #tpu.memory_space<hbm>> -> memref<4000xf32, #tpu.memory_space<hbm>>
      %dma_wait3A_185 = arith.constant 0 : i32
      %dma_wait3A_186 = tpu.memref_slice %arg3[%dma_wait3A_185] : memref<6400000xf32, #tpu.memory_space<hbm>> -> memref<4000xf32, #tpu.memory_space<hbm>>
      tpu.wait_dma2 semaphore(%arg33 : memref<!tpu.dma_semaphore, #tpu.memory_space<semaphore_mem>>) src(%dma_wait3A_186 : memref<4000xf32, #tpu.memory_space<hbm>>) dst(%arg20 : memref<4000xf32, #tpu.memory_space<vmem>>)
      %dma_wait3A_187 = arith.constant 0 : i32
      %dma_wait3A_188 = tpu.memref_slice %arg4[%dma_wait3A_187] : memref<6400000xi32, #tpu.memory_space<hbm>> -> memref<4000xi32, #tpu.memory_space<hbm>>
      %dma_wait3A_189 = arith.constant 0 : i32
      %dma_wait3A_190 = tpu.memref_slice %arg4[%dma_wait3A_189] : memref<6400000xi32, #tpu.memory_space<hbm>> -> memref<4000xi32, #tpu.memory_space<hbm>>
      tpu.wait_dma2 semaphore(%arg33 : memref<!tpu.dma_semaphore, #tpu.memory_space<semaphore_mem>>) src(%dma_wait3A_190 : memref<4000xi32, #tpu.memory_space<hbm>>) dst(%arg23 : memref<4000xi32, #tpu.memory_space<vmem>>)
      %dma_wait3A_191 = arith.constant 0 : i32
      %dma_wait3A_192 = tpu.memref_slice %arg5[%dma_wait3A_191] : memref<6400000xi32, #tpu.memory_space<hbm>> -> memref<4000xi32, #tpu.memory_space<hbm>>
      %dma_wait3A_193 = arith.constant 0 : i32
      %dma_wait3A_194 = tpu.memref_slice %arg5[%dma_wait3A_193] : memref<6400000xi32, #tpu.memory_space<hbm>> -> memref<4000xi32, #tpu.memory_space<hbm>>
      tpu.wait_dma2 semaphore(%arg33 : memref<!tpu.dma_semaphore, #tpu.memory_space<semaphore_mem>>) src(%dma_wait3A_194 : memref<4000xi32, #tpu.memory_space<hbm>>) dst(%arg26 : memref<4000xi32, #tpu.memory_space<vmem>>)
      %dma_wait3A_195 = arith.constant 0 : i32
      %dma_wait3A_196 = tpu.memref_slice %arg31[%dma_wait3A_195] : memref<100000xf32, #tpu.memory_space<vmem_shared>> -> memref<100000xf32, #tpu.memory_space<vmem_shared>>
      tpu.wait_indirect_dma semaphore(%arg37 : memref<!tpu.dma_semaphore, #tpu.memory_space<semaphore_mem>>) src(%arg30 : memref<4000xf32, #tpu.memory_space<vmem>>) dst(%dma_wait3A_196 : memref<100000xf32, #tpu.memory_space<vmem_shared>>)
      %add3A_197 = arith.constant 1 : i32
      %add3A_198 = arith.addi %add3A_178, %add3A_197 : i32
      %mul3A_199 = arith.constant 4000 : i32
      %mul3A_200 = arith.muli %add3A_198, %mul3A_199 : i32
      %add3A_201 = arith.addi %mul3A_26, %mul3A_200 : i32
      %min3A_202 = arith.constant 6396000 : i32
      %min3A_203 = arith.minsi %add3A_201, %min3A_202 : i32
      %dma_start3A_204 = tpu.memref_slice %arg2[%min3A_203] : memref<6400000xf32, #tpu.memory_space<hbm>> -> memref<4000xf32, #tpu.memory_space<hbm>>
      %dma_start3A_205 = tpu.memref_slice %arg2[%min3A_203] : memref<6400000xf32, #tpu.memory_space<hbm>> -> memref<4000xf32, #tpu.memory_space<hbm>>
      tpu.enqueue_dma source(%dma_start3A_205 : memref<4000xf32, #tpu.memory_space<hbm>>) target(%arg18 : memref<4000xf32, #tpu.memory_space<vmem>>) target_semaphore(%arg34 : memref<!tpu.dma_semaphore, #tpu.memory_space<semaphore_mem>>)
      %dma_start3A_206 = tpu.memref_slice %arg3[%min3A_203] : memref<6400000xf32, #tpu.memory_space<hbm>> -> memref<4000xf32, #tpu.memory_space<hbm>>
      %dma_start3A_207 = tpu.memref_slice %arg3[%min3A_203] : memref<6400000xf32, #tpu.memory_space<hbm>> -> memref<4000xf32, #tpu.memory_space<hbm>>
      tpu.enqueue_dma source(%dma_start3A_207 : memref<4000xf32, #tpu.memory_space<hbm>>) target(%arg21 : memref<4000xf32, #tpu.memory_space<vmem>>) target_semaphore(%arg34 : memref<!tpu.dma_semaphore, #tpu.memory_space<semaphore_mem>>)
      %dma_start3A_208 = tpu.memref_slice %arg4[%min3A_203] : memref<6400000xi32, #tpu.memory_space<hbm>> -> memref<4000xi32, #tpu.memory_space<hbm>>
      %dma_start3A_209 = tpu.memref_slice %arg4[%min3A_203] : memref<6400000xi32, #tpu.memory_space<hbm>> -> memref<4000xi32, #tpu.memory_space<hbm>>
      tpu.enqueue_dma source(%dma_start3A_209 : memref<4000xi32, #tpu.memory_space<hbm>>) target(%arg24 : memref<4000xi32, #tpu.memory_space<vmem>>) target_semaphore(%arg34 : memref<!tpu.dma_semaphore, #tpu.memory_space<semaphore_mem>>)
      %dma_start3A_210 = tpu.memref_slice %arg5[%min3A_203] : memref<6400000xi32, #tpu.memory_space<hbm>> -> memref<4000xi32, #tpu.memory_space<hbm>>
      %dma_start3A_211 = tpu.memref_slice %arg5[%min3A_203] : memref<6400000xi32, #tpu.memory_space<hbm>> -> memref<4000xi32, #tpu.memory_space<hbm>>
      tpu.enqueue_dma source(%dma_start3A_211 : memref<4000xi32, #tpu.memory_space<hbm>>) target(%arg27 : memref<4000xi32, #tpu.memory_space<vmem>>) target_semaphore(%arg34 : memref<!tpu.dma_semaphore, #tpu.memory_space<semaphore_mem>>)
      %parallel_loop3A_212 = arith.constant 0 : i32
      %parallel_loop3A_213 = arith.constant 4000 : i32
      %parallel_loop3A_214 = arith.constant 16 : i32
      scf.for %parallel_loop3A_257 = %parallel_loop3A_212 to %parallel_loop3A_213 step %parallel_loop3A_214  : i32 {
        %parallel_loop3A_258 = arith.index_cast %parallel_loop3A_257 : i32 to index
        %parallel_loop3A_259 = tpu.vector_load %arg26[%parallel_loop3A_258] {strides = array<i32>} : memref<4000xi32, #tpu.memory_space<vmem>>, vector<16xi32>,
        %parallel_loop3A_260 = arith.index_cast %parallel_loop3A_257 : i32 to index
        %parallel_loop3A_261 = tpu.vector_load %arg23[%parallel_loop3A_260] {strides = array<i32>} : memref<4000xi32, #tpu.memory_space<vmem>>, vector<16xi32>,
        %parallel_loop3A_262 = arith.index_cast %parallel_loop3A_257 : i32 to index
        %parallel_loop3A_263 = tpu.vector_load %arg17[%parallel_loop3A_262] {strides = array<i32>} : memref<4000xf32, #tpu.memory_space<vmem>>, vector<16xf32>,
        %parallel_loop3A_264 = arith.index_cast %parallel_loop3A_257 : i32 to index
        %parallel_loop3A_265 = tpu.vector_load %arg20[%parallel_loop3A_264] {strides = array<i32>} : memref<4000xf32, #tpu.memory_space<vmem>>, vector<16xf32>,
        %parallel_loop3A_266 = arith.constant 2 : i32
        %parallel_loop3A_267 = vector.broadcast %parallel_loop3A_266 : i32 to vector<16xi32>
        %parallel_loop3A_268 = arith.shrui %parallel_loop3A_259, %parallel_loop3A_267 : vector<16xi32>
        %parallel_loop3A_269 = tpu.vector_load_idx %arg12[%parallel_loop3A_268] : memref<25008xi32, #tpu.memory_space<vmem>>[vector<16xi32>], vector<16xi32>,
        %parallel_loop3A_270 = arith.constant 3 : i32
        %parallel_loop3A_271 = vector.broadcast %parallel_loop3A_270 : i32 to vector<16xi32>
        %parallel_loop3A_272 = arith.andi %parallel_loop3A_259, %parallel_loop3A_271 : vector<16xi32>
        %parallel_loop3A_273 = arith.constant 3 : i32
        %parallel_loop3A_274 = vector.broadcast %parallel_loop3A_273 : i32 to vector<16xi32>
        %parallel_loop3A_275 = arith.shli %parallel_loop3A_272, %parallel_loop3A_274 : vector<16xi32>
        %parallel_loop3A_276 = arith.shrui %parallel_loop3A_269, %parallel_loop3A_275 : vector<16xi32>
        %parallel_loop3A_277 = arith.constant 255 : i32
        %parallel_loop3A_278 = vector.broadcast %parallel_loop3A_277 : i32 to vector<16xi32>
        %parallel_loop3A_279 = arith.andi %parallel_loop3A_276, %parallel_loop3A_278 : vector<16xi32>
        %parallel_loop3A_280 = arith.constant 2 : i32
        %parallel_loop3A_281 = vector.broadcast %parallel_loop3A_280 : i32 to vector<16xi32>
        %parallel_loop3A_282 = arith.shrui %parallel_loop3A_261, %parallel_loop3A_281 : vector<16xi32>
        %parallel_loop3A_283 = tpu.vector_load_idx %arg12[%parallel_loop3A_282] : memref<25008xi32, #tpu.memory_space<vmem>>[vector<16xi32>], vector<16xi32>,
        %parallel_loop3A_284 = arith.constant 3 : i32
        %parallel_loop3A_285 = vector.broadcast %parallel_loop3A_284 : i32 to vector<16xi32>
        %parallel_loop3A_286 = arith.andi %parallel_loop3A_261, %parallel_loop3A_285 : vector<16xi32>
        %parallel_loop3A_287 = arith.constant 3 : i32
        %parallel_loop3A_288 = vector.broadcast %parallel_loop3A_287 : i32 to vector<16xi32>
        %parallel_loop3A_289 = arith.shli %parallel_loop3A_286, %parallel_loop3A_288 : vector<16xi32>
        %parallel_loop3A_290 = arith.shrui %parallel_loop3A_283, %parallel_loop3A_289 : vector<16xi32>
        %parallel_loop3A_291 = arith.constant 255 : i32
        %parallel_loop3A_292 = vector.broadcast %parallel_loop3A_291 : i32 to vector<16xi32>
        %parallel_loop3A_293 = arith.andi %parallel_loop3A_290, %parallel_loop3A_292 : vector<16xi32>
        %parallel_loop3A_294 = arith.constant 100 : i32
        %parallel_loop3A_295 = vector.broadcast %parallel_loop3A_294 : i32 to vector<16xi32>
        %parallel_loop3A_296 = arith.muli %parallel_loop3A_279, %parallel_loop3A_295 : vector<16xi32>
        %parallel_loop3A_297 = arith.addi %parallel_loop3A_296, %parallel_loop3A_293 : vector<16xi32>
        %parallel_loop3A_298 = tpu.vector_load_idx %arg13[%parallel_loop3A_297] : memref<10000xf32, #tpu.memory_space<vmem>>[vector<16xi32>], vector<16xf32>,
        %parallel_loop3A_299 = tpu.vector_load_idx %arg14[%parallel_loop3A_297] : memref<10000xf32, #tpu.memory_space<vmem>>[vector<16xi32>], vector<16xf32>,
        %parallel_loop3A_300 = arith.mulf %parallel_loop3A_265, %parallel_loop3A_298 : vector<16xf32>
        %parallel_loop3A_301 = arith.constant 9.99999993E-9 : f32
        %parallel_loop3A_302 = vector.broadcast %parallel_loop3A_301 : f32 to vector<16xf32>
        %parallel_loop3A_303 = arith.addf %parallel_loop3A_263, %parallel_loop3A_302 : vector<16xf32>
        %parallel_loop3A_304 = arith.divf %parallel_loop3A_300, %parallel_loop3A_303 : vector<16xf32>
        %parallel_loop3A_305 = arith.mulf %parallel_loop3A_263, %parallel_loop3A_299 : vector<16xf32>
        %parallel_loop3A_306 = arith.mulf %gather3A, %parallel_loop3A_305 : vector<16xf32>
        %parallel_loop3A_307 = math.exp %parallel_loop3A_306 : vector<16xf32>
        %parallel_loop3A_308 = arith.mulf %gather3A_15, %parallel_loop3A_307 : vector<16xf32>
        %parallel_loop3A_309 = arith.mulf %gather3A_6, %parallel_loop3A_305 : vector<16xf32>
        %parallel_loop3A_310 = math.exp %parallel_loop3A_309 : vector<16xf32>
        %parallel_loop3A_311 = arith.mulf %gather3A_18, %parallel_loop3A_310 : vector<16xf32>
        %parallel_loop3A_312 = arith.addf %parallel_loop3A_308, %parallel_loop3A_311 : vector<16xf32>
        %parallel_loop3A_313 = arith.mulf %gather3A_9, %parallel_loop3A_305 : vector<16xf32>
        %parallel_loop3A_314 = math.exp %parallel_loop3A_313 : vector<16xf32>
        %parallel_loop3A_315 = arith.mulf %gather3A_21, %parallel_loop3A_314 : vector<16xf32>
        %parallel_loop3A_316 = arith.addf %parallel_loop3A_312, %parallel_loop3A_315 : vector<16xf32>
        %parallel_loop3A_317 = arith.mulf %gather3A_12, %parallel_loop3A_305 : vector<16xf32>
        %parallel_loop3A_318 = math.exp %parallel_loop3A_317 : vector<16xf32>
        %parallel_loop3A_319 = arith.mulf %gather3A_24, %parallel_loop3A_318 : vector<16xf32>
        %parallel_loop3A_320 = arith.addf %parallel_loop3A_316, %parallel_loop3A_319 : vector<16xf32>
        %parallel_loop3A_321 = arith.constant 0.666666686 : f32
        %parallel_loop3A_322 = vector.broadcast %parallel_loop3A_321 : f32 to vector<16xf32>
        %parallel_loop3A_323 = arith.mulf %parallel_loop3A_263, %parallel_loop3A_322 : vector<16xf32>
        %parallel_loop3A_324 = arith.constant 1.000000e+00 : f32
        %parallel_loop3A_325 = vector.broadcast %parallel_loop3A_324 : f32 to vector<16xf32>
        %parallel_loop3A_326 = arith.subf %parallel_loop3A_325, %parallel_loop3A_323 : vector<16xf32>
        %parallel_loop3A_327 = arith.constant 1.000000e+00 : f32
        %parallel_loop3A_328 = vector.broadcast %parallel_loop3A_327 : f32 to vector<16xf32>
        %parallel_loop3A_329 = arith.divf %parallel_loop3A_328, %parallel_loop3A_326 : vector<16xf32>
        %parallel_loop3A_330 = arith.constant 9.99999993E-9 : f32
        %parallel_loop3A_331 = vector.broadcast %parallel_loop3A_330 : f32 to vector<16xf32>
        %parallel_loop3A_332 = arith.maximumf %parallel_loop3A_323, %parallel_loop3A_331 : vector<16xf32>
        %parallel_loop3A_333 = arith.constant 1.000000e+00 : f32
        %parallel_loop3A_334 = vector.broadcast %parallel_loop3A_333 : f32 to vector<16xf32>
        %parallel_loop3A_335 = arith.divf %parallel_loop3A_334, %parallel_loop3A_332 : vector<16xf32>
        %parallel_loop3A_336 = arith.subf %parallel_loop3A_329, %parallel_loop3A_335 : vector<16xf32>
        %parallel_loop3A_337 = math.exp %parallel_loop3A_336 : vector<16xf32>
        %parallel_loop3A_338 = arith.constant 1.000000e+00 : f32
        %parallel_loop3A_339 = vector.broadcast %parallel_loop3A_338 : f32 to vector<16xf32>
        %parallel_loop3A_340 = arith.addf %parallel_loop3A_339, %parallel_loop3A_337 : vector<16xf32>
        %parallel_loop3A_341 = arith.constant 1.000000e+00 : f32
        %parallel_loop3A_342 = vector.broadcast %parallel_loop3A_341 : f32 to vector<16xf32>
        %parallel_loop3A_343 = arith.divf %parallel_loop3A_342, %parallel_loop3A_340 : vector<16xf32>
        %parallel_loop3A_344 = arith.mulf %parallel_loop3A_343, %parallel_loop3A_304 : vector<16xf32>
        %parallel_loop3A_345 = arith.mulf %parallel_loop3A_344, %parallel_loop3A_320 : vector<16xf32>
        %parallel_loop3A_346 = arith.index_cast %parallel_loop3A_257 : i32 to index
        %parallel_loop3A_347 = tpu.vector_load %arg29[%parallel_loop3A_346] {strides = array<i32>} : memref<4000xf32, #tpu.memory_space<vmem>>, vector<16xf32>,
        tpu.vector_store %arg29[%parallel_loop3A_346], %parallel_loop3A_345 {strides = array<i32>} : memref<4000xf32, #tpu.memory_space<vmem>>, vector<16xf32>,
      } {sc.loop_unroll_factor = 2 : i64, sc.parallel_access}
      %dma_start3A_215 = arith.constant 0 : i32
      %dma_start3A_216 = tpu.memref_slice %arg31[%dma_start3A_215] : memref<100000xf32, #tpu.memory_space<vmem_shared>> -> memref<100000xf32, #tpu.memory_space<vmem_shared>>
      tpu.enqueue_indirect_dma source(%arg29 : memref<4000xf32, #tpu.memory_space<vmem>>) target(%dma_start3A_216 : memref<100000xf32, #tpu.memory_space<vmem_shared>>) offsets(%arg26 : memref<4000xi32, #tpu.memory_space<vmem>>) semaphore(%arg36 : memref<!tpu.dma_semaphore, #tpu.memory_space<semaphore_mem>>) {add = true}
      %add3A_217 = arith.constant 2 : i32
      %add3A_218 = arith.addi %mul3A_138, %add3A_217 : i32
      %dma_wait3A_219 = arith.constant 0 : i32
      %dma_wait3A_220 = tpu.memref_slice %arg2[%dma_wait3A_219] : memref<6400000xf32, #tpu.memory_space<hbm>> -> memref<4000xf32, #tpu.memory_space<hbm>>
      %dma_wait3A_221 = arith.constant 0 : i32
      %dma_wait3A_222 = tpu.memref_slice %arg2[%dma_wait3A_221] : memref<6400000xf32, #tpu.memory_space<hbm>> -> memref<4000xf32, #tpu.memory_space<hbm>>
      tpu.wait_dma2 semaphore(%arg34 : memref<!tpu.dma_semaphore, #tpu.memory_space<semaphore_mem>>) src(%dma_wait3A_222 : memref<4000xf32, #tpu.memory_space<hbm>>) dst(%arg18 : memref<4000xf32, #tpu.memory_space<vmem>>)
      %dma_wait3A_223 = arith.constant 0 : i32
      %dma_wait3A_224 = tpu.memref_slice %arg3[%dma_wait3A_223] : memref<6400000xf32, #tpu.memory_space<hbm>> -> memref<4000xf32, #tpu.memory_space<hbm>>
      %dma_wait3A_225 = arith.constant 0 : i32
      %dma_wait3A_226 = tpu.memref_slice %arg3[%dma_wait3A_225] : memref<6400000xf32, #tpu.memory_space<hbm>> -> memref<4000xf32, #tpu.memory_space<hbm>>
      tpu.wait_dma2 semaphore(%arg34 : memref<!tpu.dma_semaphore, #tpu.memory_space<semaphore_mem>>) src(%dma_wait3A_226 : memref<4000xf32, #tpu.memory_space<hbm>>) dst(%arg21 : memref<4000xf32, #tpu.memory_space<vmem>>)
      %dma_wait3A_227 = arith.constant 0 : i32
      %dma_wait3A_228 = tpu.memref_slice %arg4[%dma_wait3A_227] : memref<6400000xi32, #tpu.memory_space<hbm>> -> memref<4000xi32, #tpu.memory_space<hbm>>
      %dma_wait3A_229 = arith.constant 0 : i32
      %dma_wait3A_230 = tpu.memref_slice %arg4[%dma_wait3A_229] : memref<6400000xi32, #tpu.memory_space<hbm>> -> memref<4000xi32, #tpu.memory_space<hbm>>
      tpu.wait_dma2 semaphore(%arg34 : memref<!tpu.dma_semaphore, #tpu.memory_space<semaphore_mem>>) src(%dma_wait3A_230 : memref<4000xi32, #tpu.memory_space<hbm>>) dst(%arg24 : memref<4000xi32, #tpu.memory_space<vmem>>)
      %dma_wait3A_231 = arith.constant 0 : i32
      %dma_wait3A_232 = tpu.memref_slice %arg5[%dma_wait3A_231] : memref<6400000xi32, #tpu.memory_space<hbm>> -> memref<4000xi32, #tpu.memory_space<hbm>>
      %dma_wait3A_233 = arith.constant 0 : i32
      %dma_wait3A_234 = tpu.memref_slice %arg5[%dma_wait3A_233] : memref<6400000xi32, #tpu.memory_space<hbm>> -> memref<4000xi32, #tpu.memory_space<hbm>>
      tpu.wait_dma2 semaphore(%arg34 : memref<!tpu.dma_semaphore, #tpu.memory_space<semaphore_mem>>) src(%dma_wait3A_234 : memref<4000xi32, #tpu.memory_space<hbm>>) dst(%arg27 : memref<4000xi32, #tpu.memory_space<vmem>>)
      %dma_wait3A_235 = arith.constant 0 : i32
      %dma_wait3A_236 = tpu.memref_slice %arg31[%dma_wait3A_235] : memref<100000xf32, #tpu.memory_space<vmem_shared>> -> memref<100000xf32, #tpu.memory_space<vmem_shared>>
      tpu.wait_indirect_dma semaphore(%arg35 : memref<!tpu.dma_semaphore, #tpu.memory_space<semaphore_mem>>) src(%arg28 : memref<4000xf32, #tpu.memory_space<vmem>>) dst(%dma_wait3A_236 : memref<100000xf32, #tpu.memory_space<vmem_shared>>)
      %add3A_237 = arith.constant 1 : i32
      %add3A_238 = arith.addi %add3A_218, %add3A_237 : i32
      %mul3A_239 = arith.constant 4000 : i32
      %mul3A_240 = arith.muli %add3A_238, %mul3A_239 : i32
      %add3A_241 = arith.addi %mul3A_26, %mul3A_240 : i32
      %min3A_242 = arith.constant 6396000 : i32
      %min3A_243 = arith.minsi %add3A_241, %min3A_242 : i32
      %dma_start3A_244 = tpu.memref_slice %arg2[%min3A_243] : memref<6400000xf32, #tpu.memory_space<hbm>> -> memref<4000xf32, #tpu.memory_space<hbm>>
      %dma_start3A_245 = tpu.memref_slice %arg2[%min3A_243] : memref<6400000xf32, #tpu.memory_space<hbm>> -> memref<4000xf32, #tpu.memory_space<hbm>>
      tpu.enqueue_dma source(%dma_start3A_245 : memref<4000xf32, #tpu.memory_space<hbm>>) target(%arg16 : memref<4000xf32, #tpu.memory_space<vmem>>) target_semaphore(%arg32 : memref<!tpu.dma_semaphore, #tpu.memory_space<semaphore_mem>>)
      %dma_start3A_246 = tpu.memref_slice %arg3[%min3A_243] : memref<6400000xf32, #tpu.memory_space<hbm>> -> memref<4000xf32, #tpu.memory_space<hbm>>
      %dma_start3A_247 = tpu.memref_slice %arg3[%min3A_243] : memref<6400000xf32, #tpu.memory_space<hbm>> -> memref<4000xf32, #tpu.memory_space<hbm>>
      tpu.enqueue_dma source(%dma_start3A_247 : memref<4000xf32, #tpu.memory_space<hbm>>) target(%arg19 : memref<4000xf32, #tpu.memory_space<vmem>>) target_semaphore(%arg32 : memref<!tpu.dma_semaphore, #tpu.memory_space<semaphore_mem>>)
      %dma_start3A_248 = tpu.memref_slice %arg4[%min3A_243] : memref<6400000xi32, #tpu.memory_space<hbm>> -> memref<4000xi32, #tpu.memory_space<hbm>>
      %dma_start3A_249 = tpu.memref_slice %arg4[%min3A_243] : memref<6400000xi32, #tpu.memory_space<hbm>> -> memref<4000xi32, #tpu.memory_space<hbm>>
      tpu.enqueue_dma source(%dma_start3A_249 : memref<4000xi32, #tpu.memory_space<hbm>>) target(%arg22 : memref<4000xi32, #tpu.memory_space<vmem>>) target_semaphore(%arg32 : memref<!tpu.dma_semaphore, #tpu.memory_space<semaphore_mem>>)
      %dma_start3A_250 = tpu.memref_slice %arg5[%min3A_243] : memref<6400000xi32, #tpu.memory_space<hbm>> -> memref<4000xi32, #tpu.memory_space<hbm>>
      %dma_start3A_251 = tpu.memref_slice %arg5[%min3A_243] : memref<6400000xi32, #tpu.memory_space<hbm>> -> memref<4000xi32, #tpu.memory_space<hbm>>
      tpu.enqueue_dma source(%dma_start3A_251 : memref<4000xi32, #tpu.memory_space<hbm>>) target(%arg25 : memref<4000xi32, #tpu.memory_space<vmem>>) target_semaphore(%arg32 : memref<!tpu.dma_semaphore, #tpu.memory_space<semaphore_mem>>)
      %parallel_loop3A_252 = arith.constant 0 : i32
      %parallel_loop3A_253 = arith.constant 4000 : i32
      %parallel_loop3A_254 = arith.constant 16 : i32
      scf.for %parallel_loop3A_257 = %parallel_loop3A_252 to %parallel_loop3A_253 step %parallel_loop3A_254  : i32 {
        %parallel_loop3A_258 = arith.index_cast %parallel_loop3A_257 : i32 to index
        %parallel_loop3A_259 = tpu.vector_load %arg27[%parallel_loop3A_258] {strides = array<i32>} : memref<4000xi32, #tpu.memory_space<vmem>>, vector<16xi32>,
        %parallel_loop3A_260 = arith.index_cast %parallel_loop3A_257 : i32 to index
        %parallel_loop3A_261 = tpu.vector_load %arg24[%parallel_loop3A_260] {strides = array<i32>} : memref<4000xi32, #tpu.memory_space<vmem>>, vector<16xi32>,
        %parallel_loop3A_262 = arith.index_cast %parallel_loop3A_257 : i32 to index
        %parallel_loop3A_263 = tpu.vector_load %arg18[%parallel_loop3A_262] {strides = array<i32>} : memref<4000xf32, #tpu.memory_space<vmem>>, vector<16xf32>,
        %parallel_loop3A_264 = arith.index_cast %parallel_loop3A_257 : i32 to index
        %parallel_loop3A_265 = tpu.vector_load %arg21[%parallel_loop3A_264] {strides = array<i32>} : memref<4000xf32, #tpu.memory_space<vmem>>, vector<16xf32>,
        %parallel_loop3A_266 = arith.constant 2 : i32
        %parallel_loop3A_267 = vector.broadcast %parallel_loop3A_266 : i32 to vector<16xi32>
        %parallel_loop3A_268 = arith.shrui %parallel_loop3A_259, %parallel_loop3A_267 : vector<16xi32>
        %parallel_loop3A_269 = tpu.vector_load_idx %arg12[%parallel_loop3A_268] : memref<25008xi32, #tpu.memory_space<vmem>>[vector<16xi32>], vector<16xi32>,
        %parallel_loop3A_270 = arith.constant 3 : i32
        %parallel_loop3A_271 = vector.broadcast %parallel_loop3A_270 : i32 to vector<16xi32>
        %parallel_loop3A_272 = arith.andi %parallel_loop3A_259, %parallel_loop3A_271 : vector<16xi32>
        %parallel_loop3A_273 = arith.constant 3 : i32
        %parallel_loop3A_274 = vector.broadcast %parallel_loop3A_273 : i32 to vector<16xi32>
        %parallel_loop3A_275 = arith.shli %parallel_loop3A_272, %parallel_loop3A_274 : vector<16xi32>
        %parallel_loop3A_276 = arith.shrui %parallel_loop3A_269, %parallel_loop3A_275 : vector<16xi32>
        %parallel_loop3A_277 = arith.constant 255 : i32
        %parallel_loop3A_278 = vector.broadcast %parallel_loop3A_277 : i32 to vector<16xi32>
        %parallel_loop3A_279 = arith.andi %parallel_loop3A_276, %parallel_loop3A_278 : vector<16xi32>
        %parallel_loop3A_280 = arith.constant 2 : i32
        %parallel_loop3A_281 = vector.broadcast %parallel_loop3A_280 : i32 to vector<16xi32>
        %parallel_loop3A_282 = arith.shrui %parallel_loop3A_261, %parallel_loop3A_281 : vector<16xi32>
        %parallel_loop3A_283 = tpu.vector_load_idx %arg12[%parallel_loop3A_282] : memref<25008xi32, #tpu.memory_space<vmem>>[vector<16xi32>], vector<16xi32>,
        %parallel_loop3A_284 = arith.constant 3 : i32
        %parallel_loop3A_285 = vector.broadcast %parallel_loop3A_284 : i32 to vector<16xi32>
        %parallel_loop3A_286 = arith.andi %parallel_loop3A_261, %parallel_loop3A_285 : vector<16xi32>
        %parallel_loop3A_287 = arith.constant 3 : i32
        %parallel_loop3A_288 = vector.broadcast %parallel_loop3A_287 : i32 to vector<16xi32>
        %parallel_loop3A_289 = arith.shli %parallel_loop3A_286, %parallel_loop3A_288 : vector<16xi32>
        %parallel_loop3A_290 = arith.shrui %parallel_loop3A_283, %parallel_loop3A_289 : vector<16xi32>
        %parallel_loop3A_291 = arith.constant 255 : i32
        %parallel_loop3A_292 = vector.broadcast %parallel_loop3A_291 : i32 to vector<16xi32>
        %parallel_loop3A_293 = arith.andi %parallel_loop3A_290, %parallel_loop3A_292 : vector<16xi32>
        %parallel_loop3A_294 = arith.constant 100 : i32
        %parallel_loop3A_295 = vector.broadcast %parallel_loop3A_294 : i32 to vector<16xi32>
        %parallel_loop3A_296 = arith.muli %parallel_loop3A_279, %parallel_loop3A_295 : vector<16xi32>
        %parallel_loop3A_297 = arith.addi %parallel_loop3A_296, %parallel_loop3A_293 : vector<16xi32>
        %parallel_loop3A_298 = tpu.vector_load_idx %arg13[%parallel_loop3A_297] : memref<10000xf32, #tpu.memory_space<vmem>>[vector<16xi32>], vector<16xf32>,
        %parallel_loop3A_299 = tpu.vector_load_idx %arg14[%parallel_loop3A_297] : memref<10000xf32, #tpu.memory_space<vmem>>[vector<16xi32>], vector<16xf32>,
        %parallel_loop3A_300 = arith.mulf %parallel_loop3A_265, %parallel_loop3A_298 : vector<16xf32>
        %parallel_loop3A_301 = arith.constant 9.99999993E-9 : f32
        %parallel_loop3A_302 = vector.broadcast %parallel_loop3A_301 : f32 to vector<16xf32>
        %parallel_loop3A_303 = arith.addf %parallel_loop3A_263, %parallel_loop3A_302 : vector<16xf32>
        %parallel_loop3A_304 = arith.divf %parallel_loop3A_300, %parallel_loop3A_303 : vector<16xf32>
        %parallel_loop3A_305 = arith.mulf %parallel_loop3A_263, %parallel_loop3A_299 : vector<16xf32>
        %parallel_loop3A_306 = arith.mulf %gather3A, %parallel_loop3A_305 : vector<16xf32>
        %parallel_loop3A_307 = math.exp %parallel_loop3A_306 : vector<16xf32>
        %parallel_loop3A_308 = arith.mulf %gather3A_15, %parallel_loop3A_307 : vector<16xf32>
        %parallel_loop3A_309 = arith.mulf %gather3A_6, %parallel_loop3A_305 : vector<16xf32>
        %parallel_loop3A_310 = math.exp %parallel_loop3A_309 : vector<16xf32>
        %parallel_loop3A_311 = arith.mulf %gather3A_18, %parallel_loop3A_310 : vector<16xf32>
        %parallel_loop3A_312 = arith.addf %parallel_loop3A_308, %parallel_loop3A_311 : vector<16xf32>
        %parallel_loop3A_313 = arith.mulf %gather3A_9, %parallel_loop3A_305 : vector<16xf32>
        %parallel_loop3A_314 = math.exp %parallel_loop3A_313 : vector<16xf32>
        %parallel_loop3A_315 = arith.mulf %gather3A_21, %parallel_loop3A_314 : vector<16xf32>
        %parallel_loop3A_316 = arith.addf %parallel_loop3A_312, %parallel_loop3A_315 : vector<16xf32>
        %parallel_loop3A_317 = arith.mulf %gather3A_12, %parallel_loop3A_305 : vector<16xf32>
        %parallel_loop3A_318 = math.exp %parallel_loop3A_317 : vector<16xf32>
        %parallel_loop3A_319 = arith.mulf %gather3A_24, %parallel_loop3A_318 : vector<16xf32>
        %parallel_loop3A_320 = arith.addf %parallel_loop3A_316, %parallel_loop3A_319 : vector<16xf32>
        %parallel_loop3A_321 = arith.constant 0.666666686 : f32
        %parallel_loop3A_322 = vector.broadcast %parallel_loop3A_321 : f32 to vector<16xf32>
        %parallel_loop3A_323 = arith.mulf %parallel_loop3A_263, %parallel_loop3A_322 : vector<16xf32>
        %parallel_loop3A_324 = arith.constant 1.000000e+00 : f32
        %parallel_loop3A_325 = vector.broadcast %parallel_loop3A_324 : f32 to vector<16xf32>
        %parallel_loop3A_326 = arith.subf %parallel_loop3A_325, %parallel_loop3A_323 : vector<16xf32>
        %parallel_loop3A_327 = arith.constant 1.000000e+00 : f32
        %parallel_loop3A_328 = vector.broadcast %parallel_loop3A_327 : f32 to vector<16xf32>
        %parallel_loop3A_329 = arith.divf %parallel_loop3A_328, %parallel_loop3A_326 : vector<16xf32>
        %parallel_loop3A_330 = arith.constant 9.99999993E-9 : f32
        %parallel_loop3A_331 = vector.broadcast %parallel_loop3A_330 : f32 to vector<16xf32>
        %parallel_loop3A_332 = arith.maximumf %parallel_loop3A_323, %parallel_loop3A_331 : vector<16xf32>
        %parallel_loop3A_333 = arith.constant 1.000000e+00 : f32
        %parallel_loop3A_334 = vector.broadcast %parallel_loop3A_333 : f32 to vector<16xf32>
        %parallel_loop3A_335 = arith.divf %parallel_loop3A_334, %parallel_loop3A_332 : vector<16xf32>
        %parallel_loop3A_336 = arith.subf %parallel_loop3A_329, %parallel_loop3A_335 : vector<16xf32>
        %parallel_loop3A_337 = math.exp %parallel_loop3A_336 : vector<16xf32>
        %parallel_loop3A_338 = arith.constant 1.000000e+00 : f32
        %parallel_loop3A_339 = vector.broadcast %parallel_loop3A_338 : f32 to vector<16xf32>
        %parallel_loop3A_340 = arith.addf %parallel_loop3A_339, %parallel_loop3A_337 : vector<16xf32>
        %parallel_loop3A_341 = arith.constant 1.000000e+00 : f32
        %parallel_loop3A_342 = vector.broadcast %parallel_loop3A_341 : f32 to vector<16xf32>
        %parallel_loop3A_343 = arith.divf %parallel_loop3A_342, %parallel_loop3A_340 : vector<16xf32>
        %parallel_loop3A_344 = arith.mulf %parallel_loop3A_343, %parallel_loop3A_304 : vector<16xf32>
        %parallel_loop3A_345 = arith.mulf %parallel_loop3A_344, %parallel_loop3A_320 : vector<16xf32>
        %parallel_loop3A_346 = arith.index_cast %parallel_loop3A_257 : i32 to index
        %parallel_loop3A_347 = tpu.vector_load %arg30[%parallel_loop3A_346] {strides = array<i32>} : memref<4000xf32, #tpu.memory_space<vmem>>, vector<16xf32>,
        tpu.vector_store %arg30[%parallel_loop3A_346], %parallel_loop3A_345 {strides = array<i32>} : memref<4000xf32, #tpu.memory_space<vmem>>, vector<16xf32>,
      } {sc.loop_unroll_factor = 2 : i64, sc.parallel_access}
      %dma_start3A_255 = arith.constant 0 : i32
      %dma_start3A_256 = tpu.memref_slice %arg31[%dma_start3A_255] : memref<100000xf32, #tpu.memory_space<vmem_shared>> -> memref<100000xf32, #tpu.memory_space<vmem_shared>>
      tpu.enqueue_indirect_dma source(%arg30 : memref<4000xf32, #tpu.memory_space<vmem>>) target(%dma_start3A_256 : memref<100000xf32, #tpu.memory_space<vmem_shared>>) offsets(%arg27 : memref<4000xi32, #tpu.memory_space<vmem>>) semaphore(%arg37 : memref<!tpu.dma_semaphore, #tpu.memory_space<semaphore_mem>>) {add = true}
    }
    %scan3A_42 = arith.constant 16 : i32
    %dma_wait3A = arith.constant 0 : i32
    %dma_wait3A_43 = tpu.memref_slice %arg2[%dma_wait3A] : memref<6400000xf32, #tpu.memory_space<hbm>> -> memref<4000xf32, #tpu.memory_space<hbm>>
    %dma_wait3A_44 = arith.constant 0 : i32
    %dma_wait3A_45 = tpu.memref_slice %arg2[%dma_wait3A_44] : memref<6400000xf32, #tpu.memory_space<hbm>> -> memref<4000xf32, #tpu.memory_space<hbm>>
    tpu.wait_dma2 semaphore(%arg32 : memref<!tpu.dma_semaphore, #tpu.memory_space<semaphore_mem>>) src(%dma_wait3A_45 : memref<4000xf32, #tpu.memory_space<hbm>>) dst(%arg16 : memref<4000xf32, #tpu.memory_space<vmem>>)
    %dma_wait3A_46 = arith.constant 0 : i32
    %dma_wait3A_47 = tpu.memref_slice %arg3[%dma_wait3A_46] : memref<6400000xf32, #tpu.memory_space<hbm>> -> memref<4000xf32, #tpu.memory_space<hbm>>
    %dma_wait3A_48 = arith.constant 0 : i32
    %dma_wait3A_49 = tpu.memref_slice %arg3[%dma_wait3A_48] : memref<6400000xf32, #tpu.memory_space<hbm>> -> memref<4000xf32, #tpu.memory_space<hbm>>
    tpu.wait_dma2 semaphore(%arg32 : memref<!tpu.dma_semaphore, #tpu.memory_space<semaphore_mem>>) src(%dma_wait3A_49 : memref<4000xf32, #tpu.memory_space<hbm>>) dst(%arg19 : memref<4000xf32, #tpu.memory_space<vmem>>)
    %dma_wait3A_50 = arith.constant 0 : i32
    %dma_wait3A_51 = tpu.memref_slice %arg4[%dma_wait3A_50] : memref<6400000xi32, #tpu.memory_space<hbm>> -> memref<4000xi32, #tpu.memory_space<hbm>>
    %dma_wait3A_52 = arith.constant 0 : i32
    %dma_wait3A_53 = tpu.memref_slice %arg4[%dma_wait3A_52] : memref<6400000xi32, #tpu.memory_space<hbm>> -> memref<4000xi32, #tpu.memory_space<hbm>>
    tpu.wait_dma2 semaphore(%arg32 : memref<!tpu.dma_semaphore, #tpu.memory_space<semaphore_mem>>) src(%dma_wait3A_53 : memref<4000xi32, #tpu.memory_space<hbm>>) dst(%arg22 : memref<4000xi32, #tpu.memory_space<vmem>>)
    %dma_wait3A_54 = arith.constant 0 : i32
    %dma_wait3A_55 = tpu.memref_slice %arg5[%dma_wait3A_54] : memref<6400000xi32, #tpu.memory_space<hbm>> -> memref<4000xi32, #tpu.memory_space<hbm>>
    %dma_wait3A_56 = arith.constant 0 : i32
    %dma_wait3A_57 = tpu.memref_slice %arg5[%dma_wait3A_56] : memref<6400000xi32, #tpu.memory_space<hbm>> -> memref<4000xi32, #tpu.memory_space<hbm>>
    tpu.wait_dma2 semaphore(%arg32 : memref<!tpu.dma_semaphore, #tpu.memory_space<semaphore_mem>>) src(%dma_wait3A_57 : memref<4000xi32, #tpu.memory_space<hbm>>) dst(%arg25 : memref<4000xi32, #tpu.memory_space<vmem>>)
    %dma_wait3A_58 = arith.constant 0 : i32
    %dma_wait3A_59 = tpu.memref_slice %arg31[%dma_wait3A_58] : memref<100000xf32, #tpu.memory_space<vmem_shared>> -> memref<100000xf32, #tpu.memory_space<vmem_shared>>
    tpu.wait_indirect_dma semaphore(%arg36 : memref<!tpu.dma_semaphore, #tpu.memory_space<semaphore_mem>>) src(%arg29 : memref<4000xf32, #tpu.memory_space<vmem>>) dst(%dma_wait3A_59 : memref<100000xf32, #tpu.memory_space<vmem_shared>>)
    %add3A_60 = arith.constant 196000 : i32
    %add3A_61 = arith.addi %mul3A_26, %add3A_60 : i32
    %min3A = arith.constant 6396000 : i32
    %min3A_62 = arith.minsi %add3A_61, %min3A : i32
    %dma_start3A_63 = tpu.memref_slice %arg2[%min3A_62] : memref<6400000xf32, #tpu.memory_space<hbm>> -> memref<4000xf32, #tpu.memory_space<hbm>>
    %dma_start3A_64 = tpu.memref_slice %arg2[%min3A_62] : memref<6400000xf32, #tpu.memory_space<hbm>> -> memref<4000xf32, #tpu.memory_space<hbm>>
    tpu.enqueue_dma source(%dma_start3A_64 : memref<4000xf32, #tpu.memory_space<hbm>>) target(%arg17 : memref<4000xf32, #tpu.memory_space<vmem>>) target_semaphore(%arg33 : memref<!tpu.dma_semaphore, #tpu.memory_space<semaphore_mem>>)
    %dma_start3A_65 = tpu.memref_slice %arg3[%min3A_62] : memref<6400000xf32, #tpu.memory_space<hbm>> -> memref<4000xf32, #tpu.memory_space<hbm>>
    %dma_start3A_66 = tpu.memref_slice %arg3[%min3A_62] : memref<6400000xf32, #tpu.memory_space<hbm>> -> memref<4000xf32, #tpu.memory_space<hbm>>
    tpu.enqueue_dma source(%dma_start3A_66 : memref<4000xf32, #tpu.memory_space<hbm>>) target(%arg20 : memref<4000xf32, #tpu.memory_space<vmem>>) target_semaphore(%arg33 : memref<!tpu.dma_semaphore, #tpu.memory_space<semaphore_mem>>)
    %dma_start3A_67 = tpu.memref_slice %arg4[%min3A_62] : memref<6400000xi32, #tpu.memory_space<hbm>> -> memref<4000xi32, #tpu.memory_space<hbm>>
    %dma_start3A_68 = tpu.memref_slice %arg4[%min3A_62] : memref<6400000xi32, #tpu.memory_space<hbm>> -> memref<4000xi32, #tpu.memory_space<hbm>>
    tpu.enqueue_dma source(%dma_start3A_68 : memref<4000xi32, #tpu.memory_space<hbm>>) target(%arg23 : memref<4000xi32, #tpu.memory_space<vmem>>) target_semaphore(%arg33 : memref<!tpu.dma_semaphore, #tpu.memory_space<semaphore_mem>>)
    %dma_start3A_69 = tpu.memref_slice %arg5[%min3A_62] : memref<6400000xi32, #tpu.memory_space<hbm>> -> memref<4000xi32, #tpu.memory_space<hbm>>
    %dma_start3A_70 = tpu.memref_slice %arg5[%min3A_62] : memref<6400000xi32, #tpu.memory_space<hbm>> -> memref<4000xi32, #tpu.memory_space<hbm>>
    tpu.enqueue_dma source(%dma_start3A_70 : memref<4000xi32, #tpu.memory_space<hbm>>) target(%arg26 : memref<4000xi32, #tpu.memory_space<vmem>>) target_semaphore(%arg33 : memref<!tpu.dma_semaphore, #tpu.memory_space<semaphore_mem>>)
    %parallel_loop3A = arith.constant 0 : i32
    %parallel_loop3A_71 = arith.constant 4000 : i32
    %parallel_loop3A_72 = arith.constant 16 : i32
    scf.for %parallel_loop3A_136 = %parallel_loop3A to %parallel_loop3A_71 step %parallel_loop3A_72  : i32 {
      %parallel_loop3A_137 = arith.index_cast %parallel_loop3A_136 : i32 to index
      %parallel_loop3A_138 = tpu.vector_load %arg25[%parallel_loop3A_137] {strides = array<i32>} : memref<4000xi32, #tpu.memory_space<vmem>>, vector<16xi32>,
      %parallel_loop3A_139 = arith.index_cast %parallel_loop3A_136 : i32 to index
      %parallel_loop3A_140 = tpu.vector_load %arg22[%parallel_loop3A_139] {strides = array<i32>} : memref<4000xi32, #tpu.memory_space<vmem>>, vector<16xi32>,
      %parallel_loop3A_141 = arith.index_cast %parallel_loop3A_136 : i32 to index
      %parallel_loop3A_142 = tpu.vector_load %arg16[%parallel_loop3A_141] {strides = array<i32>} : memref<4000xf32, #tpu.memory_space<vmem>>, vector<16xf32>,
      %parallel_loop3A_143 = arith.index_cast %parallel_loop3A_136 : i32 to index
      %parallel_loop3A_144 = tpu.vector_load %arg19[%parallel_loop3A_143] {strides = array<i32>} : memref<4000xf32, #tpu.memory_space<vmem>>, vector<16xf32>,
      %parallel_loop3A_145 = arith.constant 2 : i32
      %parallel_loop3A_146 = vector.broadcast %parallel_loop3A_145 : i32 to vector<16xi32>
      %parallel_loop3A_147 = arith.shrui %parallel_loop3A_138, %parallel_loop3A_146 : vector<16xi32>
      %parallel_loop3A_148 = tpu.vector_load_idx %arg12[%parallel_loop3A_147] : memref<25008xi32, #tpu.memory_space<vmem>>[vector<16xi32>], vector<16xi32>,
      %parallel_loop3A_149 = arith.constant 3 : i32
      %parallel_loop3A_150 = vector.broadcast %parallel_loop3A_149 : i32 to vector<16xi32>
      %parallel_loop3A_151 = arith.andi %parallel_loop3A_138, %parallel_loop3A_150 : vector<16xi32>
      %parallel_loop3A_152 = arith.constant 3 : i32
      %parallel_loop3A_153 = vector.broadcast %parallel_loop3A_152 : i32 to vector<16xi32>
      %parallel_loop3A_154 = arith.shli %parallel_loop3A_151, %parallel_loop3A_153 : vector<16xi32>
      %parallel_loop3A_155 = arith.shrui %parallel_loop3A_148, %parallel_loop3A_154 : vector<16xi32>
      %parallel_loop3A_156 = arith.constant 255 : i32
      %parallel_loop3A_157 = vector.broadcast %parallel_loop3A_156 : i32 to vector<16xi32>
      %parallel_loop3A_158 = arith.andi %parallel_loop3A_155, %parallel_loop3A_157 : vector<16xi32>
      %parallel_loop3A_159 = arith.constant 2 : i32
      %parallel_loop3A_160 = vector.broadcast %parallel_loop3A_159 : i32 to vector<16xi32>
      %parallel_loop3A_161 = arith.shrui %parallel_loop3A_140, %parallel_loop3A_160 : vector<16xi32>
      %parallel_loop3A_162 = tpu.vector_load_idx %arg12[%parallel_loop3A_161] : memref<25008xi32, #tpu.memory_space<vmem>>[vector<16xi32>], vector<16xi32>,
      %parallel_loop3A_163 = arith.constant 3 : i32
      %parallel_loop3A_164 = vector.broadcast %parallel_loop3A_163 : i32 to vector<16xi32>
      %parallel_loop3A_165 = arith.andi %parallel_loop3A_140, %parallel_loop3A_164 : vector<16xi32>
      %parallel_loop3A_166 = arith.constant 3 : i32
      %parallel_loop3A_167 = vector.broadcast %parallel_loop3A_166 : i32 to vector<16xi32>
      %parallel_loop3A_168 = arith.shli %parallel_loop3A_165, %parallel_loop3A_167 : vector<16xi32>
      %parallel_loop3A_169 = arith.shrui %parallel_loop3A_162, %parallel_loop3A_168 : vector<16xi32>
      %parallel_loop3A_170 = arith.constant 255 : i32
      %parallel_loop3A_171 = vector.broadcast %parallel_loop3A_170 : i32 to vector<16xi32>
      %parallel_loop3A_172 = arith.andi %parallel_loop3A_169, %parallel_loop3A_171 : vector<16xi32>
      %parallel_loop3A_173 = arith.constant 100 : i32
      %parallel_loop3A_174 = vector.broadcast %parallel_loop3A_173 : i32 to vector<16xi32>
      %parallel_loop3A_175 = arith.muli %parallel_loop3A_158, %parallel_loop3A_174 : vector<16xi32>
      %parallel_loop3A_176 = arith.addi %parallel_loop3A_175, %parallel_loop3A_172 : vector<16xi32>
      %parallel_loop3A_177 = tpu.vector_load_idx %arg13[%parallel_loop3A_176] : memref<10000xf32, #tpu.memory_space<vmem>>[vector<16xi32>], vector<16xf32>,
      %parallel_loop3A_178 = tpu.vector_load_idx %arg14[%parallel_loop3A_176] : memref<10000xf32, #tpu.memory_space<vmem>>[vector<16xi32>], vector<16xf32>,
      %parallel_loop3A_179 = arith.mulf %parallel_loop3A_144, %parallel_loop3A_177 : vector<16xf32>
      %parallel_loop3A_180 = arith.constant 9.99999993E-9 : f32
      %parallel_loop3A_181 = vector.broadcast %parallel_loop3A_180 : f32 to vector<16xf32>
      %parallel_loop3A_182 = arith.addf %parallel_loop3A_142, %parallel_loop3A_181 : vector<16xf32>
      %parallel_loop3A_183 = arith.divf %parallel_loop3A_179, %parallel_loop3A_182 : vector<16xf32>
      %parallel_loop3A_184 = arith.mulf %parallel_loop3A_142, %parallel_loop3A_178 : vector<16xf32>
      %parallel_loop3A_185 = arith.mulf %gather3A, %parallel_loop3A_184 : vector<16xf32>
      %parallel_loop3A_186 = math.exp %parallel_loop3A_185 : vector<16xf32>
      %parallel_loop3A_187 = arith.mulf %gather3A_15, %parallel_loop3A_186 : vector<16xf32>
      %parallel_loop3A_188 = arith.mulf %gather3A_6, %parallel_loop3A_184 : vector<16xf32>
      %parallel_loop3A_189 = math.exp %parallel_loop3A_188 : vector<16xf32>
      %parallel_loop3A_190 = arith.mulf %gather3A_18, %parallel_loop3A_189 : vector<16xf32>
      %parallel_loop3A_191 = arith.addf %parallel_loop3A_187, %parallel_loop3A_190 : vector<16xf32>
      %parallel_loop3A_192 = arith.mulf %gather3A_9, %parallel_loop3A_184 : vector<16xf32>
      %parallel_loop3A_193 = math.exp %parallel_loop3A_192 : vector<16xf32>
      %parallel_loop3A_194 = arith.mulf %gather3A_21, %parallel_loop3A_193 : vector<16xf32>
      %parallel_loop3A_195 = arith.addf %parallel_loop3A_191, %parallel_loop3A_194 : vector<16xf32>
      %parallel_loop3A_196 = arith.mulf %gather3A_12, %parallel_loop3A_184 : vector<16xf32>
      %parallel_loop3A_197 = math.exp %parallel_loop3A_196 : vector<16xf32>
      %parallel_loop3A_198 = arith.mulf %gather3A_24, %parallel_loop3A_197 : vector<16xf32>
      %parallel_loop3A_199 = arith.addf %parallel_loop3A_195, %parallel_loop3A_198 : vector<16xf32>
      %parallel_loop3A_200 = arith.constant 0.666666686 : f32
      %parallel_loop3A_201 = vector.broadcast %parallel_loop3A_200 : f32 to vector<16xf32>
      %parallel_loop3A_202 = arith.mulf %parallel_loop3A_142, %parallel_loop3A_201 : vector<16xf32>
      %parallel_loop3A_203 = arith.constant 1.000000e+00 : f32
      %parallel_loop3A_204 = vector.broadcast %parallel_loop3A_203 : f32 to vector<16xf32>
      %parallel_loop3A_205 = arith.subf %parallel_loop3A_204, %parallel_loop3A_202 : vector<16xf32>
      %parallel_loop3A_206 = arith.constant 1.000000e+00 : f32
      %parallel_loop3A_207 = vector.broadcast %parallel_loop3A_206 : f32 to vector<16xf32>
      %parallel_loop3A_208 = arith.divf %parallel_loop3A_207, %parallel_loop3A_205 : vector<16xf32>
      %parallel_loop3A_209 = arith.constant 9.99999993E-9 : f32
      %parallel_loop3A_210 = vector.broadcast %parallel_loop3A_209 : f32 to vector<16xf32>
      %parallel_loop3A_211 = arith.maximumf %parallel_loop3A_202, %parallel_loop3A_210 : vector<16xf32>
      %parallel_loop3A_212 = arith.constant 1.000000e+00 : f32
      %parallel_loop3A_213 = vector.broadcast %parallel_loop3A_212 : f32 to vector<16xf32>
      %parallel_loop3A_214 = arith.divf %parallel_loop3A_213, %parallel_loop3A_211 : vector<16xf32>
      %parallel_loop3A_215 = arith.subf %parallel_loop3A_208, %parallel_loop3A_214 : vector<16xf32>
      %parallel_loop3A_216 = math.exp %parallel_loop3A_215 : vector<16xf32>
      %parallel_loop3A_217 = arith.constant 1.000000e+00 : f32
      %parallel_loop3A_218 = vector.broadcast %parallel_loop3A_217 : f32 to vector<16xf32>
      %parallel_loop3A_219 = arith.addf %parallel_loop3A_218, %parallel_loop3A_216 : vector<16xf32>
      %parallel_loop3A_220 = arith.constant 1.000000e+00 : f32
      %parallel_loop3A_221 = vector.broadcast %parallel_loop3A_220 : f32 to vector<16xf32>
      %parallel_loop3A_222 = arith.divf %parallel_loop3A_221, %parallel_loop3A_219 : vector<16xf32>
      %parallel_loop3A_223 = arith.mulf %parallel_loop3A_222, %parallel_loop3A_183 : vector<16xf32>
      %parallel_loop3A_224 = arith.mulf %parallel_loop3A_223, %parallel_loop3A_199 : vector<16xf32>
      %parallel_loop3A_225 = arith.index_cast %parallel_loop3A_136 : i32 to index
      %parallel_loop3A_226 = tpu.vector_load %arg28[%parallel_loop3A_225] {strides = array<i32>} : memref<4000xf32, #tpu.memory_space<vmem>>, vector<16xf32>,
      tpu.vector_store %arg28[%parallel_loop3A_225], %parallel_loop3A_224 {strides = array<i32>} : memref<4000xf32, #tpu.memory_space<vmem>>, vector<16xf32>,
    } {sc.loop_unroll_factor = 2 : i64, sc.parallel_access}
    %dma_start3A_73 = arith.constant 0 : i32
    %dma_start3A_74 = tpu.memref_slice %arg31[%dma_start3A_73] : memref<100000xf32, #tpu.memory_space<vmem_shared>> -> memref<100000xf32, #tpu.memory_space<vmem_shared>>
    tpu.enqueue_indirect_dma source(%arg28 : memref<4000xf32, #tpu.memory_space<vmem>>) target(%dma_start3A_74 : memref<100000xf32, #tpu.memory_space<vmem_shared>>) offsets(%arg25 : memref<4000xi32, #tpu.memory_space<vmem>>) semaphore(%arg35 : memref<!tpu.dma_semaphore, #tpu.memory_space<semaphore_mem>>) {add = true}
    %dma_wait3A_75 = arith.constant 0 : i32
    %dma_wait3A_76 = tpu.memref_slice %arg2[%dma_wait3A_75] : memref<6400000xf32, #tpu.memory_space<hbm>> -> memref<4000xf32, #tpu.memory_space<hbm>>
    %dma_wait3A_77 = arith.constant 0 : i32
    %dma_wait3A_78 = tpu.memref_slice %arg2[%dma_wait3A_77] : memref<6400000xf32, #tpu.memory_space<hbm>> -> memref<4000xf32, #tpu.memory_space<hbm>>
    tpu.wait_dma2 semaphore(%arg33 : memref<!tpu.dma_semaphore, #tpu.memory_space<semaphore_mem>>) src(%dma_wait3A_78 : memref<4000xf32, #tpu.memory_space<hbm>>) dst(%arg17 : memref<4000xf32, #tpu.memory_space<vmem>>)
    %dma_wait3A_79 = arith.constant 0 : i32
    %dma_wait3A_80 = tpu.memref_slice %arg3[%dma_wait3A_79] : memref<6400000xf32, #tpu.memory_space<hbm>> -> memref<4000xf32, #tpu.memory_space<hbm>>
    %dma_wait3A_81 = arith.constant 0 : i32
    %dma_wait3A_82 = tpu.memref_slice %arg3[%dma_wait3A_81] : memref<6400000xf32, #tpu.memory_space<hbm>> -> memref<4000xf32, #tpu.memory_space<hbm>>
    tpu.wait_dma2 semaphore(%arg33 : memref<!tpu.dma_semaphore, #tpu.memory_space<semaphore_mem>>) src(%dma_wait3A_82 : memref<4000xf32, #tpu.memory_space<hbm>>) dst(%arg20 : memref<4000xf32, #tpu.memory_space<vmem>>)
    %dma_wait3A_83 = arith.constant 0 : i32
    %dma_wait3A_84 = tpu.memref_slice %arg4[%dma_wait3A_83] : memref<6400000xi32, #tpu.memory_space<hbm>> -> memref<4000xi32, #tpu.memory_space<hbm>>
    %dma_wait3A_85 = arith.constant 0 : i32
    %dma_wait3A_86 = tpu.memref_slice %arg4[%dma_wait3A_85] : memref<6400000xi32, #tpu.memory_space<hbm>> -> memref<4000xi32, #tpu.memory_space<hbm>>
    tpu.wait_dma2 semaphore(%arg33 : memref<!tpu.dma_semaphore, #tpu.memory_space<semaphore_mem>>) src(%dma_wait3A_86 : memref<4000xi32, #tpu.memory_space<hbm>>) dst(%arg23 : memref<4000xi32, #tpu.memory_space<vmem>>)
    %dma_wait3A_87 = arith.constant 0 : i32
    %dma_wait3A_88 = tpu.memref_slice %arg5[%dma_wait3A_87] : memref<6400000xi32, #tpu.memory_space<hbm>> -> memref<4000xi32, #tpu.memory_space<hbm>>
    %dma_wait3A_89 = arith.constant 0 : i32
    %dma_wait3A_90 = tpu.memref_slice %arg5[%dma_wait3A_89] : memref<6400000xi32, #tpu.memory_space<hbm>> -> memref<4000xi32, #tpu.memory_space<hbm>>
    tpu.wait_dma2 semaphore(%arg33 : memref<!tpu.dma_semaphore, #tpu.memory_space<semaphore_mem>>) src(%dma_wait3A_90 : memref<4000xi32, #tpu.memory_space<hbm>>) dst(%arg26 : memref<4000xi32, #tpu.memory_space<vmem>>)
    %dma_wait3A_91 = arith.constant 0 : i32
    %dma_wait3A_92 = tpu.memref_slice %arg31[%dma_wait3A_91] : memref<100000xf32, #tpu.memory_space<vmem_shared>> -> memref<100000xf32, #tpu.memory_space<vmem_shared>>
    tpu.wait_indirect_dma semaphore(%arg37 : memref<!tpu.dma_semaphore, #tpu.memory_space<semaphore_mem>>) src(%arg30 : memref<4000xf32, #tpu.memory_space<vmem>>) dst(%dma_wait3A_92 : memref<100000xf32, #tpu.memory_space<vmem_shared>>)
    %add3A_93 = arith.constant 200000 : i32
    %add3A_94 = arith.addi %mul3A_26, %add3A_93 : i32
    %min3A_95 = arith.constant 6396000 : i32
    %min3A_96 = arith.minsi %add3A_94, %min3A_95 : i32
    %dma_start3A_97 = tpu.memref_slice %arg2[%min3A_96] : memref<6400000xf32, #tpu.memory_space<hbm>> -> memref<4000xf32, #tpu.memory_space<hbm>>
    %dma_start3A_98 = tpu.memref_slice %arg2[%min3A_96] : memref<6400000xf32, #tpu.memory_space<hbm>> -> memref<4000xf32, #tpu.memory_space<hbm>>
    tpu.enqueue_dma source(%dma_start3A_98 : memref<4000xf32, #tpu.memory_space<hbm>>) target(%arg18 : memref<4000xf32, #tpu.memory_space<vmem>>) target_semaphore(%arg34 : memref<!tpu.dma_semaphore, #tpu.memory_space<semaphore_mem>>)
    %dma_start3A_99 = tpu.memref_slice %arg3[%min3A_96] : memref<6400000xf32, #tpu.memory_space<hbm>> -> memref<4000xf32, #tpu.memory_space<hbm>>
    %dma_start3A_100 = tpu.memref_slice %arg3[%min3A_96] : memref<6400000xf32, #tpu.memory_space<hbm>> -> memref<4000xf32, #tpu.memory_space<hbm>>
    tpu.enqueue_dma source(%dma_start3A_100 : memref<4000xf32, #tpu.memory_space<hbm>>) target(%arg21 : memref<4000xf32, #tpu.memory_space<vmem>>) target_semaphore(%arg34 : memref<!tpu.dma_semaphore, #tpu.memory_space<semaphore_mem>>)
    %dma_start3A_101 = tpu.memref_slice %arg4[%min3A_96] : memref<6400000xi32, #tpu.memory_space<hbm>> -> memref<4000xi32, #tpu.memory_space<hbm>>
    %dma_start3A_102 = tpu.memref_slice %arg4[%min3A_96] : memref<6400000xi32, #tpu.memory_space<hbm>> -> memref<4000xi32, #tpu.memory_space<hbm>>
    tpu.enqueue_dma source(%dma_start3A_102 : memref<4000xi32, #tpu.memory_space<hbm>>) target(%arg24 : memref<4000xi32, #tpu.memory_space<vmem>>) target_semaphore(%arg34 : memref<!tpu.dma_semaphore, #tpu.memory_space<semaphore_mem>>)
    %dma_start3A_103 = tpu.memref_slice %arg5[%min3A_96] : memref<6400000xi32, #tpu.memory_space<hbm>> -> memref<4000xi32, #tpu.memory_space<hbm>>
    %dma_start3A_104 = tpu.memref_slice %arg5[%min3A_96] : memref<6400000xi32, #tpu.memory_space<hbm>> -> memref<4000xi32, #tpu.memory_space<hbm>>
    tpu.enqueue_dma source(%dma_start3A_104 : memref<4000xi32, #tpu.memory_space<hbm>>) target(%arg27 : memref<4000xi32, #tpu.memory_space<vmem>>) target_semaphore(%arg34 : memref<!tpu.dma_semaphore, #tpu.memory_space<semaphore_mem>>)
    %parallel_loop3A_105 = arith.constant 0 : i32
    %parallel_loop3A_106 = arith.constant 4000 : i32
    %parallel_loop3A_107 = arith.constant 16 : i32
    scf.for %parallel_loop3A_136 = %parallel_loop3A_105 to %parallel_loop3A_106 step %parallel_loop3A_107  : i32 {
      %parallel_loop3A_137 = arith.index_cast %parallel_loop3A_136 : i32 to index
      %parallel_loop3A_138 = tpu.vector_load %arg26[%parallel_loop3A_137] {strides = array<i32>} : memref<4000xi32, #tpu.memory_space<vmem>>, vector<16xi32>,
      %parallel_loop3A_139 = arith.index_cast %parallel_loop3A_136 : i32 to index
      %parallel_loop3A_140 = tpu.vector_load %arg23[%parallel_loop3A_139] {strides = array<i32>} : memref<4000xi32, #tpu.memory_space<vmem>>, vector<16xi32>,
      %parallel_loop3A_141 = arith.index_cast %parallel_loop3A_136 : i32 to index
      %parallel_loop3A_142 = tpu.vector_load %arg17[%parallel_loop3A_141] {strides = array<i32>} : memref<4000xf32, #tpu.memory_space<vmem>>, vector<16xf32>,
      %parallel_loop3A_143 = arith.index_cast %parallel_loop3A_136 : i32 to index
      %parallel_loop3A_144 = tpu.vector_load %arg20[%parallel_loop3A_143] {strides = array<i32>} : memref<4000xf32, #tpu.memory_space<vmem>>, vector<16xf32>,
      %parallel_loop3A_145 = arith.constant 2 : i32
      %parallel_loop3A_146 = vector.broadcast %parallel_loop3A_145 : i32 to vector<16xi32>
      %parallel_loop3A_147 = arith.shrui %parallel_loop3A_138, %parallel_loop3A_146 : vector<16xi32>
      %parallel_loop3A_148 = tpu.vector_load_idx %arg12[%parallel_loop3A_147] : memref<25008xi32, #tpu.memory_space<vmem>>[vector<16xi32>], vector<16xi32>,
      %parallel_loop3A_149 = arith.constant 3 : i32
      %parallel_loop3A_150 = vector.broadcast %parallel_loop3A_149 : i32 to vector<16xi32>
      %parallel_loop3A_151 = arith.andi %parallel_loop3A_138, %parallel_loop3A_150 : vector<16xi32>
      %parallel_loop3A_152 = arith.constant 3 : i32
      %parallel_loop3A_153 = vector.broadcast %parallel_loop3A_152 : i32 to vector<16xi32>
      %parallel_loop3A_154 = arith.shli %parallel_loop3A_151, %parallel_loop3A_153 : vector<16xi32>
      %parallel_loop3A_155 = arith.shrui %parallel_loop3A_148, %parallel_loop3A_154 : vector<16xi32>
      %parallel_loop3A_156 = arith.constant 255 : i32
      %parallel_loop3A_157 = vector.broadcast %parallel_loop3A_156 : i32 to vector<16xi32>
      %parallel_loop3A_158 = arith.andi %parallel_loop3A_155, %parallel_loop3A_157 : vector<16xi32>
      %parallel_loop3A_159 = arith.constant 2 : i32
      %parallel_loop3A_160 = vector.broadcast %parallel_loop3A_159 : i32 to vector<16xi32>
      %parallel_loop3A_161 = arith.shrui %parallel_loop3A_140, %parallel_loop3A_160 : vector<16xi32>
      %parallel_loop3A_162 = tpu.vector_load_idx %arg12[%parallel_loop3A_161] : memref<25008xi32, #tpu.memory_space<vmem>>[vector<16xi32>], vector<16xi32>,
      %parallel_loop3A_163 = arith.constant 3 : i32
      %parallel_loop3A_164 = vector.broadcast %parallel_loop3A_163 : i32 to vector<16xi32>
      %parallel_loop3A_165 = arith.andi %parallel_loop3A_140, %parallel_loop3A_164 : vector<16xi32>
      %parallel_loop3A_166 = arith.constant 3 : i32
      %parallel_loop3A_167 = vector.broadcast %parallel_loop3A_166 : i32 to vector<16xi32>
      %parallel_loop3A_168 = arith.shli %parallel_loop3A_165, %parallel_loop3A_167 : vector<16xi32>
      %parallel_loop3A_169 = arith.shrui %parallel_loop3A_162, %parallel_loop3A_168 : vector<16xi32>
      %parallel_loop3A_170 = arith.constant 255 : i32
      %parallel_loop3A_171 = vector.broadcast %parallel_loop3A_170 : i32 to vector<16xi32>
      %parallel_loop3A_172 = arith.andi %parallel_loop3A_169, %parallel_loop3A_171 : vector<16xi32>
      %parallel_loop3A_173 = arith.constant 100 : i32
      %parallel_loop3A_174 = vector.broadcast %parallel_loop3A_173 : i32 to vector<16xi32>
      %parallel_loop3A_175 = arith.muli %parallel_loop3A_158, %parallel_loop3A_174 : vector<16xi32>
      %parallel_loop3A_176 = arith.addi %parallel_loop3A_175, %parallel_loop3A_172 : vector<16xi32>
      %parallel_loop3A_177 = tpu.vector_load_idx %arg13[%parallel_loop3A_176] : memref<10000xf32, #tpu.memory_space<vmem>>[vector<16xi32>], vector<16xf32>,
      %parallel_loop3A_178 = tpu.vector_load_idx %arg14[%parallel_loop3A_176] : memref<10000xf32, #tpu.memory_space<vmem>>[vector<16xi32>], vector<16xf32>,
      %parallel_loop3A_179 = arith.mulf %parallel_loop3A_144, %parallel_loop3A_177 : vector<16xf32>
      %parallel_loop3A_180 = arith.constant 9.99999993E-9 : f32
      %parallel_loop3A_181 = vector.broadcast %parallel_loop3A_180 : f32 to vector<16xf32>
      %parallel_loop3A_182 = arith.addf %parallel_loop3A_142, %parallel_loop3A_181 : vector<16xf32>
      %parallel_loop3A_183 = arith.divf %parallel_loop3A_179, %parallel_loop3A_182 : vector<16xf32>
      %parallel_loop3A_184 = arith.mulf %parallel_loop3A_142, %parallel_loop3A_178 : vector<16xf32>
      %parallel_loop3A_185 = arith.mulf %gather3A, %parallel_loop3A_184 : vector<16xf32>
      %parallel_loop3A_186 = math.exp %parallel_loop3A_185 : vector<16xf32>
      %parallel_loop3A_187 = arith.mulf %gather3A_15, %parallel_loop3A_186 : vector<16xf32>
      %parallel_loop3A_188 = arith.mulf %gather3A_6, %parallel_loop3A_184 : vector<16xf32>
      %parallel_loop3A_189 = math.exp %parallel_loop3A_188 : vector<16xf32>
      %parallel_loop3A_190 = arith.mulf %gather3A_18, %parallel_loop3A_189 : vector<16xf32>
      %parallel_loop3A_191 = arith.addf %parallel_loop3A_187, %parallel_loop3A_190 : vector<16xf32>
      %parallel_loop3A_192 = arith.mulf %gather3A_9, %parallel_loop3A_184 : vector<16xf32>
      %parallel_loop3A_193 = math.exp %parallel_loop3A_192 : vector<16xf32>
      %parallel_loop3A_194 = arith.mulf %gather3A_21, %parallel_loop3A_193 : vector<16xf32>
      %parallel_loop3A_195 = arith.addf %parallel_loop3A_191, %parallel_loop3A_194 : vector<16xf32>
      %parallel_loop3A_196 = arith.mulf %gather3A_12, %parallel_loop3A_184 : vector<16xf32>
      %parallel_loop3A_197 = math.exp %parallel_loop3A_196 : vector<16xf32>
      %parallel_loop3A_198 = arith.mulf %gather3A_24, %parallel_loop3A_197 : vector<16xf32>
      %parallel_loop3A_199 = arith.addf %parallel_loop3A_195, %parallel_loop3A_198 : vector<16xf32>
      %parallel_loop3A_200 = arith.constant 0.666666686 : f32
      %parallel_loop3A_201 = vector.broadcast %parallel_loop3A_200 : f32 to vector<16xf32>
      %parallel_loop3A_202 = arith.mulf %parallel_loop3A_142, %parallel_loop3A_201 : vector<16xf32>
      %parallel_loop3A_203 = arith.constant 1.000000e+00 : f32
      %parallel_loop3A_204 = vector.broadcast %parallel_loop3A_203 : f32 to vector<16xf32>
      %parallel_loop3A_205 = arith.subf %parallel_loop3A_204, %parallel_loop3A_202 : vector<16xf32>
      %parallel_loop3A_206 = arith.constant 1.000000e+00 : f32
      %parallel_loop3A_207 = vector.broadcast %parallel_loop3A_206 : f32 to vector<16xf32>
      %parallel_loop3A_208 = arith.divf %parallel_loop3A_207, %parallel_loop3A_205 : vector<16xf32>
      %parallel_loop3A_209 = arith.constant 9.99999993E-9 : f32
      %parallel_loop3A_210 = vector.broadcast %parallel_loop3A_209 : f32 to vector<16xf32>
      %parallel_loop3A_211 = arith.maximumf %parallel_loop3A_202, %parallel_loop3A_210 : vector<16xf32>
      %parallel_loop3A_212 = arith.constant 1.000000e+00 : f32
      %parallel_loop3A_213 = vector.broadcast %parallel_loop3A_212 : f32 to vector<16xf32>
      %parallel_loop3A_214 = arith.divf %parallel_loop3A_213, %parallel_loop3A_211 : vector<16xf32>
      %parallel_loop3A_215 = arith.subf %parallel_loop3A_208, %parallel_loop3A_214 : vector<16xf32>
      %parallel_loop3A_216 = math.exp %parallel_loop3A_215 : vector<16xf32>
      %parallel_loop3A_217 = arith.constant 1.000000e+00 : f32
      %parallel_loop3A_218 = vector.broadcast %parallel_loop3A_217 : f32 to vector<16xf32>
      %parallel_loop3A_219 = arith.addf %parallel_loop3A_218, %parallel_loop3A_216 : vector<16xf32>
      %parallel_loop3A_220 = arith.constant 1.000000e+00 : f32
      %parallel_loop3A_221 = vector.broadcast %parallel_loop3A_220 : f32 to vector<16xf32>
      %parallel_loop3A_222 = arith.divf %parallel_loop3A_221, %parallel_loop3A_219 : vector<16xf32>
      %parallel_loop3A_223 = arith.mulf %parallel_loop3A_222, %parallel_loop3A_183 : vector<16xf32>
      %parallel_loop3A_224 = arith.mulf %parallel_loop3A_223, %parallel_loop3A_199 : vector<16xf32>
      %parallel_loop3A_225 = arith.index_cast %parallel_loop3A_136 : i32 to index
      %parallel_loop3A_226 = tpu.vector_load %arg29[%parallel_loop3A_225] {strides = array<i32>} : memref<4000xf32, #tpu.memory_space<vmem>>, vector<16xf32>,
      tpu.vector_store %arg29[%parallel_loop3A_225], %parallel_loop3A_224 {strides = array<i32>} : memref<4000xf32, #tpu.memory_space<vmem>>, vector<16xf32>,
    } {sc.loop_unroll_factor = 2 : i64, sc.parallel_access}
    %dma_start3A_108 = arith.constant 0 : i32
    %dma_start3A_109 = tpu.memref_slice %arg31[%dma_start3A_108] : memref<100000xf32, #tpu.memory_space<vmem_shared>> -> memref<100000xf32, #tpu.memory_space<vmem_shared>>
    tpu.enqueue_indirect_dma source(%arg29 : memref<4000xf32, #tpu.memory_space<vmem>>) target(%dma_start3A_109 : memref<100000xf32, #tpu.memory_space<vmem_shared>>) offsets(%arg26 : memref<4000xi32, #tpu.memory_space<vmem>>) semaphore(%arg36 : memref<!tpu.dma_semaphore, #tpu.memory_space<semaphore_mem>>) {add = true}
    %dma_wait3A_110 = arith.constant 0 : i32
    %dma_wait3A_111 = tpu.memref_slice %arg31[%dma_wait3A_110] : memref<100000xf32, #tpu.memory_space<vmem_shared>> -> memref<100000xf32, #tpu.memory_space<vmem_shared>>
    tpu.wait_indirect_dma semaphore(%arg35 : memref<!tpu.dma_semaphore, #tpu.memory_space<semaphore_mem>>) src(%arg28 : memref<4000xf32, #tpu.memory_space<vmem>>) dst(%dma_wait3A_111 : memref<100000xf32, #tpu.memory_space<vmem_shared>>)
    %dma_wait3A_112 = arith.constant 0 : i32
    %dma_wait3A_113 = tpu.memref_slice %arg31[%dma_wait3A_112] : memref<100000xf32, #tpu.memory_space<vmem_shared>> -> memref<100000xf32, #tpu.memory_space<vmem_shared>>
    tpu.wait_indirect_dma semaphore(%arg36 : memref<!tpu.dma_semaphore, #tpu.memory_space<semaphore_mem>>) src(%arg29 : memref<4000xf32, #tpu.memory_space<vmem>>) dst(%dma_wait3A_113 : memref<100000xf32, #tpu.memory_space<vmem_shared>>)
    %dma_wait3A_114 = arith.constant 0 : i32
    %dma_wait3A_115 = tpu.memref_slice %arg2[%dma_wait3A_114] : memref<6400000xf32, #tpu.memory_space<hbm>> -> memref<4000xf32, #tpu.memory_space<hbm>>
    %dma_wait3A_116 = arith.constant 0 : i32
    %dma_wait3A_117 = tpu.memref_slice %arg2[%dma_wait3A_116] : memref<6400000xf32, #tpu.memory_space<hbm>> -> memref<4000xf32, #tpu.memory_space<hbm>>
    tpu.wait_dma2 semaphore(%arg34 : memref<!tpu.dma_semaphore, #tpu.memory_space<semaphore_mem>>) src(%dma_wait3A_117 : memref<4000xf32, #tpu.memory_space<hbm>>) dst(%arg18 : memref<4000xf32, #tpu.memory_space<vmem>>)
    %dma_wait3A_118 = arith.constant 0 : i32
    %dma_wait3A_119 = tpu.memref_slice %arg3[%dma_wait3A_118] : memref<6400000xf32, #tpu.memory_space<hbm>> -> memref<4000xf32, #tpu.memory_space<hbm>>
    %dma_wait3A_120 = arith.constant 0 : i32
    %dma_wait3A_121 = tpu.memref_slice %arg3[%dma_wait3A_120] : memref<6400000xf32, #tpu.memory_space<hbm>> -> memref<4000xf32, #tpu.memory_space<hbm>>
    tpu.wait_dma2 semaphore(%arg34 : memref<!tpu.dma_semaphore, #tpu.memory_space<semaphore_mem>>) src(%dma_wait3A_121 : memref<4000xf32, #tpu.memory_space<hbm>>) dst(%arg21 : memref<4000xf32, #tpu.memory_space<vmem>>)
    %dma_wait3A_122 = arith.constant 0 : i32
    %dma_wait3A_123 = tpu.memref_slice %arg4[%dma_wait3A_122] : memref<6400000xi32, #tpu.memory_space<hbm>> -> memref<4000xi32, #tpu.memory_space<hbm>>
    %dma_wait3A_124 = arith.constant 0 : i32
    %dma_wait3A_125 = tpu.memref_slice %arg4[%dma_wait3A_124] : memref<6400000xi32, #tpu.memory_space<hbm>> -> memref<4000xi32, #tpu.memory_space<hbm>>
    tpu.wait_dma2 semaphore(%arg34 : memref<!tpu.dma_semaphore, #tpu.memory_space<semaphore_mem>>) src(%dma_wait3A_125 : memref<4000xi32, #tpu.memory_space<hbm>>) dst(%arg24 : memref<4000xi32, #tpu.memory_space<vmem>>)
    %dma_wait3A_126 = arith.constant 0 : i32
    %dma_wait3A_127 = tpu.memref_slice %arg5[%dma_wait3A_126] : memref<6400000xi32, #tpu.memory_space<hbm>> -> memref<4000xi32, #tpu.memory_space<hbm>>
    %dma_wait3A_128 = arith.constant 0 : i32
    %dma_wait3A_129 = tpu.memref_slice %arg5[%dma_wait3A_128] : memref<6400000xi32, #tpu.memory_space<hbm>> -> memref<4000xi32, #tpu.memory_space<hbm>>
    tpu.wait_dma2 semaphore(%arg34 : memref<!tpu.dma_semaphore, #tpu.memory_space<semaphore_mem>>) src(%dma_wait3A_129 : memref<4000xi32, #tpu.memory_space<hbm>>) dst(%arg27 : memref<4000xi32, #tpu.memory_space<vmem>>)
    %barrier3A_130 = arith.constant 0 : index
    tpu.barrier barrier_id(%barrier3A_130)
    %eq3A_131 = arith.constant 0 : i32
    %eq3A_132 = arith.cmpi eq, %arg1, %eq3A_131 : i32
    %convert_element_type3A_133 = arith.extui %eq3A_132 : i1 to i32
    %cond3A_134 = arith.constant 0 : i32
    %cond3A_135 = arith.cmpi ne, %convert_element_type3A_133, %cond3A_134 : i32
    scf.if %cond3A_135 {
      "tpu.region"() ({
        %run_scoped3A = tpu.sem_alloc : memref<!tpu.dma_semaphore, #tpu.memory_space<semaphore_mem>>
        %dma_start3A_136 = arith.constant 0 : i32
        %dma_start3A_137 = tpu.memref_slice %arg11[%arg0, %dma_start3A_136] : memref<2x100000xf32, #tpu.memory_space<hbm>> -> memref<1x100000xf32, #tpu.memory_space<hbm>>
        %dma_start3A_138 = tpu.memref_squeeze %dma_start3A_137 : memref<1x100000xf32, #tpu.memory_space<hbm>> -> memref<100000xf32, #tpu.memory_space<hbm>>
        tpu.enqueue_dma source(%arg31 : memref<100000xf32, #tpu.memory_space<vmem_shared>>) target(%dma_start3A_138 : memref<100000xf32, #tpu.memory_space<hbm>>) target_semaphore(%run_scoped3A : memref<!tpu.dma_semaphore, #tpu.memory_space<semaphore_mem>>)
        %dma_wait3A_139 = arith.constant 0 : i32
        %dma_wait3A_140 = tpu.memref_slice %arg11[%arg0, %dma_wait3A_139] : memref<2x100000xf32, #tpu.memory_space<hbm>> -> memref<1x100000xf32, #tpu.memory_space<hbm>>
        %dma_wait3A_141 = tpu.memref_squeeze %dma_wait3A_140 : memref<1x100000xf32, #tpu.memory_space<hbm>> -> memref<100000xf32, #tpu.memory_space<hbm>>
        tpu.wait_dma2 semaphore(%run_scoped3A : memref<!tpu.dma_semaphore, #tpu.memory_space<semaphore_mem>>) src(%arg31 : memref<100000xf32, #tpu.memory_space<vmem_shared>>) dst(%dma_wait3A_141 : memref<100000xf32, #tpu.memory_space<hbm>>)
        tpu.yield
      }) : () -> ()
    } else {
    }
    return
  }
}

module attributes {stable_mosaic.version = 14 : i64} {
  func.func @_combine_body(%arg0: memref<2x100000xf32, #tpu.memory_space<vmem>>, %arg1: memref<100000xf32, #tpu.memory_space<vmem>>) attributes {dimension_semantics = [], scalar_prefetch = 0 : i64, scratch_operands = 0 : i64, tpu.core_type = #tpu.core_type<tc>} {
    %get3A = arith.constant 0 : index
    %get3A_0 = arith.constant 0 : index
    %get3A_1 = vector.load %arg0[%get3A, %get3A_0] : memref<2x100000xf32, #tpu.memory_space<vmem>>, vector<1x100000xf32>
    %get3A_2 = vector.shape_cast %get3A_1 : vector<1x100000xf32> to vector<100000xf32>
    %get3A_3 = arith.constant 1 : index
    %get3A_4 = arith.constant 0 : index
    %get3A_5 = vector.load %arg0[%get3A_3, %get3A_4] : memref<2x100000xf32, #tpu.memory_space<vmem>>, vector<1x100000xf32>
    %get3A_6 = vector.shape_cast %get3A_5 : vector<1x100000xf32> to vector<100000xf32>
    %add3A = arith.addf %get3A_2, %get3A_6 : vector<100000xf32>
    %swap3A = arith.constant 0 : index
    %swap3A_7 = vector.load %arg1[%swap3A] : memref<100000xf32, #tpu.memory_space<vmem>>, vector<100000xf32>
    tpu.vector_store %arg1[%swap3A], %add3A {strides = array<i32>} : memref<100000xf32, #tpu.memory_space<vmem>>, vector<100000xf32>,
    return
  }
}

</mosaic_0001>

<sc_bundles>
// kernel: kernel.4.cloned.1.call-start
scs
__scs_entry_jumppad:
0x0: {  	(pc) =	sbr.rel $0x88, $3  }
0x1: {  	(tag) =	ssettag $0x0;
	lr =	simm.s32 $0x1  }
0x2: {  	[smem:$0x3F97] =	sst lr;
	_ =	strace $0xD0000000  }
0x3: {  	_ = 	snop  }
0x4: {  	_ = 	snop  }
0x5: {  	_ = 	snop  }
0x6: {  	_ = 	snop  }
0x7: {  	_ = 	snop  }
__scs_overlays_trampoline_lowered:
0x8: {  	[smem:$0x3FA6] =	sst s0  }
0x9: {  	[smem:$0x3FA7] =	sst s1  }
0xa: {  	[smem:$0x3FA8] =	sst s2  }
0xb: {  	[smem:$0x3FA9] =	sst s3  }
0xc: {  	[smem:$0x3FAA] =	sst s4  }
0xd: {  	[smem:$0x3FAB] =	sst s5  }
0xe: {  	[smem:$0x3FAC] =	sst s6  }
0xf: {  	[smem:$0x3FAD] =	sst s7  }
0x10: {  	[smem:$0x3FAE] =	sst s8  }
0x11: {  	[smem:$0x3FAF] =	sst s9;
	s0 =	simm.s32 @!p0 $0x0  }
0x12: {  	s1 =	sld [smem:$0x3F95];
	s0 =	simm.s32 @p0 $0x1  }
0x13: {  	[smem:$0x3FB0] =	sst s0;
	s0 =	simm.s32 @!p1 $0x0  }
0x14: {  	s2 =	sld [smem:$0x3F94];
	s0 =	simm.s32 @p1 $0x1  }
0x15: {  	[smem:$0x3FB1] =	sst s0;
	s0 =	simm.s32 @!p2 $0x0  }
0x16: {  	s3 =	sld [smem:$0x3FDB];
	s0 =	simm.s32 @p2 $0x1  }
0x17: {  	s4 =	simm.s32 $0x1BF5;
	[smem:$0x3FB3] =	sst s0  }
0x18: {  	s0 =	sld [smem:$0x3F96];
	_ =	swait.ge [sflag:s4], $0x0  }
0x19: {  	s7 =	sld [smem:$0x3F97]  }
0x1a: {  	s8 =	sadd.s32 $0xFFFFE003, lr  }
0x1b: {  	s9 =	sadd.s32 $0xFFFFFEF7, lr;
	s5 =	simm.s32 $0xFFFFFFFF;
	p2 =	slt.u32 s8, $0xFFFFF086  }
0x1c: {  	p1 =	slt.u32 s9, $0xF7A;
	s5 =	simm.s32 @!p2 $0x0  }
0x1d: {  	s5 =	simm.s32 @p1 $0x1;
	p0 =	seq.s32 s7, s2  }
0x1e: {  	s7 =	smul.u32 @!p0 $0xF7A, s2;
	p2 =	seq.s32 @!p0 s5, $0x0  }
0x1f: {  	s9 =	smul.u32 $0xF7A, s1;
	s8 =	simm.s32 @!p0 $0x1BF5;
	p2 =	por !p2, p0  }
0x20: {  	[sflag:s8] =	ssyncset.s32 @!p0 $0xFFFFF086;
	s6 =	sadd.s32 @!p0 s3, s7;
	s7 =	simm.s32 @!p0 $0x108  }
0x21: {  	s3 =	sadd.s32 s3, s9;
	s6 =	sadd.s32 @!p0 $0x88, s6;
	s7 =	simm.s32 @p2 $0x1082  }
0x22: {  	[simem:s7], [sflag:s8] =	dma.local @!p0 [hbm:s6], $0xF7A  }
0x23: {  	s9 =	sor.u32 $0xD0000000, s2;
	s6 =	simm.s32 $0x108;
	_ =	swait.ge @!p0 [sflag:s8], $0x0  }
0x24: {  	s3 =	sadd.s32 $0x88, s3;
	s6 =	simm.s32 @!p1 $0x1082;
	[sflag:s4] =	ssyncset.s32 $0xFFFFF086  }
0x25: {  	[simem:s6], [sflag:s4] =	dma.local [hbm:s3], $0xF7A  }
0x26: {  	[smem:$0x3F97] =	sst s1;
	(tag) =	ssettag s2;
	_ =	strace s9  }
0x27: {  	s1 =	sld [smem:$0x3FA7]  }
0x28: {  	s2 =	sld [smem:$0x3FA8]  }
0x29: {  	s4 =	sld [smem:$0x3FAA]  }
0x2a: {  	p0 =	seq.s32 s5, $0x0;
	s5 =	sld [smem:$0x3FAB]  }
0x2b: {  	s6 =	sld [smem:$0x3FAC]  }
0x2c: {  	s7 =	sld [smem:$0x3FAD]  }
0x2d: {  	s3 =	simm.s32 $0x108;
	s8 =	sld [smem:$0x3FAE]  }
0x2e: {  	s3 =	simm.s32 @!p0 $0x1082;
	s9 =	sld [smem:$0x3FAF]  }
0x2f: {  	lr =	sadd.s32 s0, s3;
	s0 =	sld [smem:$0x3FA6]  }
0x30: {  	s3 =	sld [smem:$0x3FA9]  }
0x31: {  	[smem:$0x3FB2] =	sst s10  }
0x32: {  	s10 =	sld [smem:$0x3FB0];
	_ =	sdelay $0x3  }
0x33: {  	p0 =	seq.s32 s10, $0x1;
	s10 =	sld [smem:$0x3FB2];
	_ =	sdelay $0x3  }
0x34: {  	[smem:$0x3FB2] =	sst s10  }
0x35: {  	s10 =	sld [smem:$0x3FB1];
	_ =	sdelay $0x3  }
0x36: {  	p1 =	seq.s32 s10, $0x1;
	s10 =	sld [smem:$0x3FB2];
	_ =	sdelay $0x3  }
0x37: {  	[smem:$0x3FB2] =	sst s10  }
0x38: {  	s10 =	sld [smem:$0x3FB3]  }
0x39: {  	_ = 	snop;
	(pc) =	sbr.ind lr, $3  }
0x3a: {  	_ = 	snop  }
0x3b: {  	_ = 	snop  }
0x3c: {  	p2 =	seq.s32 s10, $0x1;
	s10 =	sld [smem:$0x3FB2]  }
0x3d: {  	_ =	shalt  }
0x3e: {  	_ =	shalt  }
0x3f: {  	_ =	shalt  }
0x40: {  	_ =	shalt  }
0x41: {  	_ =	shalt  }
0x42: {  	_ =	shalt  }
0x43: {  	_ =	shalt  }
0x44: {  	_ =	shalt  }
0x45: {  	_ =	shalt  }
0x46: {  	_ =	shalt  }
0x47: {  	_ =	shalt  }
0x48: {  	_ =	shalt  }
0x49: {  	_ =	shalt  }
0x4a: {  	_ =	shalt  }
0x4b: {  	_ =	shalt  }
0x4c: {  	_ =	shalt  }
0x4d: {  	_ =	shalt  }
0x4e: {  	_ =	shalt  }
0x4f: {  	_ =	shalt  }
0x50: {  	_ =	shalt  }
0x51: {  	_ =	shalt  }
0x52: {  	_ =	shalt  }
0x53: {  	_ =	shalt  }
0x54: {  	_ =	shalt  }
0x55: {  	_ =	shalt  }
0x56: {  	_ =	shalt  }
0x57: {  	_ =	shalt  }
0x58: {  	_ =	shalt  }
0x59: {  	_ =	shalt  }
0x5a: {  	_ =	shalt  }
0x5b: {  	_ =	shalt  }
0x5c: {  	_ =	shalt  }
0x5d: {  	_ =	shalt  }
0x5e: {  	_ =	shalt  }
0x5f: {  	_ =	shalt  }
0x60: {  	_ =	shalt  }
0x61: {  	_ =	shalt  }
0x62: {  	_ =	shalt  }
0x63: {  	_ =	shalt  }
0x64: {  	_ =	shalt  }
0x65: {  	_ =	shalt  }
0x66: {  	_ =	shalt  }
0x67: {  	_ =	shalt  }
0x68: {  	_ =	shalt  }
0x69: {  	_ =	shalt  }
0x6a: {  	_ =	shalt  }
0x6b: {  	_ =	shalt  }
0x6c: {  	_ =	shalt  }
0x6d: {  	_ =	shalt  }
0x6e: {  	_ =	shalt  }
0x6f: {  	_ =	shalt  }
0x70: {  	_ =	shalt  }
0x71: {  	_ =	shalt  }
0x72: {  	_ =	shalt  }
0x73: {  	_ =	shalt  }
0x74: {  	_ =	shalt  }
0x75: {  	_ =	shalt  }
0x76: {  	_ =	shalt  }
0x77: {  	_ =	shalt  }
0x78: {  	_ =	shalt  }
0x79: {  	_ =	shalt  }
0x7a: {  	_ =	shalt  }
0x7b: {  	_ =	shalt  }
0x7c: {  	_ =	shalt  }
0x7d: {  	_ =	shalt  }
0x7e: {  	_ =	shalt  }
0x7f: {  	_ =	shalt  }
0x80: {  	_ =	shalt  }
0x81: {  	_ =	shalt  }
0x82: {  	_ =	shalt  }
0x83: {  	_ =	shalt  }
0x84: {  	_ =	shalt  }
0x85: {  	_ =	shalt  }
0x86: {  	_ =	shalt  }
0x87: {  	_ =	shalt  }
.Lfunc_end0:
.L_simem_size_0:
called_computation_lowered:
.L_overlay_start_0:
0x88: {  	s2 =	sld [smem:$0x3FD9]  }
0x89: {  	s3 =	sld [smem:$0x3FFE];
	_ =	sdelay $0x1  }
0x8a: {  	s1 =	srdreg.scid  }
0x8b: {  	s0 =	sand.u32 $0x1, s1  }
0x8c: {  	s17 =	sshll.u32 s0, $0xA;
	s2 =	sadd.s32 s3, s2  }
0x8d: {  	s2 =	sadd.s32 s2, s17  }
0x8e: {  	[smem:$0x3FBE] =	sst s2  }
0x8f: {  	_ = 	snop  }
0x90: {  	s2 =	sld [smem:$0x3FC8]  }
0x91: {  	s18 =	sld [smem:$0x3FC7]  }
0x92: {  	s4 =	sld [smem:$0x3FC6]  }
0x93: {  	s5 =	sld [smem:$0x3FC5]  }
0x94: {  	s6 =	sld [smem:$0x3FD0];
	(tm) =	ssettm $0x1  }
0x95: {  	s7 =	sld [smem:$0x3FFB];
	_ =	sdelay $0x3  }
0x96: {  	_ =	strace s7  }
0x97: {  	s7 =	sld [smem:$0x3FFC];
	_ =	sdelay $0x3  }
0x98: {  	_ =	strace s7  }
0x99: {  	s7 =	sld [smem:$0x3FFD];
	_ =	sdelay $0x3  }
0x9a: {  	_ =	strace s7  }
0x9b: {  	_ =	strace $0x8FFFFFFF  }
0x9c: {  	s19 =	sld [smem:$0x3FDB];
	_ =	sdelay $0x1  }
0x9d: {  	s8 =	simm.s32 $_scs_section_size  }
0x9e: {  	s9 =	simm.s32 $_size__tile_overlayer_lowered;
	s10 =	simm.s32 $_tile_overlayer_lowered  }
0x9f: {  	s22 =	simm.s32 $0x1BFF;
	s21 =	sshll.u32 s10, $0x1;
	s7 =	sadd.s32 s8, s19  }
0xa0: {  	s11 =	simm.s32 $0x0;
	s20 =	sshll.u32 s9, $0x1;
	s9 =	sadd.s32 s21, s7  }
0xa1: {  	[timem:s11], [sflag:s22] =	dma.local [hbm:s9], s20  }
0xa2: {  	_ =	swait.ge [sflag:s22], s20  }
0xa3: {  	s8 =	ssub.s32 $0x0, s20;
	[sflag:s22] =	ssyncset.done $0x0  }
0xa4: {  	[sflag:s22] =	ssyncadd.s32 s8;
	_ =	sdelay $0x1  }
0xa5: {  	s23 =	simm.s32 $0x1B8B  }
0xa6: {  	_ =	swait.ge [sflag:s23], $0x1  }
0xa7: {  	[sflag:s23] =	ssyncset.done $0x0  }
0xa8: {  	s25 =	simm.s32 $0x1B8E;
	s24 =	sld [smem:$0x3FFE];
	[sflag:s23] =	ssyncadd.s32 $0xFFFFFFFF  }
0xa9: {  	s26 =	simm.s32 $execute0_lowered;
	[smem:$0x3FD2] =	sst s25  }
0xaa: {  	s9 =	sshll.u32 s26, $0x1;
	_ =	strace $0x80000046;
	[dreg:$0x1] =	wrdreg $0xFFFFFFFF  }
0xab: {  	s28 =	simm.s32 $_size_execute0_lowered;
	s7 =	sadd.s32 s7, s9;
	[dreg:$0x0] =	wrdreg $0x0  }
0xac: {  	s9 =	sshll.u32 s28, $0x1;
	[dreg:$0x2] =	wrdreg s7  }
0xad: {  	[dreg:$0x3] =	wrdreg s9  }
0xae: {  	[dreg:$0x4] =	wrdreg $0xC0  }
0xaf: {  	_ =	task [dreg:s11], $0x5FFFF  }
0xb0: {  	[dreg:$0x1] =	wrdreg $0xFFFFFFFF  }
0xb1: {  	[dreg:$0x0] =	wrdreg $0x60  }
0xb2: {  	[dreg:$0x2] =	wrdreg s2  }
0xb3: {  	[dreg:$0x3] =	wrdreg s18  }
0xb4: {  	[dreg:$0x4] =	wrdreg s4  }
0xb5: {  	[dreg:$0x5] =	wrdreg s5  }
0xb6: {  	[dreg:$0x6] =	wrdreg s24  }
0xb7: {  	[dreg:$0x7] =	wrdreg s6  }
0xb8: {  	[dreg:$0x8] =	wrdreg $0x1A1800  }
0xb9: {  	[dreg:$0x9] =	wrdreg $0x9  }
0xba: {  	_ =	task.clear_ibuf [dreg:s11], $0xAFFFF;
	_ =	strace $0x90000046  }
0xbb: {  	s29 =	simm.s32 $0x9;
	_ =	strace $0x80000048  }
0xbc: {  	_ =	swait.ge [sflag:s29], $0x1  }
0xbd: {  	[sflag:s29] =	ssyncadd.s32 $0xFFFFFFFF  }
0xbe: {  	_ =	strace $0x90000048  }
0xbf: {  	_ =	sfence  }
0xc0: {  	s30 =	sld [smem:$0x0];
	_ =	sdelay $0x2  }
0xc1: {  	s31 =	sshll.u32 s1, $0xD;
	s1 =	sshrl.u32 s1, $0x2  }
0xc2: {  	s3 =	sand.u32 $0x4000, s31;
	s1 =	sadd.s32 s1, s30  }
0xc3: {  	s0 =	sor.u32 s3, s0;
	s1 =	sshll.u32 s1, $0x11  }
0xc4: {  	s0 =	sor.u32 s1, s0  }
0xc5: {  	s0 =	sadd.s32 $0x8F2B, s0  }
0xc6: {  	[sflag:s0] =	ssyncadd.remote.s32 $0x1  }
0xc7: {  	_ =	sfence.sel $0xFFFF  }
0xc8: {  	[dreg:$0x0] =	wrdreg $0xFFFFFFFF;
	(pc) =	sbr.abs _section_cstart, $3  }
0xc9: {  	[dreg:$0x1] =	wrdreg $0xFFFFFFFF  }
0xca: {  	_ =	task.clear_ibuf [dreg:s11], $0x2FFFF;
	_ =	strace $0x9FFFFFFF  }
0xcb: {  	(tm) =	ssettm $0x7FFFFFFF  }
tec
execute0_lowered:
.L_overlay_start_1:
0x0: {  	(tag) =	ssettag $0x1  }
0x1: {  	s0 =	rddreg [dreg:$0x0]  }
0x2: {  	s1 =	rddreg [dreg:$0x1]  }
0x3: {  	s2 =	rddreg [dreg:$0x2]  }
0x4: {  	s4 =	rddreg [dreg:$0x3]  }
0x5: {  	s3 =	rddreg [dreg:$0x4]  }
0x6: {  	s6 =	rddreg [dreg:$0x6]  }
0x7: {  	s5 =	srdreg.scid;
	s7 =	simm.s32 $0x0;
	s9 =	stileid.u32  }
0x8: {  	s31 =	simm.s32 $0x6200;
	s30 =	simm.s32 $0x18180;
	s28 =	simm.s32 $0x2  }
0x9: {  	s29 =	simm.s32 $0x6;
	s5 =	sand.u32 $0x1, s5;
	[smem:$0x7FF] =	sst s7  }
0xa: {  	s11 =	sadd.s32 $0x1200, s3;
	s22 =	sadd.s32 $0x600, s3;
	s23 =	sadd.s32 $0xC00, s3  }
0xb: {  	s24 =	sadd.s32 $0x2000, s3;
	_ =	strace $0x80000047;
	[dreg:$0x8] =	wrdreg s11  }
0xc: {  	p0 =	sne.s32 s9, $0x0;
	s8 =	sshll.u32 s5, $0x4;
	[dreg:$0x9] =	wrdreg s22  }
0xd: {  	[dreg:$0xa] =	wrdreg s23;
	s5 =	ssub.s32 $0x2, s5;
	s10 =	sor.u32 s9, s8  }
0xe: {  	[dreg:$0xb] =	wrdreg s24;
	s3 =	sadd.s32 s8, s3;
	s10 =	smul.u32 $0x30D40, s10  }
0xf: {  	s25 =	sshrl.u32 s5, $0x1;
	s9 =	simm.s32 $0x0;
	s3 =	sadd.s32 $0x2200, s3  }
0x10: {  	s5 =	ssub.s32 s5, s25;
	[dreg:$0x18] =	wrdreg s3;
	s12 =	sshrl.u32 s10, $0x3  }
0x11: {  	s3 =	simm.s32 $0x8980;
	s16 =	sadd.s32 $0xFA0, s10;
	s26 =	sadd.s32 s0, s12  }
0x12: {  	s17 =	sadd.s32 $0x1F40, s10;
	s11 =	sadd.s32 s1, s12;
	[dreg:$0xc] =	wrdreg s26  }
0x13: {  	s18 =	sadd.s32 $0x2EE0, s10;
	s13 =	sadd.s32 s2, s12;
	[dreg:$0xd] =	wrdreg s11  }
0x14: {  	s14 =	sadd.s32 s4, s12;
	s15 =	sadd.s32 $0x5FB4, s12;
	[dreg:$0xe] =	wrdreg s13  }
0x15: {  	s10 =	smin.u32 s10, $0x5E8B20;
	[dreg:$0xf] =	wrdreg s14;
	s19 =	sadd.s32 s0, s15  }
0x16: {  	s10 =	sshrl.u32 s10, $0x3;
	s20 =	sadd.s32 s1, s15;
	[dreg:$0x10] =	wrdreg s19  }
0x17: {  	s21 =	sadd.s32 s2, s15;
	s8 =	sadd.s32 s4, s15;
	[dreg:$0x11] =	wrdreg s20  }
0x18: {  	s22 =	sadd.s32 $0x61A8, s10;
	s26 =	smax.u32 s5, $0x1;
	[dreg:$0x12] =	wrdreg s21  }
0x19: {  	s10 =	simm.s32 $0x15180;
	s11 =	simm.s32 $0xFA0;
	[dreg:$0x13] =	wrdreg s8  }
0x1a: {  	s13 =	simm.s32 $0x16180;
	s23 =	sadd.s32 s0, s22;
	[dreg:$0x19] =	wrdreg s26  }
0x1b: {  	s14 =	simm.s32 $0x3;
	s24 =	sadd.s32 s1, s22;
	[dreg:$0x14] =	wrdreg s23  }
0x1c: {  	v0 =	vimm.s32 $0x1;
	s15 =	simm.s32 $0x4;
	s25 =	sadd.s32 s2, s22;
	[dreg:$0x15] =	wrdreg s24  }
0x1d: {  	v1 =	vimm.s32 $0x2;
	v2 =	vimm.s32 $0x3;
	v3 =	vimm.s32 $0x4;
	s8 =	sadd.s32 s4, s22;
	s20 =	simm.s32 $0x14180;
	[dreg:$0x16] =	wrdreg s25  }
0x1e: {  	v4 =	vimm.s32 $0x5;
	v5 =	vimm.s32 $0x6;
	v6 =	vimm.s32 $0x7;
	s21 =	simm.s32 $0x1;
	s22 =	simm.s32 $0x5;
	[dreg:$0x17] =	wrdreg s8  }
.LBB2_1:
0x1f: {  	[dreg:$0x1a] =	wrdreg s9  }
0x20: {  	s5 =	rddreg [dreg:$0x8];
	s23 =	simm.s32 $0x7  }
0x21: {  	[tilespmem:s7], [sflag:$0x7] =	stream.linear.gather [hbm4b:s5+s7], $0x6200, $0x38;
	[tilespmem:$0x1B9F0] =	vst v63  }
0x22: {  	_ =	swait.ge [sflag:s23], $0x6200  }
0x23: {  	[sflag:s23] =	ssyncset.done $0x0  }
0x24: {  	s24 =	rddreg [dreg:$0x9];
	[sflag:s23] =	ssyncadd.s32 $0xFFFF9E00  }
0x25: {  	[tilespmem:s31], [sflag:$0x7] =	stream.linear.gather [hbm4b:s24+s7], $0x2780, $0x38;
	[tilespmem:$0x1B9F0] =	vst v63  }
0x26: {  	_ =	swait.ge [sflag:s23], $0x2780  }
0x27: {  	[sflag:s23] =	ssyncset.done $0x0  }
0x28: {  	s25 =	rddreg [dreg:$0xa];
	[sflag:s23] =	ssyncadd.s32 $0xFFFFD880  }
0x29: {  	[tilespmem:s3], [sflag:$0x7] =	stream.linear.gather [hbm4b:s25+s7], $0x2780, $0x38;
	[tilespmem:$0x1B9F0] =	vst v63  }
0x2a: {  	_ =	swait.ge [sflag:s23], $0x2780  }
0x2b: {  	[sflag:s23] =	ssyncset.done $0x0  }
0x2c: {  	s12 =	simm.s32 $0xB100;
	s26 =	rddreg [dreg:$0xb];
	[sflag:s23] =	ssyncadd.s32 $0xFFFFD880  }
0x2d: {  	[tilespmem:s12], [sflag:$0x7] =	stream.linear.gather [hbm4b:s26+s7], $0x80, $0x38;
	[tilespmem:$0x1B9F0] =	vst v63  }
0x2e: {  	_ =	swait.ge [sflag:s23], $0x80  }
0x2f: {  	s19 =	sshrl.u32 @!p0 s6, $0x3;
	[sflag:s23] =	ssyncset.done $0x0  }
0x30: {  	[dreg:$0x1b] =	wrdreg s19;
	[sflag:s23] =	ssyncadd.s32 $0xFFFFFF80  }
0x31: {  	s5 =	simm.s32 @!p0 $0x1C07;
	s8 =	rddreg [dreg:$0x5]  }
0x32: {  	[spmem:s19], [sflag:s5] =	dma.local @!p0 [hbm:s8], $0x30E0  }
0x33: {  	s5 =	simm.s32 @!p0 $0x7  }
0x34: {  	_ =	swait.ge @!p0 [sflag:s5], $0x30E0  }
0x35: {  	[sflag:s5] =	ssyncset.done @!p0 $0x0  }
0x36: {  	[sflag:s5] =	ssyncadd.s32 @!p0 $0xFFFFCF20  }
0x37: {  	[bflag:$0x0] =	sbarrier.arrive $0xFFFF  }
0x38: {  	v11 =	vld.msk [tilespmem:s12+$0x0], $0xffff  }
0x39: {  	v14 =	vld.idx.msk [tilespmem:v0+s12+$0x0], $0xffff  }
0x3a: {  	v13 =	vld.idx.msk [tilespmem:v1+s12+$0x0], $0xffff  }
0x3b: {  	v12 =	vld.idx.msk [tilespmem:v2+s12+$0x0], $0xffff  }
0x3c: {  	v9 =	vld.idx.msk [tilespmem:v3+s12+$0x0], $0xffff  }
0x3d: {  	v10 =	vld.idx.msk [tilespmem:v4+s12+$0x0], $0xffff  }
0x3e: {  	v8 =	vld.idx.msk [tilespmem:v5+s12+$0x0], $0xffff  }
0x3f: {  	v7 =	vld.idx.msk [tilespmem:v6+s12+$0x0], $0xffff;
	[tilespmem:s30], [sflag:$0x7] =	stream.linear.gather [hbm4b:s8+s7], $0xFA0, $0x38  }
0x40: {  	_ =	swait.ge [sflag:s23], $0xFA0  }
0x41: {  	[sflag:s23] =	ssyncset.done $0x0  }
0x42: {  	[sflag:s23] =	ssyncadd.s32 $0xFFFFF060  }
0x43: {  	[tilespmem:s10], [sflag:$0x7] =	stream.linear.gather [hbm4b:s4+s7], $0xFA0, $0x38;
	[tilespmem:$0x1B9F0] =	vst v63  }
0x44: {  	_ =	swait.ge [sflag:s23], $0xFA0  }
0x45: {  	[sflag:s23] =	ssyncset.done $0x0  }
0x46: {  	[sflag:s23] =	ssyncadd.s32 $0xFFFFF060  }
0x47: {  	[spmem:s6] =	stream.indirect.scatter.add.f32 [tilespmem:s30], [sflag:$0x5], $0x1, s10, s11, $0xb8;
	[tilespmem:$0x1B9F0] =	vst v63  }
0x48: {  	s30 =	simm.s32 $0x19180  }
0x49: {  	[tilespmem:s30], [sflag:$0x7] =	stream.linear.gather [hbm4b:s8+s7], $0xFA0, $0x38;
	[tilespmem:$0x1B9F0] =	vst v63  }
0x4a: {  	_ =	swait.ge [sflag:s23], $0xFA0  }
0x4b: {  	[sflag:s23] =	ssyncset.done $0x0  }
0x4c: {  	[sflag:s23] =	ssyncadd.s32 $0xFFFFF060  }
0x4d: {  	[tilespmem:s13], [sflag:$0x7] =	stream.linear.gather [hbm4b:s4+s7], $0xFA0, $0x38;
	[tilespmem:$0x1B9F0] =	vst v63  }
0x4e: {  	_ =	swait.ge [sflag:s23], $0xFA0  }
0x4f: {  	[sflag:s23] =	ssyncset.done $0x0  }
0x50: {  	[sflag:s23] =	ssyncadd.s32 $0xFFFFF060  }
0x51: {  	[spmem:s6] =	stream.indirect.scatter.add.f32 [tilespmem:s30], [sflag:$0x6], $0x1, s13, s11, $0xb8;
	[tilespmem:$0x1B9F0] =	vst v63  }
0x52: {  	s19 =	simm.s32 $0xB180;
	s12 =	rddreg [dreg:$0xc]  }
0x53: {  	[tilespmem:s19], [sflag:$0x1] =	stream.linear.gather [hbm4b:s12+s7], $0xFA0, $0x38;
	[tilespmem:$0x1B9F0] =	vst v63  }
0x54: {  	s24 =	simm.s32 $0xE180;
	s23 =	rddreg [dreg:$0xd]  }
0x55: {  	[tilespmem:s24], [sflag:$0x1] =	stream.linear.gather [hbm4b:s23+s7], $0xFA0, $0x38;
	[tilespmem:$0x1B9F0] =	vst v63  }
0x56: {  	s26 =	simm.s32 $0x11180;
	s25 =	rddreg [dreg:$0xe]  }
0x57: {  	[tilespmem:s26], [sflag:$0x1] =	stream.linear.gather [hbm4b:s25+s7], $0xFA0, $0x38;
	[tilespmem:$0x1B9F0] =	vst v63  }
0x58: {  	s30 =	rddreg [dreg:$0xf];
	s19 =	simm.s32 $0x0  }
0x59: {  	[tilespmem:s20], [sflag:$0x1] =	stream.linear.gather [hbm4b:s30+s7], $0xFA0, $0x38;
	[tilespmem:$0x1B9F0] =	vst v63  }
.LBB2_2:
0x5a: {  	_ =	swait.ge [sflag:s21], $0xFA0  }
0x5b: {  	[sflag:s21] =	ssyncset.done $0x0  }
0x5c: {  	[sflag:s21] =	ssyncadd.s32 $0xFFFFF060  }
0x5d: {  	_ =	swait.ge [sflag:s21], $0xFA0  }
0x5e: {  	[sflag:s21] =	ssyncset.done $0x0  }
0x5f: {  	[sflag:s21] =	ssyncadd.s32 $0xFFFFF060  }
0x60: {  	_ =	swait.ge [sflag:s21], $0xFA0  }
0x61: {  	[sflag:s21] =	ssyncset.done $0x0  }
0x62: {  	[sflag:s21] =	ssyncadd.s32 $0xFFFFF060  }
0x63: {  	_ =	swait.ge [sflag:s21], $0xFA0  }
0x64: {  	s23 =	smul.u32 $0x2EE0, s19;
	[sflag:s21] =	ssyncset.done $0x0  }
0x65: {  	[sflag:s21] =	ssyncadd.s32 $0xFFFFF060  }
0x66: {  	s5 =	sadd.s32 s23, s16;
	_ =	swait.ge [sflag:s22], $0xFA0  }
0x67: {  	s5 =	sshrl.u32 s5, $0x3;
	[sflag:s22] =	ssyncset.done $0x0  }
0x68: {  	s9 =	simm.s32 $0xC180;
	s8 =	sadd.s32 s0, s5;
	[sflag:s22] =	ssyncadd.s32 $0xFFFFF060  }
0x69: {  	[tilespmem:s9], [sflag:$0x2] =	stream.linear.gather [hbm4b:s8+s7], $0xFA0, $0x38;
	[tilespmem:$0x1B9F0] =	vst v63  }
0x6a: {  	s24 =	simm.s32 $0xF180;
	s12 =	sadd.s32 s1, s5  }
0x6b: {  	[tilespmem:s24], [sflag:$0x2] =	stream.linear.gather [hbm4b:s12+s7], $0xFA0, $0x38;
	[tilespmem:$0x1B9F0] =	vst v63  }
0x6c: {  	s26 =	simm.s32 $0x12180;
	s25 =	sadd.s32 s2, s5  }
0x6d: {  	[tilespmem:s26], [sflag:$0x2] =	stream.linear.gather [hbm4b:s25+s7], $0xFA0, $0x38;
	[tilespmem:$0x1B9F0] =	vst v63  }
0x6e: {  	s5 =	sadd.s32 s4, s5;
	s8 =	simm.s32 $0x14190  }
0x6f: {  	[tilespmem:s10], [sflag:$0x2] =	stream.linear.gather [hbm4b:s5+s7], $0xFA0, $0x38;
	[tilespmem:$0x1B9F0] =	vst v63  }
0x70: {  	s9 =	simm.s32 $0x11190;
	v15 =	vld [tilespmem:s8+$0xFFFFFFF0]  }
0x71: {  	v16 =	vld [tilespmem:s9+$0xFFFFFFF0];
	_ =	sdelay $0x1  }
0x72: {  	v17 =	vld [tilespmem:s8+$0x0]  }
0x73: {  	v18 =	vld [tilespmem:s9+$0x0]  }
0x74: {  	v19 =	vshrl.u32 v15, $0x2  }
0x75: {  	v20 =	vshrl.u32 v16, $0x2;
	_ =	sdelay $0x1  }
0x76: {  	v21 =	vshrl.u32 v17, $0x2  }
0x77: {  	v22 =	vshrl.u32 v18, $0x2  }
0x78: {  	v19 =	vld.idx.msk [tilespmem:v19+s7+$0x0], $0xffff  }
0x79: {  	v20 =	vld.idx.msk [tilespmem:v20+s7+$0x0], $0xffff;
	_ =	sdelay $0x1  }
0x7a: {  	v15 =	vshll.u32 v15, $0x3;
	v21 =	vld.idx.msk [tilespmem:v21+s7+$0x0], $0xffff  }
0x7b: {  	s12 =	simm.s32 $0xB190;
	v16 =	vshll.u32 v16, $0x3;
	v15 =	vand.u32 $0x18, v15;
	v22 =	vld.idx.msk [tilespmem:v22+s7+$0x0], $0xffff  }
0x7c: {  	v16 =	vand.u32 $0x18, v16;
	v15 =	vshrl.u32 v19, v15;
	v19 =	vld [tilespmem:s12+$0xFFFFFFF0]  }
0x7d: {  	v17 =	vshll.u32 v17, $0x3;
	v16 =	vshrl.u32 v20, v16;
	v20 =	vld [tilespmem:s12+$0x0];
	v15 =	vand.u32 $0xFF, v15  }
0x7e: {  	v17 =	vand.u32 $0x18, v17;
	v15 =	vmul.u32 $0x64, v15  }
0x7f: {  	v18 =	vshll.u32 v18, $0x3;
	v17 =	vshrl.u32 v21, v17;
	v16 =	vand.u32 $0xFF, v16  }
0x80: {  	v17 =	vand.u32 $0xFF, v17;
	v15 =	vadd.s32 v16, v15;
	v16 =	vand.u32 $0x18, v18  }
0x81: {  	s24 =	simm.s32 $0x141B0;
	v17 =	vmul.u32 $0x64, v17;
	v16 =	vshrl.u32 v22, v16;
	v18 =	vmul.f32 $6.666666860e-01, v19  }
0x82: {  	v24 =	vld [tilespmem:s24+$0x0];
	v21 =	vmul.f32 $6.666666860e-01, v20;
	v16 =	vand.u32 $0xFF, v16  }
0x83: {  	v16 =	vadd.s32 v16, v17;
	v17 =	vmax.f32 v18, $9.999999930e-09  }
0x84: {  	s25 =	simm.s32 $0x111B0;
	v23 =	vld [tilespmem:s24+$0xFFFFFFF0];
	v22 =	vsub.f32 $1.000000000e+00, v21;
	v21 =	vmax.f32 v21, $9.999999930e-09;
	(erf) = vrcp.f32 v17  }
0x85: {  	v26 =	vld [tilespmem:s25+$0x0];
	(erf) = vrcp.f32 v21;
	v21 =	vadd.f32 $9.999999930e-09, v20  }
0x86: {  	v17 =	vld.idx.msk [tilespmem:v15+s3+$0x0], $0xffff;
	(erf) = vrcp.f32 v22  }
0x87: {  	v34 =	vshrl.u32 v24, $0x2;
	v18 =	vsub.f32 $1.000000000e+00, v18;
	(erf) = vrcp.f32 v21;
	v21 =	vld [tilespmem:s25+$0xFFFFFFF0]  }
0x88: {  	s26 =	simm.s32 $0xE190;
	v15 =	vld.idx.msk [tilespmem:v15+s31+$0x0], $0xffff  }
0x89: {  	v22 =	vld [tilespmem:s26+$0xFFFFFFF0];
	(erf) = vrcp.f32 v18  }
0x8a: {  	s8 =	simm.s32 $0xB1D0;
	v25 =	vshrl.u32 v23, $0x2;
	v18 =	vld.idx.msk [tilespmem:v16+s3+$0x0], $0xffff  }
0x8b: {  	v58 =	vld [tilespmem:s8+$0xFFFFFFF0]  }
0x8c: {  	v23 =	vshll.u32 v23, $0x3;
	v34 =	vld.idx.msk [tilespmem:v34+s7+$0x0], $0xffff;
	v17 =	vmul.f32 v17, v19;
	v27 =	vshrl.u32 v21, $0x2  }
0x8d: {  	v32 =	vld [tilespmem:s26+$0x0];
	v24 =	vshll.u32 v24, $0x3;
	v45 =	vshrl.u32 v26, $0x2;
	v26 =	vshll.u32 v26, $0x3  }
0x8e: {  	v26 =	vand.u32 $0x18, v26;
	v16 =	vld.idx.msk [tilespmem:v16+s31+$0x0], $0xffff;
	v22 =	vmul.f32 v15, v22;
	v28 =	vmul.f32 v17, v13;
	v15 =	vpop (erf)  }
0x8f: {  	v23 =	vand.u32 $0x18, v23;
	v19 =	vadd.f32 $9.999999930e-09, v19;
	v18 =	vmul.f32 v18, v20;
	v20 =	vld.idx.msk [tilespmem:v25+s7+$0x0], $0xffff;
	v29 =	vpop (erf)  }
0x90: {  	v24 =	vand.u32 $0x18, v24;
	v59 =	vmul.f32 $6.666666860e-01, v58;
	v30 =	vmul.f32 v17, v12;
	v33 =	vpop (erf)  }
0x91: {  	v24 =	vshrl.u32 v34, v24;
	v31 =	vmul.f32 v17, v14;
	(erf) = vrcp.f32 v19;
	v25 =	vpop (erf);
	v19 =	vld.idx.msk [tilespmem:v27+s7+$0x0], $0xffff  }
0x92: {  	s12 =	simm.s32 $0xB1B0;
	v17 =	vmul.f32 v17, v11;
	v21 =	vshll.u32 v21, $0x3;
	v27 =	vmul.f32 $1.442695020e+00, v28;
	v28 =	vpop (erf)  }
0x93: {  	v16 =	vmul.f32 v16, v32;
	v21 =	vand.u32 $0x18, v21;
	v15 =	vsub.f32 v28, v15;
	v28 =	vld [tilespmem:s12+$0xFFFFFFF0]  }
0x94: {  	v17 =	vmul.f32 $1.442695020e+00, v17;
	v31 =	vmul.f32 $1.442695020e+00, v31;
	v20 =	vshrl.u32 v20, v23;
	v23 =	vld [tilespmem:s12+$0x0]  }
0x95: {  	v30 =	vmul.f32 $1.442695020e+00, v30;
	v35 =	vmul.f32 v18, v14;
	v20 =	vand.u32 $0xFF, v20  }
0x96: {  	v29 =	vsub.f32 v33, v29;
	v20 =	vmul.u32 $0x64, v20;
	v19 =	vshrl.u32 v19, v21  }
0x97: {  	(erf) = vpow2.f32 v27;
	v15 =	vmul.f32 $1.442695020e+00, v15;
	v19 =	vand.u32 $0xFF, v19  }
0x98: {  	v21 =	vmul.f32 $1.442695020e+00, v29;
	v29 =	vld.idx.msk [tilespmem:v45+s7+$0x0], $0xffff;
	v19 =	vadd.s32 v19, v20;
	v20 =	vmul.f32 $6.666666860e-01, v28  }
0x99: {  	v24 =	vand.u32 $0xFF, v24;
	(erf) = vpow2.f32 v31;
	v27 =	vmul.f32 $6.666666860e-01, v23  }
0x9a: {  	v47 =	vmul.f32 v18, v12;
	(erf) = vpow2.f32 v15;
	v31 =	vmax.f32 v20, $9.999999930e-09  }
0x9b: {  	s26 =	simm.s32 $0x141D0;
	v15 =	vsub.f32 $1.000000000e+00, v27;
	v27 =	vmax.f32 v27, $9.999999930e-09;
	(erf) = vrcp.f32 v31  }
0x9c: {  	v24 =	vmul.u32 $0x64, v24;
	v49 =	vld [tilespmem:s26+$0xFFFFFFF0];
	v46 =	vmul.f32 $1.442695020e+00, v35;
	(erf) = vrcp.f32 v27  }
0x9d: {  	v31 =	vmul.f32 v18, v13;
	v26 =	vshrl.u32 v29, v26;
	v27 =	vld.idx.msk [tilespmem:v19+s3+$0x0], $0xffff;
	(erf) = vrcp.f32 v15  }
0x9e: {  	v29 =	vmul.f32 $1.442695020e+00, v47;
	v15 =	vld.idx.msk [tilespmem:v19+s31+$0x0], $0xffff;
	v19 =	vadd.f32 $9.999999930e-09, v23;
	(erf) = vpow2.f32 v46  }
0x9f: {  	v18 =	vmul.f32 v18, v11;
	v26 =	vand.u32 $0xFF, v26;
	(erf) = vpow2.f32 v17  }
0xa0: {  	v17 =	vpop (erf);
	(erf) = vrcp.f32 v19;
	v19 =	vadd.s32 v26, v24;
	v26 =	vmul.f32 $1.442695020e+00, v31  }
0xa1: {  	v50 =	vmul.f32 v16, v25;
	v24 =	vpop (erf);
	(erf) = vpow2.f32 v29  }
0xa2: {  	s24 =	simm.s32 $0xE1B0;
	v25 =	vld [tilespmem:s26+$0x0];
	v18 =	vmul.f32 $1.442695020e+00, v18;
	v29 =	vpop (erf);
	(erf) = vpow2.f32 v21  }
0xa3: {  	v48 =	vld [tilespmem:s24+$0xFFFFFFF0];
	v40 =	vshrl.u32 v49, $0x2;
	v21 =	vmul.f32 v27, v28;
	v27 =	vpop (erf);
	(erf) = vpow2.f32 v26  }
0xa4: {  	s25 =	simm.s32 $0x111D0;
	v20 =	vsub.f32 $1.000000000e+00, v20;
	v22 =	vmul.f32 v22, v17;
	v26 =	vpop (erf);
	(erf) = vpow2.f32 v30  }
0xa5: {  	v32 =	vshll.u32 v49, $0x3;
	v31 =	vld [tilespmem:s25+$0xFFFFFFF0];
	v17 =	vmul.f32 v21, v13;
	v52 =	vmul.f32 v21, v12  }
0xa6: {  	v37 =	vmul.f32 v21, v14;
	v30 =	vpop (erf);
	(erf) = vrcp.f32 v20;
	v20 =	vadd.f32 $9.999999930e-09, v28;
	v28 =	vld.idx.msk [tilespmem:v19+s3+$0x0], $0xffff  }
0xa7: {  	v41 =	vshrl.u32 v25, $0x2;
	v21 =	vmul.f32 v21, v11;
	v51 =	vpop (erf);
	(erf) = vpow2.f32 v18;
	v18 =	vld [tilespmem:s25+$0x0]  }
0xa8: {  	v25 =	vshll.u32 v25, $0x3;
	v24 =	vmul.f32 v24, v8;
	v15 =	vmul.f32 v15, v48;
	v16 =	vpop (erf)  }
0xa9: {  	v29 =	vmul.f32 v29, v10;
	v27 =	vadd.f32 $1.000000000e+00, v27;
	v44 =	vmul.f32 $1.442695020e+00, v21;
	v38 =	vpop (erf)  }
0xaa: {  	v25 =	vand.u32 $0x18, v25;
	v39 =	vmul.f32 v16, v10;
	v16 =	vpop (erf);
	v38 =	vmul.f32 v38, v9  }
0xab: {  	v36 =	vshrl.u32 v31, $0x2;
	v42 =	vpop (erf);
	(erf) = vrcp.f32 v27;
	v23 =	vmul.f32 v28, v23  }
0xac: {  	v43 =	vld [tilespmem:s24+$0x0];
	v27 =	vsub.f32 v51, v30;
	v29 =	vadd.f32 v29, v38;
	v30 =	vshrl.u32 v18, $0x2  }
0xad: {  	v19 =	vld.idx.msk [tilespmem:v19+s31+$0x0], $0xffff;
	v28 =	vpop (erf);
	(erf) = vrcp.f32 v20;
	v18 =	vshll.u32 v18, $0x3;
	v55 =	vmul.f32 v42, v7  }
0xae: {  	v40 =	vld.idx.msk [tilespmem:v40+s7+$0x0], $0xffff;
	v20 =	vpop (erf);
	v54 =	vmul.f32 v23, v14;
	v28 =	vadd.f32 $1.000000000e+00, v28;
	v57 =	vmul.f32 $1.442695020e+00, v27  }
0xaf: {  	v53 =	vmul.f32 v20, v8;
	v20 =	vpop (erf);
	v24 =	vadd.f32 v29, v24;
	v29 =	vmul.f32 $1.442695020e+00, v17  }
0xb0: {  	v36 =	vld.idx.msk [tilespmem:v36+s7+$0x0], $0xffff;
	v18 =	vand.u32 $0x18, v18;
	v17 =	vpop (erf);
	v38 =	vmul.f32 $1.442695020e+00, v54;
	(erf) = vrcp.f32 v28  }
0xb1: {  	v28 =	vmul.f32 $1.442695020e+00, v37;
	v56 =	vmul.f32 v20, v7;
	v21 =	vsub.f32 v17, v26;
	v26 =	vld.idx.msk [tilespmem:v41+s7+$0x0], $0xffff  }
0xb2: {  	v20 =	vand.u32 $0x18, v32;
	v17 =	vmul.f32 v19, v43;
	v19 =	vshll.u32 v31, $0x3;
	v30 =	vld.idx.msk [tilespmem:v30+s7+$0x0], $0xffff  }
0xb3: {  	v31 =	vmul.f32 v23, v12;
	v20 =	vshrl.u32 v40, v20;
	(erf) = vpow2.f32 v29  }
0xb4: {  	v27 =	vpop (erf);
	v19 =	vand.u32 $0x18, v19;
	v40 =	vand.u32 $0xFF, v20;
	(erf) = vpow2.f32 v28  }
0xb5: {  	v20 =	vld [tilespmem:s8+$0x0];
	v24 =	vadd.f32 v24, v56;
	v19 =	vshrl.u32 v36, v19;
	v31 =	vmul.f32 $1.442695020e+00, v31  }
0xb6: {  	v25 =	vshrl.u32 v26, v25;
	v26 =	vmul.f32 v27, v9;
	v27 =	vmul.u32 $0x64, v40  }
0xb7: {  	v19 =	vand.u32 $0xFF, v19;
	v25 =	vand.u32 $0xFF, v25;
	v18 =	vshrl.u32 v30, v18  }
0xb8: {  	v29 =	vpop (erf);
	v25 =	vmul.u32 $0x64, v25;
	v28 =	vadd.s32 v19, v27;
	v19 =	vmul.f32 $1.442695020e+00, v21  }
0xb9: {  	v22 =	vmul.f32 v29, v22;
	v29 =	vmul.f32 v23, v13;
	v18 =	vand.u32 $0xFF, v18  }
0xba: {  	v60 =	vadd.s32 v18, v25;
	v18 =	vmul.f32 $6.666666860e-01, v20;
	(erf) = vpow2.f32 v19  }
0xbb: {  	v30 =	vmul.f32 $1.442695020e+00, v52;
	v21 =	vmul.f32 v23, v11;
	v23 =	vmax.f32 v59, $9.999999930e-09  }
0xbc: {  	v19 =	vpop (erf);
	v25 =	vsub.f32 $1.000000000e+00, v18;
	v18 =	vmax.f32 v18, $9.999999930e-09;
	(erf) = vrcp.f32 v23  }
0xbd: {  	v33 =	vmul.f32 $1.442695020e+00, v29;
	(erf) = vrcp.f32 v18;
	v18 =	vadd.f32 v39, v26;
	v26 =	vld.idx.msk [tilespmem:v28+s3+$0x0], $0xffff  }
0xbe: {  	s5 =	simm.s32 $0xE1D0;
	v62 =	vadd.f32 $9.999999930e-09, v20;
	v22 =	vmul.f32 v24, v22;
	(erf) = vrcp.f32 v25;
	v25 =	vld.idx.msk [tilespmem:v28+s31+$0x0], $0xffff  }
0xbf: {  	v27 =	vmul.f32 $1.442695020e+00, v21;
	v23 =	vpop (erf);
	v28 =	vld [tilespmem:s5+$0xFFFFFFF0];
	v61 =	vadd.f32 v18, v53;
	(erf) = vpow2.f32 v38  }
0xc0: {  	v21 =	vpop (erf);
	v63 =	vmul.f32 v23, v50;
	(erf) = vpow2.f32 v44  }
0xc1: {  	v21 =	vmul.f32 v21, v8;
	v35 =	vadd.f32 v61, v55;
	(erf) = vrcp.f32 v62  }
0xc2: {  	s30 =	simm.s32 $0x40;
	s9 =	simm.s32 $0x141F0;
	s25 =	simm.s32 $0x17190;
	v29 =	vadd.f32 $9.999999930e-09, v58;
	v18 =	vld.idx.msk [tilespmem:v60+s31+$0x0], $0xffff;
	v23 =	vpop (erf);
	v24 =	vmul.f32 v26, v58;
	(erf) = vpow2.f32 v31  }
0xc3: {  	s24 =	simm.s32 $0x171B0;
	s26 =	simm.s32 $0x171B0;
	s12 =	simm.s32 $0x111F0;
	[tilespmem:s25+$0xFFFFFFF0] =	vst v22;
	v32 =	vld.idx.msk [tilespmem:v60+s3+$0x0], $0xffff;
	v31 =	vsub.f32 $1.000000000e+00, v59;
	v34 =	vpop (erf);
	(erf) = vpow2.f32 v57;
	v26 =	vmul.f32 v35, v63  }
.LBB2_3:
0xc4: {  	v25 =	vmul.f32 v25, v28  }
0xc5: {  	v35 =	vld [tilespmem:s12+$0xFFFFFFF0];
	s30 =	sadd.s32 $0x20, s30;
	v28 =	vpop (erf);
	s24 =	sadd.s32 $0x20, s24;
	(erf) = vpow2.f32 v33;
	v22 =	vmul.f32 v17, v16  }
0xc6: {  	v23 =	vmul.f32 v23, v10;
	v33 =	vld [tilespmem:s9+$0xFFFFFFF0];
	p1 =	slt.u32 s30, $0xF80;
	v36 =	vpop (erf);
	(erf) = vpow2.f32 v30;
	[tilespmem:s25+$0x0] =	vst v26;
	s25 =	smov.u32 s26;
	s26 =	smov.u32 s24  }
0xc7: {  	v30 =	vmul.f32 v15, v19;
	v19 =	vadd.f32 $1.000000000e+00, v34;
	v17 =	vld [tilespmem:s9+$0x0];
	(erf) = vrcp.f32 v31;
	v26 =	vpop (erf)  }
0xc8: {  	v31 =	vmul.f32 v24, v13;
	v15 =	vmov v25;
	(erf) = vpow2.f32 v27  }
0xc9: {  	v37 =	vmul.f32 v24, v14;
	v27 =	vmul.f32 v24, v12;
	v25 =	vld [tilespmem:s12+$0x0];
	v16 =	vpop (erf)  }
0xca: {  	v24 =	vmul.f32 v24, v11;
	v34 =	vshrl.u32 v35, $0x2;
	v38 =	vmul.f32 v16, v10;
	v39 =	vpop (erf)  }
0xcb: {  	v40 =	vshrl.u32 v33, $0x2;
	v33 =	vshll.u32 v33, $0x3;
	v16 =	vpop (erf);
	v39 =	vmul.f32 v39, v9  }
0xcc: {  	v41 =	vshrl.u32 v17, $0x2;
	v42 =	vshll.u32 v17, $0x3;
	v17 =	vld [tilespmem:s5+$0x0];
	(erf) = vrcp.f32 v19;
	v19 =	vpop (erf)  }
0xcd: {  	v32 =	vmul.f32 v32, v20;
	v20 =	vsub.f32 v26, v36;
	v39 =	vadd.f32 v23, v39;
	v26 =	vpop (erf)  }
0xce: {  	v36 =	vshrl.u32 v25, $0x2;
	v25 =	vshll.u32 v25, $0x3;
	(erf) = vrcp.f32 v29;
	v29 =	vpop (erf)  }
0xcf: {  	s8 =	sadd.s32 $0x20, s8;
	v31 =	vmul.f32 $1.442695020e+00, v31;
	v34 =	vld.idx.msk [tilespmem:v34+s7+$0x0], $0xffff;
	v21 =	vadd.f32 v39, v21;
	v29 =	vmul.f32 v29, v8;
	v23 =	vpop (erf)  }
0xd0: {  	v24 =	vmul.f32 $1.442695020e+00, v24;
	v26 =	vadd.f32 $1.000000000e+00, v26;
	v39 =	vld.idx.msk [tilespmem:v40+s7+$0x0], $0xffff;
	v40 =	vmul.f32 v32, v14;
	v43 =	vpop (erf)  }
0xd1: {  	v33 =	vand.u32 $0x18, v33;
	v41 =	vld.idx.msk [tilespmem:v41+s7+$0x0], $0xffff;
	v28 =	vsub.f32 v43, v28;
	v17 =	vmul.f32 v18, v17;
	v18 =	vpop (erf)  }
0xd2: {  	v25 =	vand.u32 $0x18, v25;
	v43 =	vmul.f32 v19, v7;
	v40 =	vmul.f32 $1.442695020e+00, v40  }
0xd3: {  	v19 =	vshll.u32 v35, $0x3;
	v35 =	vld.idx.msk [tilespmem:v36+s7+$0x0], $0xffff;
	v36 =	vmul.f32 v32, v12;
	(erf) = vrcp.f32 v26  }
0xd4: {  	v23 =	vmul.f32 v23, v7;
	v19 =	vand.u32 $0x18, v19;
	v26 =	vmul.f32 $1.442695020e+00, v37  }
0xd5: {  	v18 =	vmul.f32 v18, v9;
	v37 =	vmul.f32 $1.442695020e+00, v20;
	v34 =	vshrl.u32 v34, v19;
	v44 =	vpop (erf)  }
0xd6: {  	v28 =	vmul.f32 $1.442695020e+00, v28;
	v46 =	vshrl.u32 v39, v33;
	v33 =	vand.u32 $0x18, v42;
	v45 =	vld [tilespmem:s8+$0xFFFFFFF0]  }
0xd7: {  	v39 =	vand.u32 $0xFF, v46;
	v33 =	vshrl.u32 v41, v33;
	v20 =	vld [tilespmem:s8+$0x0];
	v19 =	vpop (erf);
	(erf) = vpow2.f32 v31  }
0xd8: {  	v31 =	vmul.u32 $0x64, v39;
	v33 =	vand.u32 $0xFF, v33;
	(erf) = vpow2.f32 v26  }
0xd9: {  	v26 =	vand.u32 $0xFF, v34;
	v33 =	vmul.u32 $0x64, v33;
	v25 =	vshrl.u32 v35, v25  }
0xda: {  	v34 =	vmul.f32 v44, v30;
	v35 =	vmul.f32 v32, v13;
	v25 =	vand.u32 $0xFF, v25  }
0xdb: {  	v26 =	vadd.s32 v26, v31;
	v39 =	vadd.s32 v25, v33;
	v33 =	vadd.f32 v38, v18  }
0xdc: {  	v32 =	vmul.f32 v32, v11;
	v30 =	vmul.f32 $6.666666860e-01, v45  }
0xdd: {  	v25 =	vmul.f32 $6.666666860e-01, v20;
	v41 =	vpop (erf);
	v29 =	vadd.f32 v33, v29;
	v33 =	vmul.f32 $1.442695020e+00, v35  }
0xde: {  	v31 =	vsub.f32 $1.000000000e+00, v30;
	v30 =	vmax.f32 v30, $9.999999930e-09;
	(erf) = vpow2.f32 v28  }
0xdf: {  	v28 =	vsub.f32 $1.000000000e+00, v25;
	v25 =	vmax.f32 v25, $9.999999930e-09;
	(erf) = vrcp.f32 v30  }
0xe0: {  	v30 =	vmul.f32 $1.442695020e+00, v27;
	v42 =	vld.idx.msk [tilespmem:v26+s3+$0x0], $0xffff;
	(erf) = vrcp.f32 v25  }
0xe1: {  	v27 =	vmul.f32 $1.442695020e+00, v32;
	v32 =	vadd.f32 v21, v23;
	v25 =	vld.idx.msk [tilespmem:v26+s31+$0x0], $0xffff;
	(erf) = vrcp.f32 v28;
	v26 =	vpop (erf)  }
0xe2: {  	s5 =	sadd.s32 $0x20, s5;
	v18 =	vld.idx.msk [tilespmem:v39+s31+$0x0], $0xffff;
	v21 =	vmul.f32 v26, v8;
	v26 =	vmul.f32 $1.442695020e+00, v36;
	v23 =	vpop (erf)  }
.Ltmp0:
0xe3: {  	v36 =	vadd.f32 $9.999999930e-09, v20;
	v28 =	vld [tilespmem:s5+$0xFFFFFFF0];
	(erf) = vpow2.f32 v40;
	(pc) =	sbr.rel @p1 .LBB2_3-.Ltmp0, $4  }
0xe4: {  	v22 =	vmul.f32 v41, v22;
	v35 =	vadd.f32 v29, v43;
	(erf) = vpow2.f32 v24  }
0xe5: {  	(erf) = vrcp.f32 v36;
	v36 =	vmul.f32 v32, v34  }
0xe6: {  	v29 =	vadd.f32 $9.999999930e-09, v45;
	v24 =	vmul.f32 v42, v45;
	(erf) = vpow2.f32 v26  }
0xe7: {  	s9 =	sadd.s32 $0x20, s9;
	s12 =	sadd.s32 $0x20, s12;
	v26 =	vmul.f32 v35, v22;
	v32 =	vld.idx.msk [tilespmem:v39+s3+$0x0], $0xffff;
	v34 =	vpop (erf);
	(erf) = vpow2.f32 v37;
	[tilespmem:s25+$0xFFFFFFF0] =	vst v36  }
0xe8: {  	(erf) = vpow2.f32 v33  }
0xe9: {  	v22 =	vpop (erf);
	(erf) = vpow2.f32 v30  }
0xea: {  	v30 =	vpop (erf);
	(erf) = vrcp.f32 v31  }
0xeb: {  	v31 =	vpop (erf)  }
0xec: {  	v46 =	vpop (erf)  }
0xed: {  	v35 =	vpop (erf)  }
0xee: {  	v38 =	vmul.f32 v24, v13;
	v36 =	vpop (erf)  }
0xef: {  	v37 =	vpop (erf)  }
0xf0: {  	v34 =	vadd.f32 $1.000000000e+00, v34;
	v38 =	vmul.f32 $1.442695020e+00, v38;
	v20 =	vmul.f32 v32, v20;
	v47 =	vpop (erf)  }
0xf1: {  	(erf) = vpow2.f32 v27;
	v27 =	vmul.f32 v24, v14;
	v39 =	vpop (erf)  }
0xf2: {  	(erf) = vrcp.f32 v34;
	v40 =	vmul.f32 v20, v14;
	v48 =	vpop (erf)  }
0xf3: {  	v49 =	vmul.f32 v20, v12;
	v27 =	vmul.f32 $1.442695020e+00, v27;
	v32 =	vadd.f32 $1.000000000e+00, v47;
	v41 =	vpop (erf)  }
0xf4: {  	v40 =	vmul.f32 $1.442695020e+00, v40;
	(erf) = vrcp.f32 v29;
	v22 =	vsub.f32 v41, v22  }
0xf5: {  	v29 =	vmul.f32 v24, v11;
	(erf) = vrcp.f32 v32  }
0xf6: {  	(erf) = vpow2.f32 v38;
	v22 =	vmul.f32 $1.442695020e+00, v22  }
0xf7: {  	v29 =	vmul.f32 $1.442695020e+00, v29;
	(erf) = vpow2.f32 v27;
	v27 =	vsub.f32 v31, v30  }
0xf8: {  	(erf) = vpow2.f32 v22;
	v22 =	vmul.f32 $1.442695020e+00, v49  }
0xf9: {  	v27 =	vmul.f32 $1.442695020e+00, v27;
	(erf) = vpow2.f32 v40  }
0xfa: {  	(erf) = vpow2.f32 v29  }
0xfb: {  	v30 =	vmul.f32 v20, v13;
	v29 =	vpop (erf);
	(erf) = vpow2.f32 v22  }
0xfc: {  	v20 =	vmul.f32 v20, v11;
	v22 =	vpop (erf);
	(erf) = vpow2.f32 v27  }
0xfd: {  	v24 =	vmul.f32 v24, v12;
	v30 =	vmul.f32 $1.442695020e+00, v30;
	v27 =	vpop (erf)  }
0xfe: {  	v20 =	vmul.f32 $1.442695020e+00, v20;
	v31 =	vpop (erf)  }
0xff: {  	v24 =	vmul.f32 $1.442695020e+00, v24;
	v50 =	vpop (erf)  }
0x100: {  	(erf) = vpow2.f32 v30;
	v51 =	vpop (erf)  }
0x101: {  	(erf) = vpow2.f32 v24;
	v30 =	vpop (erf)  }
0x102: {  	(erf) = vpow2.f32 v20;
	v20 =	vpop (erf)  }
0x103: {  	v16 =	vmul.f32 v17, v16;
	v17 =	vld [tilespmem:s5+$0x0];
	v24 =	vpop (erf)  }
0x104: {  	v25 =	vmul.f32 v25, v28;
	v28 =	vpop (erf)  }
0x105: {  	v15 =	vmul.f32 v15, v19;
	v19 =	vmul.f32 v23, v10;
	v23 =	vadd.f32 $1.000000000e+00, v30;
	v30 =	vpop (erf)  }
0x106: {  	v30 =	vadd.f32 $1.000000000e+00, v30  }
0x107: {  	v33 =	vmul.f32 v46, v10;
	v35 =	vmul.f32 v35, v9  }
0x108: {  	v17 =	vmul.f32 v18, v17;
	v29 =	vmul.f32 v29, v9  }
0x109: {  	v19 =	vadd.f32 v19, v35;
	v18 =	vmul.f32 v37, v7;
	(erf) = vrcp.f32 v23  }
0x10a: {  	v29 =	vadd.f32 v33, v29;
	v23 =	vmul.f32 v39, v8;
	(erf) = vrcp.f32 v30;
	v30 =	vpop (erf)  }
0x10b: {  	v19 =	vadd.f32 v19, v21;
	v21 =	vmul.f32 v48, v7;
	v15 =	vmul.f32 v22, v15;
	v22 =	vpop (erf)  }
0x10c: {  	v20 =	vmul.f32 v20, v10;
	v24 =	vmul.f32 v24, v9;
	v23 =	vadd.f32 v29, v23;
	v52 =	vpop (erf)  }
0x10d: {  	v19 =	vadd.f32 v19, v21;
	v29 =	vmul.f32 v51, v10;
	v21 =	vmul.f32 v52, v9  }
0x10e: {  	v32 =	vmul.f32 v50, v8;
	v18 =	vadd.f32 v23, v18  }
0x10f: {  	v23 =	vadd.f32 v29, v24;
	v20 =	vadd.f32 v20, v21;
	v21 =	vmul.f32 v25, v27  }
0x110: {  	v24 =	vmul.f32 v30, v8  }
0x111: {  	v17 =	vmul.f32 v17, v36;
	v23 =	vadd.f32 v23, v32;
	v22 =	vmul.f32 v22, v7  }
0x112: {  	v16 =	vmul.f32 v31, v16;
	v25 =	vmul.f32 v28, v7;
	v27 =	vpop (erf);
	v20 =	vadd.f32 v20, v24  }
0x113: {  	v15 =	vmul.f32 v19, v15;
	v22 =	vadd.f32 v23, v22;
	v19 =	vmul.f32 v27, v21;
	v21 =	vpop (erf)  }
0x114: {  	[tilespmem:s25+$0x0] =	vst v26;
	v16 =	vmul.f32 v18, v16;
	v18 =	vadd.f32 v20, v25;
	v17 =	vmul.f32 v21, v17  }
0x115: {  	[tilespmem:s26+$0xFFFFFFF0] =	vst v15;
	v15 =	vmul.f32 v22, v19  }
0x116: {  	s25 =	sadd.s32 $0x20, s24;
	[tilespmem:s26+$0x0] =	vst v16;
	v16 =	vmul.f32 v18, v17  }
0x117: {  	[tilespmem:s25+$0xFFFFFFF0] =	vst v15  }
0x118: {  	s8 =	simm.s32 $0x17180;
	[tilespmem:s25+$0x0] =	vst v16  }
0x119: {  	[spmem:s6] =	stream.indirect.scatter.add.f32 [tilespmem:s8], [sflag:$0x4], $0x1, s20, s11, $0xb8;
	[tilespmem:$0x1B9F0] =	vst v63  }
0x11a: {  	_ =	swait.ge [sflag:s28], $0xFA0  }
0x11b: {  	[sflag:s28] =	ssyncset.done $0x0  }
0x11c: {  	[sflag:s28] =	ssyncadd.s32 $0xFFFFF060  }
0x11d: {  	_ =	swait.ge [sflag:s28], $0xFA0  }
0x11e: {  	[sflag:s28] =	ssyncset.done $0x0  }
0x11f: {  	[sflag:s28] =	ssyncadd.s32 $0xFFFFF060  }
0x120: {  	_ =	swait.ge [sflag:s28], $0xFA0  }
0x121: {  	[sflag:s28] =	ssyncset.done $0x0  }
0x122: {  	[sflag:s28] =	ssyncadd.s32 $0xFFFFF060  }
0x123: {  	_ =	swait.ge [sflag:s28], $0xFA0  }
0x124: {  	[sflag:s28] =	ssyncset.done $0x0  }
0x125: {  	[sflag:s28] =	ssyncadd.s32 $0xFFFFF060  }
0x126: {  	s9 =	sadd.s32 s23, s17;
	_ =	swait.ge [sflag:s29], $0xFA0  }
0x127: {  	s5 =	sshrl.u32 s9, $0x3;
	[sflag:s29] =	ssyncset.done $0x0  }
0x128: {  	s9 =	simm.s32 $0xD180;
	s8 =	sadd.s32 s0, s5;
	[sflag:s29] =	ssyncadd.s32 $0xFFFFF060  }
0x129: {  	[tilespmem:s9], [sflag:$0x3] =	stream.linear.gather [hbm4b:s8+s7], $0xFA0, $0x38;
	[tilespmem:$0x1B9F0] =	vst v63  }
0x12a: {  	s24 =	simm.s32 $0x10180;
	s12 =	sadd.s32 s1, s5  }
0x12b: {  	[tilespmem:s24], [sflag:$0x3] =	stream.linear.gather [hbm4b:s12+s7], $0xFA0, $0x38;
	[tilespmem:$0x1B9F0] =	vst v63  }
0x12c: {  	s26 =	simm.s32 $0x13180;
	s25 =	sadd.s32 s2, s5  }
0x12d: {  	[tilespmem:s26], [sflag:$0x3] =	stream.linear.gather [hbm4b:s25+s7], $0xFA0, $0x38;
	[tilespmem:$0x1B9F0] =	vst v63  }
0x12e: {  	s5 =	sadd.s32 s4, s5;
	s8 =	simm.s32 $0x15190  }
0x12f: {  	[tilespmem:s13], [sflag:$0x3] =	stream.linear.gather [hbm4b:s5+s7], $0xFA0, $0x38;
	[tilespmem:$0x1B9F0] =	vst v63  }
0x130: {  	s9 =	simm.s32 $0x12190;
	v15 =	vld [tilespmem:s8+$0xFFFFFFF0]  }
0x131: {  	v16 =	vld [tilespmem:s9+$0xFFFFFFF0];
	_ =	sdelay $0x1  }
0x132: {  	v17 =	vld [tilespmem:s8+$0x0]  }
0x133: {  	v18 =	vld [tilespmem:s9+$0x0]  }
0x134: {  	v19 =	vshrl.u32 v15, $0x2  }
0x135: {  	v20 =	vshrl.u32 v16, $0x2;
	_ =	sdelay $0x1  }
0x136: {  	v21 =	vshrl.u32 v17, $0x2  }
0x137: {  	v22 =	vshrl.u32 v18, $0x2  }
0x138: {  	v19 =	vld.idx.msk [tilespmem:v19+s7+$0x0], $0xffff  }
0x139: {  	v20 =	vld.idx.msk [tilespmem:v20+s7+$0x0], $0xffff;
	_ =	sdelay $0x1  }
0x13a: {  	v15 =	vshll.u32 v15, $0x3;
	v21 =	vld.idx.msk [tilespmem:v21+s7+$0x0], $0xffff  }
0x13b: {  	s12 =	simm.s32 $0xC190;
	v16 =	vshll.u32 v16, $0x3;
	v15 =	vand.u32 $0x18, v15;
	v22 =	vld.idx.msk [tilespmem:v22+s7+$0x0], $0xffff  }
0x13c: {  	v16 =	vand.u32 $0x18, v16;
	v15 =	vshrl.u32 v19, v15;
	v19 =	vld [tilespmem:s12+$0xFFFFFFF0]  }
0x13d: {  	v17 =	vshll.u32 v17, $0x3;
	v16 =	vshrl.u32 v20, v16;
	v20 =	vld [tilespmem:s12+$0x0];
	v15 =	vand.u32 $0xFF, v15  }
0x13e: {  	v17 =	vand.u32 $0x18, v17;
	v15 =	vmul.u32 $0x64, v15  }
0x13f: {  	v18 =	vshll.u32 v18, $0x3;
	v17 =	vshrl.u32 v21, v17;
	v16 =	vand.u32 $0xFF, v16  }
0x140: {  	v17 =	vand.u32 $0xFF, v17;
	v15 =	vadd.s32 v16, v15;
	v16 =	vand.u32 $0x18, v18  }
0x141: {  	s24 =	simm.s32 $0x151B0;
	v17 =	vmul.u32 $0x64, v17;
	v16 =	vshrl.u32 v22, v16;
	v18 =	vmul.f32 $6.666666860e-01, v19  }
0x142: {  	v24 =	vld [tilespmem:s24+$0x0];
	v21 =	vmul.f32 $6.666666860e-01, v20;
	v16 =	vand.u32 $0xFF, v16  }
0x143: {  	v16 =	vadd.s32 v16, v17;
	v17 =	vmax.f32 v18, $9.999999930e-09  }
0x144: {  	s25 =	simm.s32 $0x121B0;
	v23 =	vld [tilespmem:s24+$0xFFFFFFF0];
	v22 =	vsub.f32 $1.000000000e+00, v21;
	v21 =	vmax.f32 v21, $9.999999930e-09;
	(erf) = vrcp.f32 v17  }
0x145: {  	v26 =	vld [tilespmem:s25+$0x0];
	(erf) = vrcp.f32 v21;
	v21 =	vadd.f32 $9.999999930e-09, v20  }
0x146: {  	v17 =	vld.idx.msk [tilespmem:v15+s3+$0x0], $0xffff;
	(erf) = vrcp.f32 v22  }
0x147: {  	v55 =	vshrl.u32 v24, $0x2;
	v18 =	vsub.f32 $1.000000000e+00, v18;
	(erf) = vrcp.f32 v21;
	v21 =	vld [tilespmem:s25+$0xFFFFFFF0]  }
0x148: {  	s26 =	simm.s32 $0xF190;
	v15 =	vld.idx.msk [tilespmem:v15+s31+$0x0], $0xffff  }
0x149: {  	v22 =	vld [tilespmem:s26+$0xFFFFFFF0];
	(erf) = vrcp.f32 v18  }
0x14a: {  	v25 =	vshrl.u32 v23, $0x2;
	v18 =	vld.idx.msk [tilespmem:v16+s3+$0x0], $0xffff  }
0x14b: {  	v53 =	vld [tilespmem:s26+$0x0]  }
0x14c: {  	v23 =	vshll.u32 v23, $0x3;
	v34 =	vld.idx.msk [tilespmem:v55+s7+$0x0], $0xffff;
	v17 =	vmul.f32 v17, v19;
	v27 =	vshrl.u32 v21, $0x2  }
0x14d: {  	v24 =	vshll.u32 v24, $0x3;
	v56 =	vshrl.u32 v26, $0x2;
	v26 =	vshll.u32 v26, $0x3;
	v16 =	vld.idx.msk [tilespmem:v16+s31+$0x0], $0xffff  }
0x14e: {  	v26 =	vand.u32 $0x18, v26;
	v22 =	vmul.f32 v15, v22;
	v28 =	vmul.f32 v17, v13;
	v15 =	vpop (erf)  }
0x14f: {  	v23 =	vand.u32 $0x18, v23;
	v19 =	vadd.f32 $9.999999930e-09, v19;
	v18 =	vmul.f32 v18, v20;
	v20 =	vld.idx.msk [tilespmem:v25+s7+$0x0], $0xffff;
	v29 =	vpop (erf)  }
0x150: {  	v24 =	vand.u32 $0x18, v24;
	v30 =	vmul.f32 v17, v12;
	v31 =	vmul.f32 v17, v14;
	v54 =	vpop (erf)  }
0x151: {  	v24 =	vshrl.u32 v34, v24;
	v17 =	vmul.f32 v17, v11;
	(erf) = vrcp.f32 v19;
	v25 =	vpop (erf);
	v19 =	vld.idx.msk [tilespmem:v27+s7+$0x0], $0xffff  }
0x152: {  	s12 =	simm.s32 $0xC1B0;
	v21 =	vshll.u32 v21, $0x3;
	v16 =	vmul.f32 v16, v53;
	v27 =	vmul.f32 $1.442695020e+00, v28;
	v28 =	vpop (erf)  }
0x153: {  	v21 =	vand.u32 $0x18, v21;
	v17 =	vmul.f32 $1.442695020e+00, v17;
	v15 =	vsub.f32 v28, v15;
	v28 =	vld [tilespmem:s12+$0xFFFFFFF0]  }
0x154: {  	v31 =	vmul.f32 $1.442695020e+00, v31;
	v30 =	vmul.f32 $1.442695020e+00, v30;
	v20 =	vshrl.u32 v20, v23;
	v23 =	vld [tilespmem:s12+$0x0]  }
0x155: {  	v57 =	vmul.f32 v18, v14;
	v59 =	vmul.f32 v18, v12;
	v20 =	vand.u32 $0xFF, v20  }
0x156: {  	v29 =	vsub.f32 v54, v29;
	v20 =	vmul.u32 $0x64, v20;
	v19 =	vshrl.u32 v19, v21  }
0x157: {  	(erf) = vpow2.f32 v27;
	v15 =	vmul.f32 $1.442695020e+00, v15;
	v19 =	vand.u32 $0xFF, v19  }
0x158: {  	v21 =	vmul.f32 $1.442695020e+00, v29;
	v29 =	vld.idx.msk [tilespmem:v56+s7+$0x0], $0xffff;
	v19 =	vadd.s32 v19, v20;
	v20 =	vmul.f32 $6.666666860e-01, v28  }
0x159: {  	v24 =	vand.u32 $0xFF, v24;
	(erf) = vpow2.f32 v31;
	v27 =	vmul.f32 $6.666666860e-01, v23  }
0x15a: {  	v58 =	vmul.f32 $1.442695020e+00, v57;
	(erf) = vpow2.f32 v15;
	v31 =	vmax.f32 v20, $9.999999930e-09  }
0x15b: {  	s26 =	simm.s32 $0x151D0;
	v15 =	vsub.f32 $1.000000000e+00, v27;
	v27 =	vmax.f32 v27, $9.999999930e-09;
	(erf) = vrcp.f32 v31  }
0x15c: {  	v24 =	vmul.u32 $0x64, v24;
	v61 =	vld [tilespmem:s26+$0xFFFFFFF0];
	v34 =	vmul.f32 v16, v25;
	(erf) = vrcp.f32 v27  }
0x15d: {  	v31 =	vmul.f32 v18, v13;
	v26 =	vshrl.u32 v29, v26;
	v27 =	vld.idx.msk [tilespmem:v19+s3+$0x0], $0xffff;
	(erf) = vrcp.f32 v15  }
0x15e: {  	v29 =	vmul.f32 $1.442695020e+00, v59;
	v15 =	vld.idx.msk [tilespmem:v19+s31+$0x0], $0xffff;
	v19 =	vadd.f32 $9.999999930e-09, v23;
	(erf) = vpow2.f32 v58  }
0x15f: {  	v18 =	vmul.f32 v18, v11;
	v26 =	vand.u32 $0xFF, v26;
	(erf) = vpow2.f32 v17  }
0x160: {  	v17 =	vpop (erf);
	(erf) = vrcp.f32 v19;
	v19 =	vadd.s32 v26, v24;
	v26 =	vmul.f32 $1.442695020e+00, v31  }
0x161: {  	v18 =	vmul.f32 $1.442695020e+00, v18;
	v24 =	vpop (erf);
	(erf) = vpow2.f32 v29  }
0x162: {  	s24 =	simm.s32 $0xF1B0;
	v25 =	vld [tilespmem:s26+$0x0];
	v22 =	vmul.f32 v22, v17;
	v29 =	vpop (erf);
	(erf) = vpow2.f32 v21  }
0x163: {  	s8 =	simm.s32 $0xC1D0;
	v60 =	vld [tilespmem:s24+$0xFFFFFFF0];
	v51 =	vshrl.u32 v61, $0x2;
	v21 =	vmul.f32 v27, v28;
	v27 =	vpop (erf);
	(erf) = vpow2.f32 v26  }
0x164: {  	s25 =	simm.s32 $0x121D0;
	v20 =	vsub.f32 $1.000000000e+00, v20;
	v58 =	vld [tilespmem:s8+$0xFFFFFFF0];
	v24 =	vmul.f32 v24, v8;
	v26 =	vpop (erf);
	(erf) = vpow2.f32 v30  }
0x165: {  	v32 =	vshll.u32 v61, $0x3;
	v31 =	vld [tilespmem:s25+$0xFFFFFFF0];
	v17 =	vmul.f32 v21, v13;
	v63 =	vmul.f32 v21, v12  }
0x166: {  	v48 =	vmul.f32 v21, v14;
	v30 =	vpop (erf);
	(erf) = vrcp.f32 v20;
	v20 =	vadd.f32 $9.999999930e-09, v28;
	v28 =	vld.idx.msk [tilespmem:v19+s3+$0x0], $0xffff  }
0x167: {  	v52 =	vshrl.u32 v25, $0x2;
	v21 =	vmul.f32 v21, v11;
	v62 =	vpop (erf);
	(erf) = vpow2.f32 v18;
	v18 =	vld [tilespmem:s25+$0x0]  }
0x168: {  	v25 =	vshll.u32 v25, $0x3;
	v15 =	vmul.f32 v15, v60;
	v29 =	vmul.f32 v29, v10;
	v16 =	vpop (erf)  }
0x169: {  	v27 =	vadd.f32 $1.000000000e+00, v27;
	v59 =	vmul.f32 $6.666666860e-01, v58;
	v44 =	vmul.f32 $1.442695020e+00, v21;
	v49 =	vpop (erf)  }
0x16a: {  	v25 =	vand.u32 $0x18, v25;
	v50 =	vmul.f32 v16, v10;
	v16 =	vpop (erf);
	v38 =	vmul.f32 v49, v9  }
0x16b: {  	v47 =	vshrl.u32 v31, $0x2;
	v42 =	vpop (erf);
	(erf) = vrcp.f32 v27;
	v23 =	vmul.f32 v28, v23  }
0x16c: {  	v43 =	vld [tilespmem:s24+$0x0];
	v27 =	vsub.f32 v62, v30;
	v29 =	vadd.f32 v29, v38;
	v30 =	vshrl.u32 v18, $0x2  }
0x16d: {  	v19 =	vld.idx.msk [tilespmem:v19+s31+$0x0], $0xffff;
	v28 =	vpop (erf);
	(erf) = vrcp.f32 v20;
	v18 =	vshll.u32 v18, $0x3;
	v55 =	vmul.f32 v42, v7  }
0x16e: {  	v40 =	vld.idx.msk [tilespmem:v51+s7+$0x0], $0xffff;
	v20 =	vpop (erf);
	v54 =	vmul.f32 v23, v14;
	v28 =	vadd.f32 $1.000000000e+00, v28;
	v57 =	vmul.f32 $1.442695020e+00, v27  }
0x16f: {  	v53 =	vmul.f32 v20, v8;
	v20 =	vpop (erf);
	v24 =	vadd.f32 v29, v24;
	v29 =	vmul.f32 $1.442695020e+00, v17  }
0x170: {  	v36 =	vld.idx.msk [tilespmem:v47+s7+$0x0], $0xffff;
	v18 =	vand.u32 $0x18, v18;
	v17 =	vpop (erf);
	v38 =	vmul.f32 $1.442695020e+00, v54;
	(erf) = vrcp.f32 v28  }
0x171: {  	v28 =	vmul.f32 $1.442695020e+00, v48;
	v56 =	vmul.f32 v20, v7;
	v21 =	vsub.f32 v17, v26;
	v26 =	vld.idx.msk [tilespmem:v52+s7+$0x0], $0xffff  }
0x172: {  	v20 =	vand.u32 $0x18, v32;
	v17 =	vmul.f32 v19, v43;
	v19 =	vshll.u32 v31, $0x3;
	v30 =	vld.idx.msk [tilespmem:v30+s7+$0x0], $0xffff  }
0x173: {  	v31 =	vmul.f32 v23, v12;
	v20 =	vshrl.u32 v40, v20;
	(erf) = vpow2.f32 v29  }
0x174: {  	v27 =	vpop (erf);
	v19 =	vand.u32 $0x18, v19;
	v40 =	vand.u32 $0xFF, v20;
	(erf) = vpow2.f32 v28  }
0x175: {  	v20 =	vld [tilespmem:s8+$0x0];
	v24 =	vadd.f32 v24, v56;
	v19 =	vshrl.u32 v36, v19;
	v31 =	vmul.f32 $1.442695020e+00, v31  }
0x176: {  	v25 =	vshrl.u32 v26, v25;
	v26 =	vmul.f32 v27, v9;
	v27 =	vmul.u32 $0x64, v40  }
0x177: {  	v19 =	vand.u32 $0xFF, v19;
	v25 =	vand.u32 $0xFF, v25;
	v18 =	vshrl.u32 v30, v18  }
0x178: {  	v29 =	vpop (erf);
	v25 =	vmul.u32 $0x64, v25;
	v28 =	vadd.s32 v19, v27;
	v19 =	vmul.f32 $1.442695020e+00, v21  }
0x179: {  	v22 =	vmul.f32 v29, v22;
	v29 =	vmul.f32 v23, v13;
	v18 =	vand.u32 $0xFF, v18  }
0x17a: {  	v60 =	vadd.s32 v18, v25;
	v18 =	vmul.f32 $6.666666860e-01, v20;
	(erf) = vpow2.f32 v19  }
0x17b: {  	v30 =	vmul.f32 $1.442695020e+00, v63;
	v21 =	vmul.f32 v23, v11;
	v23 =	vmax.f32 v59, $9.999999930e-09  }
0x17c: {  	v19 =	vpop (erf);
	v25 =	vsub.f32 $1.000000000e+00, v18;
	v18 =	vmax.f32 v18, $9.999999930e-09;
	(erf) = vrcp.f32 v23  }
0x17d: {  	v33 =	vmul.f32 $1.442695020e+00, v29;
	(erf) = vrcp.f32 v18;
	v18 =	vadd.f32 v50, v26;
	v26 =	vld.idx.msk [tilespmem:v28+s3+$0x0], $0xffff  }
0x17e: {  	s5 =	simm.s32 $0xF1D0;
	v62 =	vadd.f32 $9.999999930e-09, v20;
	v22 =	vmul.f32 v24, v22;
	(erf) = vrcp.f32 v25;
	v25 =	vld.idx.msk [tilespmem:v28+s31+$0x0], $0xffff  }
0x17f: {  	v27 =	vmul.f32 $1.442695020e+00, v21;
	v23 =	vpop (erf);
	v28 =	vld [tilespmem:s5+$0xFFFFFFF0];
	v61 =	vadd.f32 v18, v53;
	(erf) = vpow2.f32 v38  }
0x180: {  	v21 =	vpop (erf);
	v63 =	vmul.f32 v23, v34;
	(erf) = vpow2.f32 v44  }
0x181: {  	v21 =	vmul.f32 v21, v8;
	v35 =	vadd.f32 v61, v55;
	(erf) = vrcp.f32 v62  }
0x182: {  	s30 =	simm.s32 $0x40;
	s9 =	simm.s32 $0x151F0;
	s25 =	simm.s32 $0x18190;
	v29 =	vadd.f32 $9.999999930e-09, v58;
	v18 =	vld.idx.msk [tilespmem:v60+s31+$0x0], $0xffff;
	v23 =	vpop (erf);
	v24 =	vmul.f32 v26, v58;
	(erf) = vpow2.f32 v31  }
0x183: {  	s24 =	simm.s32 $0x181B0;
	s26 =	simm.s32 $0x181B0;
	s12 =	simm.s32 $0x121F0;
	[tilespmem:s25+$0xFFFFFFF0] =	vst v22;
	v32 =	vld.idx.msk [tilespmem:v60+s3+$0x0], $0xffff;
	v31 =	vsub.f32 $1.000000000e+00, v59;
	v34 =	vpop (erf);
	(erf) = vpow2.f32 v57;
	v26 =	vmul.f32 v35, v63  }
.LBB2_5:
0x184: {  	v25 =	vmul.f32 v25, v28  }
0x185: {  	v35 =	vld [tilespmem:s12+$0xFFFFFFF0];
	s30 =	sadd.s32 $0x20, s30;
	v28 =	vpop (erf);
	s24 =	sadd.s32 $0x20, s24;
	(erf) = vpow2.f32 v33;
	v22 =	vmul.f32 v17, v16  }
0x186: {  	v23 =	vmul.f32 v23, v10;
	v33 =	vld [tilespmem:s9+$0xFFFFFFF0];
	p1 =	slt.u32 s30, $0xF80;
	v36 =	vpop (erf);
	(erf) = vpow2.f32 v30;
	[tilespmem:s25+$0x0] =	vst v26;
	s25 =	smov.u32 s26;
	s26 =	smov.u32 s24  }
0x187: {  	v30 =	vmul.f32 v15, v19;
	v19 =	vadd.f32 $1.000000000e+00, v34;
	v17 =	vld [tilespmem:s9+$0x0];
	(erf) = vrcp.f32 v31;
	v26 =	vpop (erf)  }
0x188: {  	v31 =	vmul.f32 v24, v13;
	v15 =	vmov v25;
	(erf) = vpow2.f32 v27  }
0x189: {  	v37 =	vmul.f32 v24, v14;
	v27 =	vmul.f32 v24, v12;
	v25 =	vld [tilespmem:s12+$0x0];
	v16 =	vpop (erf)  }
0x18a: {  	v24 =	vmul.f32 v24, v11;
	v34 =	vshrl.u32 v35, $0x2;
	v38 =	vmul.f32 v16, v10;
	v39 =	vpop (erf)  }
0x18b: {  	v40 =	vshrl.u32 v33, $0x2;
	v33 =	vshll.u32 v33, $0x3;
	v16 =	vpop (erf);
	v39 =	vmul.f32 v39, v9  }
0x18c: {  	v41 =	vshrl.u32 v17, $0x2;
	v42 =	vshll.u32 v17, $0x3;
	v17 =	vld [tilespmem:s5+$0x0];
	(erf) = vrcp.f32 v19;
	v19 =	vpop (erf)  }
0x18d: {  	v32 =	vmul.f32 v32, v20;
	v20 =	vsub.f32 v26, v36;
	v39 =	vadd.f32 v23, v39;
	v26 =	vpop (erf)  }
0x18e: {  	v36 =	vshrl.u32 v25, $0x2;
	v25 =	vshll.u32 v25, $0x3;
	(erf) = vrcp.f32 v29;
	v29 =	vpop (erf)  }
0x18f: {  	s8 =	sadd.s32 $0x20, s8;
	v31 =	vmul.f32 $1.442695020e+00, v31;
	v34 =	vld.idx.msk [tilespmem:v34+s7+$0x0], $0xffff;
	v21 =	vadd.f32 v39, v21;
	v29 =	vmul.f32 v29, v8;
	v23 =	vpop (erf)  }
0x190: {  	v24 =	vmul.f32 $1.442695020e+00, v24;
	v26 =	vadd.f32 $1.000000000e+00, v26;
	v39 =	vld.idx.msk [tilespmem:v40+s7+$0x0], $0xffff;
	v40 =	vmul.f32 v32, v14;
	v43 =	vpop (erf)  }
0x191: {  	v33 =	vand.u32 $0x18, v33;
	v41 =	vld.idx.msk [tilespmem:v41+s7+$0x0], $0xffff;
	v28 =	vsub.f32 v43, v28;
	v17 =	vmul.f32 v18, v17;
	v18 =	vpop (erf)  }
0x192: {  	v25 =	vand.u32 $0x18, v25;
	v43 =	vmul.f32 v19, v7;
	v40 =	vmul.f32 $1.442695020e+00, v40  }
0x193: {  	v19 =	vshll.u32 v35, $0x3;
	v35 =	vld.idx.msk [tilespmem:v36+s7+$0x0], $0xffff;
	v36 =	vmul.f32 v32, v12;
	(erf) = vrcp.f32 v26  }
0x194: {  	v23 =	vmul.f32 v23, v7;
	v19 =	vand.u32 $0x18, v19;
	v26 =	vmul.f32 $1.442695020e+00, v37  }
0x195: {  	v18 =	vmul.f32 v18, v9;
	v37 =	vmul.f32 $1.442695020e+00, v20;
	v34 =	vshrl.u32 v34, v19;
	v44 =	vpop (erf)  }
0x196: {  	v28 =	vmul.f32 $1.442695020e+00, v28;
	v46 =	vshrl.u32 v39, v33;
	v33 =	vand.u32 $0x18, v42;
	v45 =	vld [tilespmem:s8+$0xFFFFFFF0]  }
0x197: {  	v39 =	vand.u32 $0xFF, v46;
	v33 =	vshrl.u32 v41, v33;
	v20 =	vld [tilespmem:s8+$0x0];
	v19 =	vpop (erf);
	(erf) = vpow2.f32 v31  }
0x198: {  	v31 =	vmul.u32 $0x64, v39;
	v33 =	vand.u32 $0xFF, v33;
	(erf) = vpow2.f32 v26  }
0x199: {  	v26 =	vand.u32 $0xFF, v34;
	v33 =	vmul.u32 $0x64, v33;
	v25 =	vshrl.u32 v35, v25  }
0x19a: {  	v34 =	vmul.f32 v44, v30;
	v35 =	vmul.f32 v32, v13;
	v25 =	vand.u32 $0xFF, v25  }
0x19b: {  	v26 =	vadd.s32 v26, v31;
	v39 =	vadd.s32 v25, v33;
	v33 =	vadd.f32 v38, v18  }
0x19c: {  	v32 =	vmul.f32 v32, v11;
	v30 =	vmul.f32 $6.666666860e-01, v45  }
0x19d: {  	v25 =	vmul.f32 $6.666666860e-01, v20;
	v41 =	vpop (erf);
	v29 =	vadd.f32 v33, v29;
	v33 =	vmul.f32 $1.442695020e+00, v35  }
0x19e: {  	v31 =	vsub.f32 $1.000000000e+00, v30;
	v30 =	vmax.f32 v30, $9.999999930e-09;
	(erf) = vpow2.f32 v28  }
0x19f: {  	v28 =	vsub.f32 $1.000000000e+00, v25;
	v25 =	vmax.f32 v25, $9.999999930e-09;
	(erf) = vrcp.f32 v30  }
0x1a0: {  	v30 =	vmul.f32 $1.442695020e+00, v27;
	v42 =	vld.idx.msk [tilespmem:v26+s3+$0x0], $0xffff;
	(erf) = vrcp.f32 v25  }
0x1a1: {  	v27 =	vmul.f32 $1.442695020e+00, v32;
	v32 =	vadd.f32 v21, v23;
	v25 =	vld.idx.msk [tilespmem:v26+s31+$0x0], $0xffff;
	(erf) = vrcp.f32 v28;
	v26 =	vpop (erf)  }
0x1a2: {  	s5 =	sadd.s32 $0x20, s5;
	v18 =	vld.idx.msk [tilespmem:v39+s31+$0x0], $0xffff;
	v21 =	vmul.f32 v26, v8;
	v26 =	vmul.f32 $1.442695020e+00, v36;
	v23 =	vpop (erf)  }
.Ltmp1:
0x1a3: {  	v36 =	vadd.f32 $9.999999930e-09, v20;
	v28 =	vld [tilespmem:s5+$0xFFFFFFF0];
	(erf) = vpow2.f32 v40;
	(pc) =	sbr.rel @p1 .LBB2_5-.Ltmp1, $4  }
0x1a4: {  	v22 =	vmul.f32 v41, v22;
	v35 =	vadd.f32 v29, v43;
	(erf) = vpow2.f32 v24  }
0x1a5: {  	(erf) = vrcp.f32 v36;
	v36 =	vmul.f32 v32, v34  }
0x1a6: {  	v29 =	vadd.f32 $9.999999930e-09, v45;
	v24 =	vmul.f32 v42, v45;
	(erf) = vpow2.f32 v26  }
0x1a7: {  	s9 =	sadd.s32 $0x20, s9;
	s12 =	sadd.s32 $0x20, s12;
	v26 =	vmul.f32 v35, v22;
	v32 =	vld.idx.msk [tilespmem:v39+s3+$0x0], $0xffff;
	v34 =	vpop (erf);
	(erf) = vpow2.f32 v37;
	[tilespmem:s25+$0xFFFFFFF0] =	vst v36  }
0x1a8: {  	(erf) = vpow2.f32 v33  }
0x1a9: {  	v22 =	vpop (erf);
	(erf) = vpow2.f32 v30  }
0x1aa: {  	v30 =	vpop (erf);
	(erf) = vrcp.f32 v31  }
0x1ab: {  	v31 =	vpop (erf)  }
0x1ac: {  	v61 =	vpop (erf)  }
0x1ad: {  	v35 =	vpop (erf)  }
0x1ae: {  	v38 =	vmul.f32 v24, v13;
	v36 =	vpop (erf)  }
0x1af: {  	v37 =	vpop (erf)  }
0x1b0: {  	v34 =	vadd.f32 $1.000000000e+00, v34;
	v38 =	vmul.f32 $1.442695020e+00, v38;
	v20 =	vmul.f32 v32, v20;
	v62 =	vpop (erf)  }
0x1b1: {  	(erf) = vpow2.f32 v27;
	v27 =	vmul.f32 v24, v14;
	v39 =	vpop (erf)  }
0x1b2: {  	(erf) = vrcp.f32 v34;
	v40 =	vmul.f32 v20, v14;
	v63 =	vpop (erf)  }
0x1b3: {  	v43 =	vmul.f32 v20, v12;
	v27 =	vmul.f32 $1.442695020e+00, v27;
	v32 =	vadd.f32 $1.000000000e+00, v62;
	v41 =	vpop (erf)  }
0x1b4: {  	v40 =	vmul.f32 $1.442695020e+00, v40;
	(erf) = vrcp.f32 v29;
	v22 =	vsub.f32 v41, v22  }
0x1b5: {  	v29 =	vmul.f32 v24, v11;
	(erf) = vrcp.f32 v32  }
0x1b6: {  	(erf) = vpow2.f32 v38;
	v22 =	vmul.f32 $1.442695020e+00, v22  }
0x1b7: {  	v29 =	vmul.f32 $1.442695020e+00, v29;
	(erf) = vpow2.f32 v27;
	v27 =	vsub.f32 v31, v30  }
0x1b8: {  	(erf) = vpow2.f32 v22;
	v22 =	vmul.f32 $1.442695020e+00, v43  }
0x1b9: {  	v27 =	vmul.f32 $1.442695020e+00, v27;
	(erf) = vpow2.f32 v40  }
0x1ba: {  	(erf) = vpow2.f32 v29  }
0x1bb: {  	v30 =	vmul.f32 v20, v13;
	v29 =	vpop (erf);
	(erf) = vpow2.f32 v22  }
0x1bc: {  	v20 =	vmul.f32 v20, v11;
	v22 =	vpop (erf);
	(erf) = vpow2.f32 v27  }
0x1bd: {  	v24 =	vmul.f32 v24, v12;
	v30 =	vmul.f32 $1.442695020e+00, v30;
	v27 =	vpop (erf)  }
0x1be: {  	v20 =	vmul.f32 $1.442695020e+00, v20;
	v31 =	vpop (erf)  }
0x1bf: {  	v24 =	vmul.f32 $1.442695020e+00, v24;
	v44 =	vpop (erf)  }
0x1c0: {  	(erf) = vpow2.f32 v30;
	v45 =	vpop (erf)  }
0x1c1: {  	(erf) = vpow2.f32 v24;
	v30 =	vpop (erf)  }
0x1c2: {  	(erf) = vpow2.f32 v20;
	v20 =	vpop (erf)  }
0x1c3: {  	v16 =	vmul.f32 v17, v16;
	v17 =	vld [tilespmem:s5+$0x0];
	v24 =	vpop (erf)  }
0x1c4: {  	v25 =	vmul.f32 v25, v28;
	v28 =	vpop (erf)  }
0x1c5: {  	v15 =	vmul.f32 v15, v19;
	v19 =	vmul.f32 v23, v10;
	v23 =	vadd.f32 $1.000000000e+00, v30;
	v30 =	vpop (erf)  }
0x1c6: {  	v30 =	vadd.f32 $1.000000000e+00, v30  }
0x1c7: {  	v33 =	vmul.f32 v61, v10;
	v35 =	vmul.f32 v35, v9  }
0x1c8: {  	v17 =	vmul.f32 v18, v17;
	v29 =	vmul.f32 v29, v9  }
0x1c9: {  	v19 =	vadd.f32 v19, v35;
	v18 =	vmul.f32 v37, v7;
	(erf) = vrcp.f32 v23  }
0x1ca: {  	v29 =	vadd.f32 v33, v29;
	v23 =	vmul.f32 v39, v8;
	(erf) = vrcp.f32 v30;
	v30 =	vpop (erf)  }
0x1cb: {  	v19 =	vadd.f32 v19, v21;
	v21 =	vmul.f32 v63, v7;
	v15 =	vmul.f32 v22, v15;
	v22 =	vpop (erf)  }
0x1cc: {  	v20 =	vmul.f32 v20, v10;
	v24 =	vmul.f32 v24, v9;
	v23 =	vadd.f32 v29, v23;
	v46 =	vpop (erf)  }
0x1cd: {  	v19 =	vadd.f32 v19, v21;
	v29 =	vmul.f32 v45, v10;
	v21 =	vmul.f32 v46, v9  }
0x1ce: {  	v32 =	vmul.f32 v44, v8;
	v18 =	vadd.f32 v23, v18  }
0x1cf: {  	v23 =	vadd.f32 v29, v24;
	v20 =	vadd.f32 v20, v21;
	v21 =	vmul.f32 v25, v27  }
0x1d0: {  	v24 =	vmul.f32 v30, v8  }
0x1d1: {  	v17 =	vmul.f32 v17, v36;
	v23 =	vadd.f32 v23, v32;
	v22 =	vmul.f32 v22, v7  }
0x1d2: {  	v16 =	vmul.f32 v31, v16;
	v25 =	vmul.f32 v28, v7;
	v27 =	vpop (erf);
	v20 =	vadd.f32 v20, v24  }
0x1d3: {  	v15 =	vmul.f32 v19, v15;
	v22 =	vadd.f32 v23, v22;
	v19 =	vmul.f32 v27, v21;
	v21 =	vpop (erf)  }
0x1d4: {  	[tilespmem:s25+$0x0] =	vst v26;
	v16 =	vmul.f32 v18, v16;
	v18 =	vadd.f32 v20, v25;
	v17 =	vmul.f32 v21, v17  }
0x1d5: {  	[tilespmem:s26+$0xFFFFFFF0] =	vst v15;
	v15 =	vmul.f32 v22, v19  }
0x1d6: {  	s12 =	sadd.s32 $0x20, s24;
	[tilespmem:s26+$0x0] =	vst v16;
	v16 =	vmul.f32 v18, v17  }
0x1d7: {  	[tilespmem:s12+$0xFFFFFFF0] =	vst v15  }
0x1d8: {  	s30 =	simm.s32 $0x18180;
	[tilespmem:s12+$0x0] =	vst v16  }
0x1d9: {  	[spmem:s6] =	stream.indirect.scatter.add.f32 [tilespmem:s30], [sflag:$0x5], $0x1, s10, s11, $0xb8;
	[tilespmem:$0x1B9F0] =	vst v63  }
0x1da: {  	_ =	swait.ge [sflag:s14], $0xFA0  }
0x1db: {  	[sflag:s14] =	ssyncset.done $0x0  }
0x1dc: {  	[sflag:s14] =	ssyncadd.s32 $0xFFFFF060  }
0x1dd: {  	_ =	swait.ge [sflag:s14], $0xFA0  }
0x1de: {  	[sflag:s14] =	ssyncset.done $0x0  }
0x1df: {  	[sflag:s14] =	ssyncadd.s32 $0xFFFFF060  }
0x1e0: {  	_ =	swait.ge [sflag:s14], $0xFA0  }
0x1e1: {  	[sflag:s14] =	ssyncset.done $0x0  }
0x1e2: {  	[sflag:s14] =	ssyncadd.s32 $0xFFFFF060  }
0x1e3: {  	_ =	swait.ge [sflag:s14], $0xFA0  }
0x1e4: {  	[sflag:s14] =	ssyncset.done $0x0  }
0x1e5: {  	[sflag:s14] =	ssyncadd.s32 $0xFFFFF060  }
0x1e6: {  	s24 =	sadd.s32 s23, s18;
	_ =	swait.ge [sflag:s15], $0xFA0  }
0x1e7: {  	s5 =	sshrl.u32 s24, $0x3;
	[sflag:s15] =	ssyncset.done $0x0  }
0x1e8: {  	s9 =	simm.s32 $0xB180;
	s8 =	sadd.s32 s0, s5;
	[sflag:s15] =	ssyncadd.s32 $0xFFFFF060  }
0x1e9: {  	[tilespmem:s9], [sflag:$0x1] =	stream.linear.gather [hbm4b:s8+s7], $0xFA0, $0x38;
	[tilespmem:$0x1B9F0] =	vst v63  }
0x1ea: {  	s25 =	sadd.s32 s1, s5;
	s26 =	simm.s32 $0xE180  }
0x1eb: {  	[tilespmem:s26], [sflag:$0x1] =	stream.linear.gather [hbm4b:s25+s7], $0xFA0, $0x38;
	[tilespmem:$0x1B9F0] =	vst v63  }
0x1ec: {  	s23 =	simm.s32 $0x11180;
	s12 =	sadd.s32 s2, s5  }
0x1ed: {  	[tilespmem:s23], [sflag:$0x1] =	stream.linear.gather [hbm4b:s12+s7], $0xFA0, $0x38;
	[tilespmem:$0x1B9F0] =	vst v63  }
0x1ee: {  	s24 =	simm.s32 $0x16190;
	s5 =	sadd.s32 s4, s5  }
0x1ef: {  	[tilespmem:s20], [sflag:$0x1] =	stream.linear.gather [hbm4b:s5+s7], $0xFA0, $0x38;
	[tilespmem:$0x1B9F0] =	vst v63  }
0x1f0: {  	s25 =	simm.s32 $0x13190;
	v15 =	vld [tilespmem:s24+$0xFFFFFFF0]  }
0x1f1: {  	v16 =	vld [tilespmem:s25+$0xFFFFFFF0];
	_ =	sdelay $0x1  }
0x1f2: {  	v17 =	vld [tilespmem:s24+$0x0]  }
0x1f3: {  	v18 =	vld [tilespmem:s25+$0x0]  }
0x1f4: {  	v19 =	vshrl.u32 v15, $0x2  }
0x1f5: {  	v20 =	vshrl.u32 v16, $0x2;
	_ =	sdelay $0x1  }
0x1f6: {  	v21 =	vshrl.u32 v17, $0x2  }
0x1f7: {  	v22 =	vshrl.u32 v18, $0x2  }
0x1f8: {  	v19 =	vld.idx.msk [tilespmem:v19+s7+$0x0], $0xffff  }
0x1f9: {  	v20 =	vld.idx.msk [tilespmem:v20+s7+$0x0], $0xffff;
	_ =	sdelay $0x1  }
0x1fa: {  	v15 =	vshll.u32 v15, $0x3;
	v21 =	vld.idx.msk [tilespmem:v21+s7+$0x0], $0xffff  }
0x1fb: {  	s26 =	simm.s32 $0xD190;
	v16 =	vshll.u32 v16, $0x3;
	v15 =	vand.u32 $0x18, v15;
	v22 =	vld.idx.msk [tilespmem:v22+s7+$0x0], $0xffff  }
0x1fc: {  	v16 =	vand.u32 $0x18, v16;
	v15 =	vshrl.u32 v19, v15;
	v19 =	vld [tilespmem:s26+$0xFFFFFFF0]  }
0x1fd: {  	v17 =	vshll.u32 v17, $0x3;
	v16 =	vshrl.u32 v20, v16;
	v20 =	vld [tilespmem:s26+$0x0];
	v15 =	vand.u32 $0xFF, v15  }
0x1fe: {  	v17 =	vand.u32 $0x18, v17;
	v15 =	vmul.u32 $0x64, v15  }
0x1ff: {  	v18 =	vshll.u32 v18, $0x3;
	v17 =	vshrl.u32 v21, v17;
	v16 =	vand.u32 $0xFF, v16  }
0x200: {  	v17 =	vand.u32 $0xFF, v17;
	v15 =	vadd.s32 v16, v15;
	v16 =	vand.u32 $0x18, v18  }
0x201: {  	s8 =	simm.s32 $0x161B0;
	v17 =	vmul.u32 $0x64, v17;
	v16 =	vshrl.u32 v22, v16;
	v18 =	vmul.f32 $6.666666860e-01, v19  }
0x202: {  	v24 =	vld [tilespmem:s8+$0x0];
	v21 =	vmul.f32 $6.666666860e-01, v20;
	v16 =	vand.u32 $0xFF, v16  }
0x203: {  	v16 =	vadd.s32 v16, v17;
	v17 =	vmax.f32 v18, $9.999999930e-09  }
0x204: {  	s9 =	simm.s32 $0x131B0;
	v23 =	vld [tilespmem:s8+$0xFFFFFFF0];
	v22 =	vsub.f32 $1.000000000e+00, v21;
	v21 =	vmax.f32 v21, $9.999999930e-09;
	(erf) = vrcp.f32 v17  }
0x205: {  	v26 =	vld [tilespmem:s9+$0x0];
	(erf) = vrcp.f32 v21;
	v21 =	vadd.f32 $9.999999930e-09, v20  }
0x206: {  	v17 =	vld.idx.msk [tilespmem:v15+s3+$0x0], $0xffff;
	(erf) = vrcp.f32 v22  }
0x207: {  	v49 =	vshrl.u32 v24, $0x2;
	v18 =	vsub.f32 $1.000000000e+00, v18;
	(erf) = vrcp.f32 v21;
	v21 =	vld [tilespmem:s9+$0xFFFFFFF0]  }
0x208: {  	s12 =	simm.s32 $0x10190;
	v15 =	vld.idx.msk [tilespmem:v15+s31+$0x0], $0xffff  }
0x209: {  	v22 =	vld [tilespmem:s12+$0xFFFFFFF0];
	(erf) = vrcp.f32 v18  }
0x20a: {  	v25 =	vshrl.u32 v23, $0x2;
	v18 =	vld.idx.msk [tilespmem:v16+s3+$0x0], $0xffff  }
0x20b: {  	v47 =	vld [tilespmem:s12+$0x0]  }
0x20c: {  	v23 =	vshll.u32 v23, $0x3;
	v34 =	vld.idx.msk [tilespmem:v49+s7+$0x0], $0xffff;
	v17 =	vmul.f32 v17, v19;
	v27 =	vshrl.u32 v21, $0x2  }
0x20d: {  	v24 =	vshll.u32 v24, $0x3;
	v50 =	vshrl.u32 v26, $0x2;
	v26 =	vshll.u32 v26, $0x3;
	v16 =	vld.idx.msk [tilespmem:v16+s31+$0x0], $0xffff  }
0x20e: {  	v26 =	vand.u32 $0x18, v26;
	v22 =	vmul.f32 v15, v22;
	v28 =	vmul.f32 v17, v13;
	v15 =	vpop (erf)  }
0x20f: {  	v23 =	vand.u32 $0x18, v23;
	v19 =	vadd.f32 $9.999999930e-09, v19;
	v18 =	vmul.f32 v18, v20;
	v20 =	vld.idx.msk [tilespmem:v25+s7+$0x0], $0xffff;
	v29 =	vpop (erf)  }
0x210: {  	v24 =	vand.u32 $0x18, v24;
	v30 =	vmul.f32 v17, v12;
	v31 =	vmul.f32 v17, v14;
	v48 =	vpop (erf)  }
0x211: {  	v24 =	vshrl.u32 v34, v24;
	v17 =	vmul.f32 v17, v11;
	(erf) = vrcp.f32 v19;
	v25 =	vpop (erf);
	v19 =	vld.idx.msk [tilespmem:v27+s7+$0x0], $0xffff  }
0x212: {  	s23 =	simm.s32 $0xD1B0;
	v21 =	vshll.u32 v21, $0x3;
	v16 =	vmul.f32 v16, v47;
	v27 =	vmul.f32 $1.442695020e+00, v28;
	v28 =	vpop (erf)  }
0x213: {  	v21 =	vand.u32 $0x18, v21;
	v17 =	vmul.f32 $1.442695020e+00, v17;
	v15 =	vsub.f32 v28, v15;
	v28 =	vld [tilespmem:s23+$0xFFFFFFF0]  }
0x214: {  	v31 =	vmul.f32 $1.442695020e+00, v31;
	v30 =	vmul.f32 $1.442695020e+00, v30;
	v20 =	vshrl.u32 v20, v23;
	v23 =	vld [tilespmem:s23+$0x0]  }
0x215: {  	v51 =	vmul.f32 v18, v14;
	v53 =	vmul.f32 v18, v12;
	v20 =	vand.u32 $0xFF, v20  }
0x216: {  	v29 =	vsub.f32 v48, v29;
	v20 =	vmul.u32 $0x64, v20;
	v19 =	vshrl.u32 v19, v21  }
0x217: {  	(erf) = vpow2.f32 v27;
	v15 =	vmul.f32 $1.442695020e+00, v15;
	v19 =	vand.u32 $0xFF, v19  }
0x218: {  	v21 =	vmul.f32 $1.442695020e+00, v29;
	v29 =	vld.idx.msk [tilespmem:v50+s7+$0x0], $0xffff;
	v19 =	vadd.s32 v19, v20;
	v20 =	vmul.f32 $6.666666860e-01, v28  }
0x219: {  	v24 =	vand.u32 $0xFF, v24;
	(erf) = vpow2.f32 v31;
	v27 =	vmul.f32 $6.666666860e-01, v23  }
0x21a: {  	v52 =	vmul.f32 $1.442695020e+00, v51;
	(erf) = vpow2.f32 v15;
	v31 =	vmax.f32 v20, $9.999999930e-09  }
0x21b: {  	s26 =	simm.s32 $0x161D0;
	v15 =	vsub.f32 $1.000000000e+00, v27;
	v27 =	vmax.f32 v27, $9.999999930e-09;
	(erf) = vrcp.f32 v31  }
0x21c: {  	v55 =	vld [tilespmem:s26+$0xFFFFFFF0];
	v24 =	vmul.u32 $0x64, v24;
	v25 =	vmul.f32 v16, v25;
	(erf) = vrcp.f32 v27  }
0x21d: {  	v31 =	vmul.f32 v18, v13;
	v26 =	vshrl.u32 v29, v26;
	v27 =	vld.idx.msk [tilespmem:v19+s3+$0x0], $0xffff;
	(erf) = vrcp.f32 v15  }
0x21e: {  	v29 =	vmul.f32 $1.442695020e+00, v53;
	v15 =	vld.idx.msk [tilespmem:v19+s31+$0x0], $0xffff;
	v19 =	vadd.f32 $9.999999930e-09, v23;
	(erf) = vpow2.f32 v52  }
0x21f: {  	v18 =	vmul.f32 v18, v11;
	v26 =	vand.u32 $0xFF, v26;
	(erf) = vpow2.f32 v17  }
0x220: {  	v56 =	vld [tilespmem:s26+$0x0];
	v17 =	vpop (erf);
	(erf) = vrcp.f32 v19;
	v19 =	vadd.s32 v26, v24;
	v26 =	vmul.f32 $1.442695020e+00, v31  }
0x221: {  	v18 =	vmul.f32 $1.442695020e+00, v18;
	v24 =	vpop (erf);
	(erf) = vpow2.f32 v29  }
0x222: {  	s24 =	simm.s32 $0x101B0;
	v62 =	vshrl.u32 v55, $0x2;
	v22 =	vmul.f32 v22, v17;
	v29 =	vpop (erf);
	(erf) = vpow2.f32 v21  }
0x223: {  	s5 =	simm.s32 $0xD1D0;
	v54 =	vld [tilespmem:s24+$0xFFFFFFF0];
	v32 =	vshll.u32 v55, $0x3;
	v21 =	vmul.f32 v27, v28;
	v27 =	vpop (erf);
	(erf) = vpow2.f32 v26  }
0x224: {  	s25 =	simm.s32 $0x131D0;
	v20 =	vsub.f32 $1.000000000e+00, v20;
	v52 =	vld [tilespmem:s5+$0xFFFFFFF0];
	v24 =	vmul.f32 v24, v8;
	v26 =	vpop (erf);
	(erf) = vpow2.f32 v30  }
0x225: {  	v63 =	vshrl.u32 v56, $0x2;
	v31 =	vld [tilespmem:s25+$0xFFFFFFF0];
	v17 =	vmul.f32 v21, v13;
	v35 =	vmul.f32 v21, v12  }
0x226: {  	v59 =	vmul.f32 v21, v14;
	v30 =	vpop (erf);
	(erf) = vrcp.f32 v20;
	v20 =	vadd.f32 $9.999999930e-09, v28;
	v28 =	vld.idx.msk [tilespmem:v19+s3+$0x0], $0xffff  }
0x227: {  	v33 =	vshll.u32 v56, $0x3;
	v21 =	vmul.f32 v21, v11;
	v57 =	vpop (erf);
	(erf) = vpow2.f32 v18;
	v18 =	vld [tilespmem:s25+$0x0]  }
0x228: {  	v32 =	vand.u32 $0x18, v32;
	v15 =	vmul.f32 v15, v54;
	v29 =	vmul.f32 v29, v10;
	v16 =	vpop (erf)  }
0x229: {  	v27 =	vadd.f32 $1.000000000e+00, v27;
	v56 =	vmul.f32 $6.666666860e-01, v52;
	v44 =	vmul.f32 $1.442695020e+00, v21;
	v60 =	vpop (erf)  }
0x22a: {  	v58 =	vshrl.u32 v31, $0x2;
	v61 =	vmul.f32 v16, v10;
	v16 =	vpop (erf);
	v38 =	vmul.f32 v60, v9  }
0x22b: {  	v42 =	vpop (erf);
	(erf) = vrcp.f32 v27;
	v23 =	vmul.f32 v28, v23;
	v27 =	vsub.f32 v57, v30  }
0x22c: {  	v43 =	vld [tilespmem:s24+$0x0];
	v57 =	vmax.f32 v56, $9.999999930e-09;
	v29 =	vadd.f32 v29, v38;
	v30 =	vshrl.u32 v18, $0x2  }
0x22d: {  	v19 =	vld.idx.msk [tilespmem:v19+s31+$0x0], $0xffff;
	v28 =	vpop (erf);
	(erf) = vrcp.f32 v20;
	v18 =	vshll.u32 v18, $0x3;
	v50 =	vmul.f32 v42, v7  }
0x22e: {  	v40 =	vld.idx.msk [tilespmem:v62+s7+$0x0], $0xffff;
	v20 =	vpop (erf);
	v49 =	vmul.f32 v23, v14;
	v28 =	vadd.f32 $1.000000000e+00, v28;
	v51 =	vmul.f32 $1.442695020e+00, v27  }
0x22f: {  	v36 =	vld.idx.msk [tilespmem:v58+s7+$0x0], $0xffff;
	v20 =	vmul.f32 v20, v8;
	v48 =	vpop (erf);
	v24 =	vadd.f32 v29, v24;
	v29 =	vmul.f32 $1.442695020e+00, v17  }
0x230: {  	v27 =	vand.u32 $0x18, v33;
	v17 =	vpop (erf);
	v38 =	vmul.f32 $1.442695020e+00, v49;
	(erf) = vrcp.f32 v28  }
0x231: {  	v28 =	vmul.f32 $1.442695020e+00, v59;
	v34 =	vmul.f32 v48, v7;
	v21 =	vsub.f32 v17, v26;
	v26 =	vld.idx.msk [tilespmem:v63+s7+$0x0], $0xffff  }
0x232: {  	v17 =	vmul.f32 v19, v43;
	v19 =	vand.u32 $0x18, v18;
	v18 =	vshll.u32 v31, $0x3  }
0x233: {  	v31 =	vmul.f32 v23, v12;
	(erf) = vpow2.f32 v29;
	v18 =	vand.u32 $0x18, v18;
	v30 =	vld.idx.msk [tilespmem:v30+s7+$0x0], $0xffff  }
0x234: {  	v53 =	vpop (erf);
	(erf) = vpow2.f32 v28;
	v36 =	vshrl.u32 v36, v18;
	v18 =	vshrl.u32 v40, v32  }
0x235: {  	v21 =	vmul.f32 $1.442695020e+00, v21;
	v31 =	vmul.f32 $1.442695020e+00, v31;
	v54 =	vand.u32 $0xFF, v18;
	v18 =	vld [tilespmem:s5+$0x0]  }
0x236: {  	v28 =	vand.u32 $0xFF, v36;
	v29 =	vmul.u32 $0x64, v54;
	v26 =	vshrl.u32 v26, v27  }
0x237: {  	(erf) = vpow2.f32 v21;
	v27 =	vmul.f32 v53, v9;
	v26 =	vand.u32 $0xFF, v26  }
0x238: {  	v28 =	vadd.s32 v28, v29;
	v19 =	vshrl.u32 v30, v19;
	v29 =	vmul.f32 v23, v13  }
0x239: {  	v55 =	vpop (erf);
	v23 =	vmul.f32 v23, v11;
	v26 =	vmul.u32 $0x64, v26;
	v19 =	vand.u32 $0xFF, v19  }
0x23a: {  	v22 =	vmul.f32 v55, v22;
	v59 =	vadd.f32 v61, v27;
	v30 =	vmul.f32 $6.666666860e-01, v18  }
0x23b: {  	v27 =	vmul.f32 $1.442695020e+00, v23;
	v23 =	vadd.f32 v24, v34;
	v26 =	vadd.s32 v19, v26  }
0x23c: {  	v19 =	vpop (erf);
	v21 =	vsub.f32 $1.000000000e+00, v30;
	v30 =	vmax.f32 v30, $9.999999930e-09;
	(erf) = vrcp.f32 v57  }
0x23d: {  	v33 =	vmul.f32 $1.442695020e+00, v29;
	v61 =	vadd.f32 v59, v20;
	(erf) = vrcp.f32 v30;
	v60 =	vld.idx.msk [tilespmem:v28+s3+$0x0], $0xffff  }
0x23e: {  	s26 =	simm.s32 $0x101D0;
	v62 =	vadd.f32 $9.999999930e-09, v18;
	v22 =	vmul.f32 v23, v22;
	v58 =	vpop (erf);
	v24 =	vld.idx.msk [tilespmem:v28+s31+$0x0], $0xffff;
	(erf) = vrcp.f32 v21  }
0x23f: {  	v63 =	vadd.f32 v61, v50;
	v28 =	vld [tilespmem:s26+$0xFFFFFFF0];
	v36 =	vmul.f32 v58, v25;
	(erf) = vpow2.f32 v38  }
0x240: {  	v30 =	vmul.f32 $1.442695020e+00, v35;
	(erf) = vpow2.f32 v44;
	v20 =	vld.idx.msk [tilespmem:v26+s31+$0x0], $0xffff  }
0x241: {  	v21 =	vpop (erf);
	v32 =	vld.idx.msk [tilespmem:v26+s3+$0x0], $0xffff;
	v26 =	vmul.f32 v63, v36;
	(erf) = vrcp.f32 v62  }
0x242: {  	s8 =	simm.s32 $0x40;
	s24 =	simm.s32 $0x19190;
	s12 =	simm.s32 $0x131F0;
	v29 =	vadd.f32 $9.999999930e-09, v52;
	v21 =	vmul.f32 v21, v8;
	v23 =	vpop (erf);
	(erf) = vpow2.f32 v31  }
0x243: {  	s9 =	simm.s32 $0x161F0;
	s23 =	simm.s32 $0x191B0;
	s25 =	simm.s32 $0x191B0;
	[tilespmem:s24+$0xFFFFFFF0] =	vst v22;
	v25 =	vmul.f32 v60, v52;
	v31 =	vsub.f32 $1.000000000e+00, v56;
	v34 =	vpop (erf);
	(erf) = vpow2.f32 v51  }
.LBB2_7:
0x244: {  	v24 =	vmul.f32 v24, v28  }
0x245: {  	v35 =	vld [tilespmem:s12+$0xFFFFFFF0];
	s8 =	sadd.s32 $0x20, s8;
	v28 =	vpop (erf);
	s23 =	sadd.s32 $0x20, s23;
	(erf) = vpow2.f32 v33;
	v22 =	vmul.f32 v17, v16  }
0x246: {  	v23 =	vmul.f32 v23, v10;
	v33 =	vld [tilespmem:s9+$0xFFFFFFF0];
	p1 =	slt.u32 s8, $0xF80;
	v36 =	vpop (erf);
	(erf) = vpow2.f32 v30;
	[tilespmem:s24+$0x0] =	vst v26;
	s24 =	smov.u32 s25;
	s25 =	smov.u32 s23  }
0x247: {  	v30 =	vmul.f32 v15, v19;
	v19 =	vadd.f32 $1.000000000e+00, v34;
	v17 =	vld [tilespmem:s9+$0x0];
	(erf) = vrcp.f32 v31;
	v26 =	vpop (erf)  }
0x248: {  	v31 =	vmul.f32 v25, v13;
	v15 =	vmov v24;
	(erf) = vpow2.f32 v27  }
0x249: {  	v37 =	vmul.f32 v25, v14;
	v27 =	vmul.f32 v25, v12;
	v24 =	vld [tilespmem:s12+$0x0];
	v16 =	vpop (erf)  }
0x24a: {  	v25 =	vmul.f32 v25, v11;
	v34 =	vshrl.u32 v35, $0x2;
	v38 =	vmul.f32 v16, v10;
	v39 =	vpop (erf)  }
0x24b: {  	v40 =	vshrl.u32 v33, $0x2;
	v33 =	vshll.u32 v33, $0x3;
	v16 =	vpop (erf);
	v39 =	vmul.f32 v39, v9  }
0x24c: {  	v41 =	vshrl.u32 v17, $0x2;
	v42 =	vshll.u32 v17, $0x3;
	v17 =	vld [tilespmem:s26+$0x0];
	(erf) = vrcp.f32 v19;
	v19 =	vpop (erf)  }
0x24d: {  	v32 =	vmul.f32 v32, v18;
	v18 =	vsub.f32 v26, v36;
	v39 =	vadd.f32 v23, v39;
	v26 =	vpop (erf)  }
0x24e: {  	v36 =	vshrl.u32 v24, $0x2;
	v24 =	vshll.u32 v24, $0x3;
	(erf) = vrcp.f32 v29;
	v29 =	vpop (erf)  }
0x24f: {  	s5 =	sadd.s32 $0x20, s5;
	v31 =	vmul.f32 $1.442695020e+00, v31;
	v34 =	vld.idx.msk [tilespmem:v34+s7+$0x0], $0xffff;
	v21 =	vadd.f32 v39, v21;
	v29 =	vmul.f32 v29, v8;
	v23 =	vpop (erf)  }
0x250: {  	v25 =	vmul.f32 $1.442695020e+00, v25;
	v26 =	vadd.f32 $1.000000000e+00, v26;
	v39 =	vld.idx.msk [tilespmem:v40+s7+$0x0], $0xffff;
	v40 =	vmul.f32 v32, v14;
	v43 =	vpop (erf)  }
0x251: {  	v33 =	vand.u32 $0x18, v33;
	v41 =	vld.idx.msk [tilespmem:v41+s7+$0x0], $0xffff;
	v28 =	vsub.f32 v43, v28;
	v17 =	vmul.f32 v20, v17;
	v20 =	vpop (erf)  }
0x252: {  	v24 =	vand.u32 $0x18, v24;
	v43 =	vmul.f32 v19, v7;
	v40 =	vmul.f32 $1.442695020e+00, v40  }
0x253: {  	v19 =	vshll.u32 v35, $0x3;
	v35 =	vld.idx.msk [tilespmem:v36+s7+$0x0], $0xffff;
	v36 =	vmul.f32 v32, v12;
	(erf) = vrcp.f32 v26  }
0x254: {  	v23 =	vmul.f32 v23, v7;
	v19 =	vand.u32 $0x18, v19;
	v26 =	vmul.f32 $1.442695020e+00, v37  }
0x255: {  	v42 =	vand.u32 $0x18, v42;
	v37 =	vmul.f32 $1.442695020e+00, v18;
	v34 =	vshrl.u32 v34, v19;
	v44 =	vpop (erf)  }
0x256: {  	v20 =	vmul.f32 v20, v9;
	v28 =	vmul.f32 $1.442695020e+00, v28;
	v18 =	vshrl.u32 v39, v33;
	v45 =	vld [tilespmem:s5+$0xFFFFFFF0]  }
0x257: {  	v33 =	vand.u32 $0xFF, v18;
	v39 =	vshrl.u32 v41, v42;
	v18 =	vld [tilespmem:s5+$0x0];
	v19 =	vpop (erf);
	(erf) = vpow2.f32 v31  }
0x258: {  	v31 =	vmul.u32 $0x64, v33;
	v33 =	vand.u32 $0xFF, v39;
	(erf) = vpow2.f32 v26  }
0x259: {  	v26 =	vand.u32 $0xFF, v34;
	v33 =	vmul.u32 $0x64, v33;
	v24 =	vshrl.u32 v35, v24  }
0x25a: {  	v34 =	vmul.f32 v44, v30;
	v35 =	vmul.f32 v32, v13;
	v24 =	vand.u32 $0xFF, v24  }
0x25b: {  	v26 =	vadd.s32 v26, v31;
	v39 =	vadd.s32 v24, v33;
	v33 =	vadd.f32 v38, v20  }
0x25c: {  	v32 =	vmul.f32 v32, v11;
	v30 =	vmul.f32 $6.666666860e-01, v45  }
0x25d: {  	v24 =	vmul.f32 $6.666666860e-01, v18;
	v41 =	vpop (erf);
	v29 =	vadd.f32 v33, v29;
	v33 =	vmul.f32 $1.442695020e+00, v35  }
0x25e: {  	v31 =	vsub.f32 $1.000000000e+00, v30;
	v30 =	vmax.f32 v30, $9.999999930e-09;
	(erf) = vpow2.f32 v28  }
0x25f: {  	v28 =	vsub.f32 $1.000000000e+00, v24;
	v24 =	vmax.f32 v24, $9.999999930e-09;
	(erf) = vrcp.f32 v30  }
0x260: {  	v30 =	vmul.f32 $1.442695020e+00, v27;
	v42 =	vld.idx.msk [tilespmem:v26+s3+$0x0], $0xffff;
	(erf) = vrcp.f32 v24  }
0x261: {  	v27 =	vmul.f32 $1.442695020e+00, v32;
	v32 =	vadd.f32 v21, v23;
	v24 =	vld.idx.msk [tilespmem:v26+s31+$0x0], $0xffff;
	(erf) = vrcp.f32 v28;
	v26 =	vpop (erf)  }
0x262: {  	s26 =	sadd.s32 $0x20, s26;
	v20 =	vld.idx.msk [tilespmem:v39+s31+$0x0], $0xffff;
	v21 =	vmul.f32 v26, v8;
	v26 =	vmul.f32 $1.442695020e+00, v36;
	v23 =	vpop (erf)  }
.Ltmp2:
0x263: {  	v36 =	vadd.f32 $9.999999930e-09, v18;
	v28 =	vld [tilespmem:s26+$0xFFFFFFF0];
	(erf) = vpow2.f32 v40;
	(pc) =	sbr.rel @p1 .LBB2_7-.Ltmp2, $4  }
0x264: {  	v22 =	vmul.f32 v41, v22;
	v35 =	vadd.f32 v29, v43;
	(erf) = vpow2.f32 v25  }
0x265: {  	(erf) = vrcp.f32 v36;
	v36 =	vmul.f32 v32, v34  }
0x266: {  	v29 =	vadd.f32 $9.999999930e-09, v45;
	v25 =	vmul.f32 v42, v45;
	(erf) = vpow2.f32 v26  }
0x267: {  	s9 =	sadd.s32 $0x20, s9;
	s12 =	sadd.s32 $0x20, s12;
	v26 =	vmul.f32 v35, v22;
	v32 =	vld.idx.msk [tilespmem:v39+s3+$0x0], $0xffff;
	v34 =	vpop (erf);
	(erf) = vpow2.f32 v37;
	[tilespmem:s24+$0xFFFFFFF0] =	vst v36  }
0x268: {  	(erf) = vpow2.f32 v33  }
0x269: {  	v22 =	vpop (erf);
	(erf) = vpow2.f32 v30  }
0x26a: {  	v43 =	vpop (erf);
	(erf) = vrcp.f32 v31  }
0x26b: {  	v44 =	vpop (erf)  }
0x26c: {  	v45 =	vpop (erf)  }
0x26d: {  	v35 =	vpop (erf)  }
0x26e: {  	v36 =	vpop (erf)  }
0x26f: {  	v38 =	vmul.f32 v25, v13;
	v37 =	vpop (erf)  }
0x270: {  	v34 =	vadd.f32 $1.000000000e+00, v34;
	v48 =	vmul.f32 v25, v14;
	v51 =	vmul.f32 v25, v11;
	v46 =	vpop (erf)  }
0x271: {  	v38 =	vmul.f32 $1.442695020e+00, v38;
	(erf) = vpow2.f32 v27;
	v30 =	vsub.f32 v44, v43;
	v47 =	vpop (erf)  }
0x272: {  	v18 =	vmul.f32 v32, v18;
	(erf) = vrcp.f32 v34;
	v49 =	vpop (erf)  }
0x273: {  	v34 =	vmul.f32 $1.442695020e+00, v48;
	v30 =	vmul.f32 $1.442695020e+00, v30;
	v27 =	vadd.f32 $1.000000000e+00, v46;
	v50 =	vpop (erf)  }
0x274: {  	(erf) = vrcp.f32 v29;
	v39 =	vmul.f32 v18, v14;
	v22 =	vsub.f32 v50, v22  }
0x275: {  	v52 =	vmul.f32 v18, v12;
	(erf) = vrcp.f32 v27  }
0x276: {  	(erf) = vpow2.f32 v38;
	v22 =	vmul.f32 $1.442695020e+00, v22  }
0x277: {  	v39 =	vmul.f32 $1.442695020e+00, v39;
	(erf) = vpow2.f32 v34  }
0x278: {  	v27 =	vmul.f32 $1.442695020e+00, v51;
	(erf) = vpow2.f32 v22  }
0x279: {  	v53 =	vmul.f32 $1.442695020e+00, v52;
	(erf) = vpow2.f32 v39  }
0x27a: {  	(erf) = vpow2.f32 v27  }
0x27b: {  	v54 =	vpop (erf);
	(erf) = vpow2.f32 v53  }
0x27c: {  	v56 =	vmul.f32 v18, v13;
	v55 =	vpop (erf);
	(erf) = vpow2.f32 v30  }
0x27d: {  	v57 =	vmul.f32 v25, v12;
	v30 =	vpop (erf)  }
0x27e: {  	v18 =	vmul.f32 v18, v11;
	v31 =	vmul.f32 $1.442695020e+00, v56;
	v58 =	vpop (erf)  }
0x27f: {  	v25 =	vmul.f32 $1.442695020e+00, v57;
	v59 =	vpop (erf)  }
0x280: {  	v41 =	vld [tilespmem:s26+$0x0];
	v18 =	vmul.f32 $1.442695020e+00, v18;
	(erf) = vpow2.f32 v31;
	v60 =	vpop (erf)  }
0x281: {  	(erf) = vpow2.f32 v25;
	v61 =	vpop (erf)  }
0x282: {  	(erf) = vpow2.f32 v18;
	v62 =	vpop (erf)  }
0x283: {  	v24 =	vmul.f32 v24, v28;
	v40 =	vpop (erf)  }
0x284: {  	v16 =	vmul.f32 v17, v16;
	v23 =	vmul.f32 v23, v10;
	v42 =	vpop (erf)  }
0x285: {  	v17 =	vmul.f32 v20, v41;
	v44 =	vmul.f32 v35, v9;
	v63 =	vadd.f32 $1.000000000e+00, v61;
	v43 =	vpop (erf)  }
0x286: {  	v15 =	vmul.f32 v15, v19;
	v33 =	vmul.f32 v45, v10;
	v19 =	vadd.f32 $1.000000000e+00, v43  }
0x287: {  	v17 =	vmul.f32 v17, v36;
	v23 =	vadd.f32 v23, v44;
	(erf) = vrcp.f32 v63  }
0x288: {  	v46 =	vmul.f32 v37, v7;
	(erf) = vrcp.f32 v19  }
0x289: {  	v45 =	vmul.f32 v47, v8;
	v21 =	vadd.f32 v23, v21;
	v49 =	vmul.f32 v49, v7;
	v48 =	vpop (erf)  }
0x28a: {  	v15 =	vmul.f32 v55, v15;
	v27 =	vmul.f32 v54, v9;
	v50 =	vpop (erf)  }
0x28b: {  	v21 =	vadd.f32 v21, v49;
	v51 =	vmul.f32 v60, v10;
	v52 =	vmul.f32 v40, v9;
	v53 =	vpop (erf)  }
0x28c: {  	v47 =	vadd.f32 v33, v27;
	v18 =	vmul.f32 v62, v10;
	v54 =	vmul.f32 v53, v9  }
0x28d: {  	v16 =	vmul.f32 v58, v16;
	v55 =	vmul.f32 v59, v8;
	v56 =	vadd.f32 v51, v52  }
0x28e: {  	v19 =	vadd.f32 v47, v45;
	v57 =	vmul.f32 v48, v8;
	v18 =	vadd.f32 v18, v54  }
0x28f: {  	v58 =	vmul.f32 v24, v30;
	v20 =	vadd.f32 v56, v55;
	v22 =	vmul.f32 v50, v7  }
0x290: {  	v59 =	vmul.f32 v42, v7;
	v19 =	vadd.f32 v19, v46;
	v60 =	vpop (erf);
	v18 =	vadd.f32 v18, v57  }
0x291: {  	s19 =	sadd.s32 $0x1, s19;
	v15 =	vmul.f32 v21, v15;
	v20 =	vadd.f32 v20, v22;
	v61 =	vmul.f32 v60, v58;
	v62 =	vpop (erf)  }
0x292: {  	[tilespmem:s24+$0x0] =	vst v26;
	p1 =	sne.s32 s19, $0x10;
	v16 =	vmul.f32 v19, v16;
	v18 =	vadd.f32 v18, v59;
	v17 =	vmul.f32 v62, v17  }
.Ltmp3:
0x293: {  	[tilespmem:s25+$0xFFFFFFF0] =	vst v15;
	v15 =	vmul.f32 v20, v61;
	(pc) =	sbr.rel @p1 .LBB2_2-.Ltmp3, $4  }
0x294: {  	s5 =	sadd.s32 $0x20, s23;
	[tilespmem:s25+$0x0] =	vst v16;
	v63 =	vmul.f32 v18, v17  }
0x295: {  	[tilespmem:s5+$0xFFFFFFF0] =	vst v15  }
0x296: {  	s26 =	simm.s32 $0x19180;
	[tilespmem:s5+$0x0] =	vst v63  }
0x297: {  	[spmem:s6] =	stream.indirect.scatter.add.f32 [tilespmem:s26], [sflag:$0x6], $0x1, s13, s11, $0xb8;
	[tilespmem:$0x1B9F0] =	vst v63  }
0x298: {  	_ =	swait.ge [sflag:s21], $0xFA0  }
0x299: {  	[sflag:s21] =	ssyncset.done $0x0  }
0x29a: {  	[sflag:s21] =	ssyncadd.s32 $0xFFFFF060  }
0x29b: {  	_ =	swait.ge [sflag:s21], $0xFA0  }
0x29c: {  	[sflag:s21] =	ssyncset.done $0x0  }
0x29d: {  	[sflag:s21] =	ssyncadd.s32 $0xFFFFF060  }
0x29e: {  	_ =	swait.ge [sflag:s21], $0xFA0  }
0x29f: {  	[sflag:s21] =	ssyncset.done $0x0  }
0x2a0: {  	[sflag:s21] =	ssyncadd.s32 $0xFFFFF060  }
0x2a1: {  	_ =	swait.ge [sflag:s21], $0xFA0  }
0x2a2: {  	[sflag:s21] =	ssyncset.done $0x0  }
0x2a3: {  	[sflag:s21] =	ssyncadd.s32 $0xFFFFF060  }
0x2a4: {  	_ =	swait.ge [sflag:s22], $0xFA0  }
0x2a5: {  	[sflag:s22] =	ssyncset.done $0x0  }
0x2a6: {  	s8 =	simm.s32 $0xC180;
	s5 =	rddreg [dreg:$0x10];
	[sflag:s22] =	ssyncadd.s32 $0xFFFFF060  }
0x2a7: {  	[tilespmem:s8], [sflag:$0x2] =	stream.linear.gather [hbm4b:s5+s7], $0xFA0, $0x38;
	[tilespmem:$0x1B9F0] =	vst v63  }
0x2a8: {  	s12 =	simm.s32 $0xF180;
	s9 =	rddreg [dreg:$0x11]  }
0x2a9: {  	[tilespmem:s12], [sflag:$0x2] =	stream.linear.gather [hbm4b:s9+s7], $0xFA0, $0x38;
	[tilespmem:$0x1B9F0] =	vst v63  }
0x2aa: {  	s23 =	simm.s32 $0x12180;
	s19 =	rddreg [dreg:$0x12]  }
0x2ab: {  	[tilespmem:s23], [sflag:$0x2] =	stream.linear.gather [hbm4b:s19+s7], $0xFA0, $0x38;
	[tilespmem:$0x1B9F0] =	vst v63  }
0x2ac: {  	s25 =	simm.s32 $0x14190;
	s24 =	rddreg [dreg:$0x13]  }
0x2ad: {  	[tilespmem:s10], [sflag:$0x2] =	stream.linear.gather [hbm4b:s24+s7], $0xFA0, $0x38;
	[tilespmem:$0x1B9F0] =	vst v63  }
0x2ae: {  	s26 =	simm.s32 $0x11190;
	v15 =	vld [tilespmem:s25+$0xFFFFFFF0]  }
0x2af: {  	v16 =	vld [tilespmem:s26+$0xFFFFFFF0];
	_ =	sdelay $0x1  }
0x2b0: {  	v17 =	vld [tilespmem:s25+$0x0]  }
0x2b1: {  	v18 =	vld [tilespmem:s26+$0x0]  }
0x2b2: {  	v19 =	vshrl.u32 v15, $0x2  }
0x2b3: {  	v20 =	vshrl.u32 v16, $0x2;
	_ =	sdelay $0x1  }
0x2b4: {  	v21 =	vshrl.u32 v17, $0x2  }
0x2b5: {  	v22 =	vshrl.u32 v18, $0x2  }
0x2b6: {  	v19 =	vld.idx.msk [tilespmem:v19+s7+$0x0], $0xffff  }
0x2b7: {  	v20 =	vld.idx.msk [tilespmem:v20+s7+$0x0], $0xffff;
	_ =	sdelay $0x1  }
0x2b8: {  	v15 =	vshll.u32 v15, $0x3;
	v21 =	vld.idx.msk [tilespmem:v21+s7+$0x0], $0xffff  }
0x2b9: {  	s9 =	simm.s32 $0xB190;
	v16 =	vshll.u32 v16, $0x3;
	v15 =	vand.u32 $0x18, v15;
	v22 =	vld.idx.msk [tilespmem:v22+s7+$0x0], $0xffff  }
0x2ba: {  	v16 =	vand.u32 $0x18, v16;
	v15 =	vshrl.u32 v19, v15;
	v19 =	vld [tilespmem:s9+$0xFFFFFFF0]  }
0x2bb: {  	v17 =	vshll.u32 v17, $0x3;
	v16 =	vshrl.u32 v20, v16;
	v20 =	vld [tilespmem:s9+$0x0];
	v15 =	vand.u32 $0xFF, v15  }
0x2bc: {  	v17 =	vand.u32 $0x18, v17;
	v15 =	vmul.u32 $0x64, v15  }
0x2bd: {  	v18 =	vshll.u32 v18, $0x3;
	v17 =	vshrl.u32 v21, v17;
	v16 =	vand.u32 $0xFF, v16  }
0x2be: {  	v17 =	vand.u32 $0xFF, v17;
	v15 =	vadd.s32 v16, v15;
	v16 =	vand.u32 $0x18, v18  }
0x2bf: {  	s12 =	simm.s32 $0x141B0;
	v17 =	vmul.u32 $0x64, v17;
	v16 =	vshrl.u32 v22, v16;
	v18 =	vmul.f32 $6.666666860e-01, v19  }
0x2c0: {  	v24 =	vld [tilespmem:s12+$0x0];
	v21 =	vmul.f32 $6.666666860e-01, v20;
	v16 =	vand.u32 $0xFF, v16  }
0x2c1: {  	s19 =	simm.s32 $0x111B0;
	v23 =	vld [tilespmem:s12+$0xFFFFFFF0];
	v16 =	vadd.s32 v16, v17;
	v17 =	vmax.f32 v18, $9.999999930e-09  }
0x2c2: {  	s8 =	simm.s32 $0xB1D0;
	v26 =	vld [tilespmem:s19+$0x0];
	v22 =	vsub.f32 $1.000000000e+00, v21;
	v21 =	vmax.f32 v21, $9.999999930e-09;
	(erf) = vrcp.f32 v17  }
0x2c3: {  	v58 =	vld [tilespmem:s8+$0xFFFFFFF0];
	(erf) = vrcp.f32 v21;
	v21 =	vadd.f32 $9.999999930e-09, v20  }
0x2c4: {  	v17 =	vld.idx.msk [tilespmem:v15+s3+$0x0], $0xffff;
	(erf) = vrcp.f32 v22  }
0x2c5: {  	v34 =	vshrl.u32 v24, $0x2;
	v18 =	vsub.f32 $1.000000000e+00, v18;
	(erf) = vrcp.f32 v21;
	v21 =	vld [tilespmem:s19+$0xFFFFFFF0]  }
0x2c6: {  	s9 =	simm.s32 $0xE190;
	v15 =	vld.idx.msk [tilespmem:v15+s31+$0x0], $0xffff  }
0x2c7: {  	v22 =	vld [tilespmem:s9+$0xFFFFFFF0];
	(erf) = vrcp.f32 v18  }
0x2c8: {  	v25 =	vshrl.u32 v23, $0x2;
	v18 =	vld.idx.msk [tilespmem:v16+s3+$0x0], $0xffff;
	_ =	sdelay $0x1  }
0x2c9: {  	v23 =	vshll.u32 v23, $0x3;
	v34 =	vld.idx.msk [tilespmem:v34+s7+$0x0], $0xffff;
	v17 =	vmul.f32 v17, v19;
	v27 =	vshrl.u32 v21, $0x2  }
0x2ca: {  	v24 =	vshll.u32 v24, $0x3;
	v45 =	vshrl.u32 v26, $0x2;
	v59 =	vmul.f32 $6.666666860e-01, v58;
	v32 =	vld [tilespmem:s9+$0x0]  }
0x2cb: {  	v26 =	vshll.u32 v26, $0x3;
	v16 =	vld.idx.msk [tilespmem:v16+s31+$0x0], $0xffff;
	v22 =	vmul.f32 v15, v22;
	v28 =	vmul.f32 v17, v13;
	v15 =	vpop (erf)  }
0x2cc: {  	v26 =	vand.u32 $0x18, v26;
	v19 =	vadd.f32 $9.999999930e-09, v19;
	v18 =	vmul.f32 v18, v20;
	v20 =	vld.idx.msk [tilespmem:v25+s7+$0x0], $0xffff;
	v29 =	vpop (erf)  }
0x2cd: {  	v23 =	vand.u32 $0x18, v23;
	v24 =	vand.u32 $0x18, v24;
	v30 =	vmul.f32 v17, v12;
	v33 =	vpop (erf)  }
0x2ce: {  	v24 =	vshrl.u32 v34, v24;
	v31 =	vmul.f32 v17, v14;
	(erf) = vrcp.f32 v19;
	v25 =	vpop (erf);
	v19 =	vld.idx.msk [tilespmem:v27+s7+$0x0], $0xffff  }
0x2cf: {  	s23 =	simm.s32 $0xB1B0;
	v17 =	vmul.f32 v17, v11;
	v21 =	vshll.u32 v21, $0x3;
	v27 =	vmul.f32 $1.442695020e+00, v28;
	v28 =	vpop (erf)  }
0x2d0: {  	v16 =	vmul.f32 v16, v32;
	v21 =	vand.u32 $0x18, v21;
	v15 =	vsub.f32 v28, v15;
	v28 =	vld [tilespmem:s23+$0xFFFFFFF0]  }
0x2d1: {  	v17 =	vmul.f32 $1.442695020e+00, v17;
	v31 =	vmul.f32 $1.442695020e+00, v31;
	v20 =	vshrl.u32 v20, v23;
	v23 =	vld [tilespmem:s23+$0x0]  }
0x2d2: {  	v30 =	vmul.f32 $1.442695020e+00, v30;
	v35 =	vmul.f32 v18, v14;
	v20 =	vand.u32 $0xFF, v20  }
0x2d3: {  	v29 =	vsub.f32 v33, v29;
	v20 =	vmul.u32 $0x64, v20;
	v19 =	vshrl.u32 v19, v21  }
0x2d4: {  	(erf) = vpow2.f32 v27;
	v15 =	vmul.f32 $1.442695020e+00, v15;
	v19 =	vand.u32 $0xFF, v19  }
0x2d5: {  	v21 =	vmul.f32 $1.442695020e+00, v29;
	v29 =	vld.idx.msk [tilespmem:v45+s7+$0x0], $0xffff;
	v19 =	vadd.s32 v19, v20;
	v20 =	vmul.f32 $6.666666860e-01, v28  }
0x2d6: {  	v24 =	vand.u32 $0xFF, v24;
	(erf) = vpow2.f32 v31;
	v27 =	vmul.f32 $6.666666860e-01, v23  }
0x2d7: {  	v47 =	vmul.f32 v18, v12;
	(erf) = vpow2.f32 v15;
	v31 =	vmax.f32 v20, $9.999999930e-09  }
0x2d8: {  	s26 =	simm.s32 $0x141D0;
	v15 =	vsub.f32 $1.000000000e+00, v27;
	v27 =	vmax.f32 v27, $9.999999930e-09;
	(erf) = vrcp.f32 v31  }
0x2d9: {  	v49 =	vld [tilespmem:s26+$0xFFFFFFF0];
	v24 =	vmul.u32 $0x64, v24;
	v46 =	vmul.f32 $1.442695020e+00, v35;
	(erf) = vrcp.f32 v27  }
0x2da: {  	v31 =	vmul.f32 v18, v13;
	v26 =	vshrl.u32 v29, v26;
	v27 =	vld.idx.msk [tilespmem:v19+s3+$0x0], $0xffff;
	(erf) = vrcp.f32 v15  }
0x2db: {  	v29 =	vmul.f32 $1.442695020e+00, v47;
	v15 =	vld.idx.msk [tilespmem:v19+s31+$0x0], $0xffff;
	v19 =	vadd.f32 $9.999999930e-09, v23;
	(erf) = vpow2.f32 v46  }
0x2dc: {  	v18 =	vmul.f32 v18, v11;
	v26 =	vand.u32 $0xFF, v26;
	(erf) = vpow2.f32 v17  }
0x2dd: {  	v17 =	vpop (erf);
	(erf) = vrcp.f32 v19;
	v19 =	vadd.s32 v26, v24;
	v26 =	vmul.f32 $1.442695020e+00, v31  }
0x2de: {  	v50 =	vmul.f32 v16, v25;
	v24 =	vpop (erf);
	(erf) = vpow2.f32 v29  }
0x2df: {  	s24 =	simm.s32 $0xE1B0;
	v25 =	vld [tilespmem:s26+$0x0];
	v18 =	vmul.f32 $1.442695020e+00, v18;
	v29 =	vpop (erf);
	(erf) = vpow2.f32 v21  }
0x2e0: {  	v48 =	vld [tilespmem:s24+$0xFFFFFFF0];
	v40 =	vshrl.u32 v49, $0x2;
	v21 =	vmul.f32 v27, v28;
	v27 =	vpop (erf);
	(erf) = vpow2.f32 v26  }
0x2e1: {  	s25 =	simm.s32 $0x111D0;
	v20 =	vsub.f32 $1.000000000e+00, v20;
	v22 =	vmul.f32 v22, v17;
	v26 =	vpop (erf);
	(erf) = vpow2.f32 v30  }
0x2e2: {  	v32 =	vshll.u32 v49, $0x3;
	v31 =	vld [tilespmem:s25+$0xFFFFFFF0];
	v17 =	vmul.f32 v21, v13;
	v52 =	vmul.f32 v21, v12  }
0x2e3: {  	v37 =	vmul.f32 v21, v14;
	v30 =	vpop (erf);
	(erf) = vrcp.f32 v20;
	v20 =	vadd.f32 $9.999999930e-09, v28;
	v28 =	vld.idx.msk [tilespmem:v19+s3+$0x0], $0xffff  }
0x2e4: {  	v41 =	vshrl.u32 v25, $0x2;
	v21 =	vmul.f32 v21, v11;
	v51 =	vpop (erf);
	(erf) = vpow2.f32 v18;
	v18 =	vld [tilespmem:s25+$0x0]  }
0x2e5: {  	v25 =	vshll.u32 v25, $0x3;
	v24 =	vmul.f32 v24, v8;
	v15 =	vmul.f32 v15, v48;
	v16 =	vpop (erf)  }
0x2e6: {  	v29 =	vmul.f32 v29, v10;
	v27 =	vadd.f32 $1.000000000e+00, v27;
	v44 =	vmul.f32 $1.442695020e+00, v21;
	v38 =	vpop (erf)  }
0x2e7: {  	v25 =	vand.u32 $0x18, v25;
	v39 =	vmul.f32 v16, v10;
	v16 =	vpop (erf);
	v38 =	vmul.f32 v38, v9  }
0x2e8: {  	v36 =	vshrl.u32 v31, $0x2;
	v42 =	vpop (erf);
	(erf) = vrcp.f32 v27;
	v23 =	vmul.f32 v28, v23  }
0x2e9: {  	v43 =	vld [tilespmem:s24+$0x0];
	v27 =	vsub.f32 v51, v30;
	v29 =	vadd.f32 v29, v38;
	v30 =	vshrl.u32 v18, $0x2  }
0x2ea: {  	v19 =	vld.idx.msk [tilespmem:v19+s31+$0x0], $0xffff;
	v28 =	vpop (erf);
	(erf) = vrcp.f32 v20;
	v18 =	vshll.u32 v18, $0x3;
	v55 =	vmul.f32 v42, v7  }
0x2eb: {  	v40 =	vld.idx.msk [tilespmem:v40+s7+$0x0], $0xffff;
	v20 =	vpop (erf);
	v54 =	vmul.f32 v23, v14;
	v28 =	vadd.f32 $1.000000000e+00, v28;
	v57 =	vmul.f32 $1.442695020e+00, v27  }
0x2ec: {  	v53 =	vmul.f32 v20, v8;
	v20 =	vpop (erf);
	v24 =	vadd.f32 v29, v24;
	v29 =	vmul.f32 $1.442695020e+00, v17  }
0x2ed: {  	v36 =	vld.idx.msk [tilespmem:v36+s7+$0x0], $0xffff;
	v18 =	vand.u32 $0x18, v18;
	v17 =	vpop (erf);
	v38 =	vmul.f32 $1.442695020e+00, v54;
	(erf) = vrcp.f32 v28  }
0x2ee: {  	v28 =	vmul.f32 $1.442695020e+00, v37;
	v56 =	vmul.f32 v20, v7;
	v21 =	vsub.f32 v17, v26;
	v26 =	vld.idx.msk [tilespmem:v41+s7+$0x0], $0xffff  }
0x2ef: {  	v20 =	vand.u32 $0x18, v32;
	v17 =	vmul.f32 v19, v43;
	v19 =	vshll.u32 v31, $0x3;
	v30 =	vld.idx.msk [tilespmem:v30+s7+$0x0], $0xffff  }
0x2f0: {  	v31 =	vmul.f32 v23, v12;
	v20 =	vshrl.u32 v40, v20;
	(erf) = vpow2.f32 v29  }
0x2f1: {  	v27 =	vpop (erf);
	v19 =	vand.u32 $0x18, v19;
	v40 =	vand.u32 $0xFF, v20;
	(erf) = vpow2.f32 v28  }
0x2f2: {  	v20 =	vld [tilespmem:s8+$0x0];
	v24 =	vadd.f32 v24, v56;
	v19 =	vshrl.u32 v36, v19;
	v31 =	vmul.f32 $1.442695020e+00, v31  }
0x2f3: {  	v25 =	vshrl.u32 v26, v25;
	v26 =	vmul.f32 v27, v9;
	v27 =	vmul.u32 $0x64, v40  }
0x2f4: {  	v19 =	vand.u32 $0xFF, v19;
	v25 =	vand.u32 $0xFF, v25;
	v18 =	vshrl.u32 v30, v18  }
0x2f5: {  	v29 =	vpop (erf);
	v25 =	vmul.u32 $0x64, v25;
	v28 =	vadd.s32 v19, v27;
	v19 =	vmul.f32 $1.442695020e+00, v21  }
0x2f6: {  	v22 =	vmul.f32 v29, v22;
	v29 =	vmul.f32 v23, v13;
	v18 =	vand.u32 $0xFF, v18  }
0x2f7: {  	v60 =	vadd.s32 v18, v25;
	v18 =	vmul.f32 $6.666666860e-01, v20;
	(erf) = vpow2.f32 v19  }
0x2f8: {  	v30 =	vmul.f32 $1.442695020e+00, v52;
	v21 =	vmul.f32 v23, v11;
	v23 =	vmax.f32 v59, $9.999999930e-09  }
0x2f9: {  	v19 =	vpop (erf);
	v25 =	vsub.f32 $1.000000000e+00, v18;
	v18 =	vmax.f32 v18, $9.999999930e-09;
	(erf) = vrcp.f32 v23  }
0x2fa: {  	v33 =	vmul.f32 $1.442695020e+00, v29;
	(erf) = vrcp.f32 v18;
	v18 =	vadd.f32 v39, v26;
	v26 =	vld.idx.msk [tilespmem:v28+s3+$0x0], $0xffff  }
0x2fb: {  	s5 =	simm.s32 $0xE1D0;
	v62 =	vadd.f32 $9.999999930e-09, v20;
	v22 =	vmul.f32 v24, v22;
	(erf) = vrcp.f32 v25;
	v25 =	vld.idx.msk [tilespmem:v28+s31+$0x0], $0xffff  }
0x2fc: {  	v27 =	vmul.f32 $1.442695020e+00, v21;
	v23 =	vpop (erf);
	v28 =	vld [tilespmem:s5+$0xFFFFFFF0];
	v61 =	vadd.f32 v18, v53;
	(erf) = vpow2.f32 v38  }
0x2fd: {  	v21 =	vpop (erf);
	v63 =	vmul.f32 v23, v50;
	(erf) = vpow2.f32 v44  }
0x2fe: {  	v21 =	vmul.f32 v21, v8;
	v35 =	vadd.f32 v61, v55;
	(erf) = vrcp.f32 v62  }
0x2ff: {  	s12 =	simm.s32 $0x111F0;
	s24 =	simm.s32 $0x171B0;
	s23 =	simm.s32 $0x17190;
	v29 =	vadd.f32 $9.999999930e-09, v58;
	v18 =	vld.idx.msk [tilespmem:v60+s31+$0x0], $0xffff;
	v23 =	vpop (erf);
	v24 =	vmul.f32 v26, v58;
	(erf) = vpow2.f32 v31  }
0x300: {  	s9 =	simm.s32 $0x141F0;
	s19 =	simm.s32 $0x171B0;
	s25 =	simm.s32 $0x40;
	[tilespmem:s23+$0xFFFFFFF0] =	vst v22;
	v32 =	vld.idx.msk [tilespmem:v60+s3+$0x0], $0xffff;
	v31 =	vsub.f32 $1.000000000e+00, v59;
	v34 =	vpop (erf);
	(erf) = vpow2.f32 v57;
	v26 =	vmul.f32 v35, v63  }
.LBB2_10:
0x301: {  	v25 =	vmul.f32 v25, v28  }
0x302: {  	v35 =	vld [tilespmem:s12+$0xFFFFFFF0];
	s25 =	sadd.s32 $0x20, s25;
	v28 =	vpop (erf);
	s19 =	sadd.s32 $0x20, s19;
	(erf) = vpow2.f32 v33;
	v22 =	vmul.f32 v17, v16  }
0x303: {  	v23 =	vmul.f32 v23, v10;
	v33 =	vld [tilespmem:s9+$0xFFFFFFF0];
	p1 =	slt.u32 s25, $0xF80;
	v36 =	vpop (erf);
	(erf) = vpow2.f32 v30;
	[tilespmem:s23+$0x0] =	vst v26;
	s23 =	smov.u32 s24;
	s24 =	smov.u32 s19  }
0x304: {  	v30 =	vmul.f32 v15, v19;
	v19 =	vadd.f32 $1.000000000e+00, v34;
	v17 =	vld [tilespmem:s9+$0x0];
	(erf) = vrcp.f32 v31;
	v26 =	vpop (erf)  }
0x305: {  	v31 =	vmul.f32 v24, v13;
	v15 =	vmov v25;
	(erf) = vpow2.f32 v27  }
0x306: {  	v37 =	vmul.f32 v24, v14;
	v27 =	vmul.f32 v24, v12;
	v25 =	vld [tilespmem:s12+$0x0];
	v16 =	vpop (erf)  }
0x307: {  	v24 =	vmul.f32 v24, v11;
	v34 =	vshrl.u32 v35, $0x2;
	v38 =	vmul.f32 v16, v10;
	v39 =	vpop (erf)  }
0x308: {  	v40 =	vshrl.u32 v33, $0x2;
	v33 =	vshll.u32 v33, $0x3;
	v16 =	vpop (erf);
	v39 =	vmul.f32 v39, v9  }
0x309: {  	v41 =	vshrl.u32 v17, $0x2;
	v42 =	vshll.u32 v17, $0x3;
	v17 =	vld [tilespmem:s5+$0x0];
	(erf) = vrcp.f32 v19;
	v19 =	vpop (erf)  }
0x30a: {  	v32 =	vmul.f32 v32, v20;
	v20 =	vsub.f32 v26, v36;
	v39 =	vadd.f32 v23, v39;
	v26 =	vpop (erf)  }
0x30b: {  	v36 =	vshrl.u32 v25, $0x2;
	v25 =	vshll.u32 v25, $0x3;
	(erf) = vrcp.f32 v29;
	v29 =	vpop (erf)  }
0x30c: {  	s8 =	sadd.s32 $0x20, s8;
	v31 =	vmul.f32 $1.442695020e+00, v31;
	v34 =	vld.idx.msk [tilespmem:v34+s7+$0x0], $0xffff;
	v21 =	vadd.f32 v39, v21;
	v29 =	vmul.f32 v29, v8;
	v23 =	vpop (erf)  }
0x30d: {  	v24 =	vmul.f32 $1.442695020e+00, v24;
	v26 =	vadd.f32 $1.000000000e+00, v26;
	v39 =	vld.idx.msk [tilespmem:v40+s7+$0x0], $0xffff;
	v40 =	vmul.f32 v32, v14;
	v43 =	vpop (erf)  }
0x30e: {  	v33 =	vand.u32 $0x18, v33;
	v41 =	vld.idx.msk [tilespmem:v41+s7+$0x0], $0xffff;
	v28 =	vsub.f32 v43, v28;
	v17 =	vmul.f32 v18, v17;
	v18 =	vpop (erf)  }
0x30f: {  	v25 =	vand.u32 $0x18, v25;
	v43 =	vmul.f32 v19, v7;
	v40 =	vmul.f32 $1.442695020e+00, v40  }
0x310: {  	v19 =	vshll.u32 v35, $0x3;
	v35 =	vld.idx.msk [tilespmem:v36+s7+$0x0], $0xffff;
	v36 =	vmul.f32 v32, v12;
	(erf) = vrcp.f32 v26  }
0x311: {  	v23 =	vmul.f32 v23, v7;
	v19 =	vand.u32 $0x18, v19;
	v26 =	vmul.f32 $1.442695020e+00, v37  }
0x312: {  	v18 =	vmul.f32 v18, v9;
	v37 =	vmul.f32 $1.442695020e+00, v20;
	v34 =	vshrl.u32 v34, v19;
	v44 =	vpop (erf)  }
0x313: {  	v28 =	vmul.f32 $1.442695020e+00, v28;
	v46 =	vshrl.u32 v39, v33;
	v33 =	vand.u32 $0x18, v42;
	v45 =	vld [tilespmem:s8+$0xFFFFFFF0]  }
0x314: {  	v39 =	vand.u32 $0xFF, v46;
	v33 =	vshrl.u32 v41, v33;
	v20 =	vld [tilespmem:s8+$0x0];
	v19 =	vpop (erf);
	(erf) = vpow2.f32 v31  }
0x315: {  	v31 =	vmul.u32 $0x64, v39;
	v33 =	vand.u32 $0xFF, v33;
	(erf) = vpow2.f32 v26  }
0x316: {  	v26 =	vand.u32 $0xFF, v34;
	v33 =	vmul.u32 $0x64, v33;
	v25 =	vshrl.u32 v35, v25  }
0x317: {  	v34 =	vmul.f32 v44, v30;
	v35 =	vmul.f32 v32, v13;
	v25 =	vand.u32 $0xFF, v25  }
0x318: {  	v26 =	vadd.s32 v26, v31;
	v39 =	vadd.s32 v25, v33;
	v33 =	vadd.f32 v38, v18  }
0x319: {  	v32 =	vmul.f32 v32, v11;
	v30 =	vmul.f32 $6.666666860e-01, v45  }
0x31a: {  	v25 =	vmul.f32 $6.666666860e-01, v20;
	v41 =	vpop (erf);
	v29 =	vadd.f32 v33, v29;
	v33 =	vmul.f32 $1.442695020e+00, v35  }
0x31b: {  	v31 =	vsub.f32 $1.000000000e+00, v30;
	v30 =	vmax.f32 v30, $9.999999930e-09;
	(erf) = vpow2.f32 v28  }
0x31c: {  	v28 =	vsub.f32 $1.000000000e+00, v25;
	v25 =	vmax.f32 v25, $9.999999930e-09;
	(erf) = vrcp.f32 v30  }
0x31d: {  	v30 =	vmul.f32 $1.442695020e+00, v27;
	v42 =	vld.idx.msk [tilespmem:v26+s3+$0x0], $0xffff;
	(erf) = vrcp.f32 v25  }
0x31e: {  	v27 =	vmul.f32 $1.442695020e+00, v32;
	v32 =	vadd.f32 v21, v23;
	v25 =	vld.idx.msk [tilespmem:v26+s31+$0x0], $0xffff;
	(erf) = vrcp.f32 v28;
	v26 =	vpop (erf)  }
0x31f: {  	s5 =	sadd.s32 $0x20, s5;
	v18 =	vld.idx.msk [tilespmem:v39+s31+$0x0], $0xffff;
	v21 =	vmul.f32 v26, v8;
	v26 =	vmul.f32 $1.442695020e+00, v36;
	v23 =	vpop (erf)  }
.Ltmp4:
0x320: {  	v36 =	vadd.f32 $9.999999930e-09, v20;
	v28 =	vld [tilespmem:s5+$0xFFFFFFF0];
	(erf) = vpow2.f32 v40;
	(pc) =	sbr.rel @p1 .LBB2_10-.Ltmp4, $4  }
0x321: {  	v22 =	vmul.f32 v41, v22;
	v35 =	vadd.f32 v29, v43;
	(erf) = vpow2.f32 v24  }
0x322: {  	(erf) = vrcp.f32 v36;
	v36 =	vmul.f32 v32, v34  }
0x323: {  	v29 =	vadd.f32 $9.999999930e-09, v45;
	v24 =	vmul.f32 v42, v45;
	(erf) = vpow2.f32 v26  }
0x324: {  	s9 =	sadd.s32 $0x20, s9;
	s12 =	sadd.s32 $0x20, s12;
	v26 =	vmul.f32 v35, v22;
	v32 =	vld.idx.msk [tilespmem:v39+s3+$0x0], $0xffff;
	v34 =	vpop (erf);
	(erf) = vpow2.f32 v37;
	[tilespmem:s23+$0xFFFFFFF0] =	vst v36  }
0x325: {  	(erf) = vpow2.f32 v33  }
0x326: {  	v22 =	vpop (erf);
	(erf) = vpow2.f32 v30  }
0x327: {  	v30 =	vpop (erf);
	(erf) = vrcp.f32 v31  }
0x328: {  	v31 =	vpop (erf)  }
0x329: {  	v44 =	vpop (erf)  }
0x32a: {  	v35 =	vpop (erf)  }
0x32b: {  	v38 =	vmul.f32 v24, v13;
	v36 =	vpop (erf)  }
0x32c: {  	v37 =	vpop (erf)  }
0x32d: {  	v34 =	vadd.f32 $1.000000000e+00, v34;
	v38 =	vmul.f32 $1.442695020e+00, v38;
	v20 =	vmul.f32 v32, v20;
	v45 =	vpop (erf)  }
0x32e: {  	(erf) = vpow2.f32 v27;
	v27 =	vmul.f32 v24, v14;
	v39 =	vpop (erf)  }
0x32f: {  	(erf) = vrcp.f32 v34;
	v40 =	vmul.f32 v20, v14;
	v46 =	vpop (erf)  }
0x330: {  	v47 =	vmul.f32 v20, v12;
	v27 =	vmul.f32 $1.442695020e+00, v27;
	v32 =	vadd.f32 $1.000000000e+00, v45;
	v41 =	vpop (erf)  }
0x331: {  	v40 =	vmul.f32 $1.442695020e+00, v40;
	(erf) = vrcp.f32 v29;
	v22 =	vsub.f32 v41, v22  }
0x332: {  	v29 =	vmul.f32 v24, v11;
	(erf) = vrcp.f32 v32  }
0x333: {  	(erf) = vpow2.f32 v38;
	v22 =	vmul.f32 $1.442695020e+00, v22  }
0x334: {  	v29 =	vmul.f32 $1.442695020e+00, v29;
	(erf) = vpow2.f32 v27;
	v27 =	vsub.f32 v31, v30  }
0x335: {  	(erf) = vpow2.f32 v22;
	v22 =	vmul.f32 $1.442695020e+00, v47  }
0x336: {  	v27 =	vmul.f32 $1.442695020e+00, v27;
	(erf) = vpow2.f32 v40  }
0x337: {  	(erf) = vpow2.f32 v29  }
0x338: {  	v30 =	vmul.f32 v20, v13;
	v29 =	vpop (erf);
	(erf) = vpow2.f32 v22  }
0x339: {  	v20 =	vmul.f32 v20, v11;
	v22 =	vpop (erf);
	(erf) = vpow2.f32 v27  }
0x33a: {  	v24 =	vmul.f32 v24, v12;
	v30 =	vmul.f32 $1.442695020e+00, v30;
	v27 =	vpop (erf)  }
0x33b: {  	v20 =	vmul.f32 $1.442695020e+00, v20;
	v31 =	vpop (erf)  }
0x33c: {  	v24 =	vmul.f32 $1.442695020e+00, v24;
	v48 =	vpop (erf)  }
0x33d: {  	(erf) = vpow2.f32 v30;
	v49 =	vpop (erf)  }
0x33e: {  	(erf) = vpow2.f32 v24;
	v30 =	vpop (erf)  }
0x33f: {  	(erf) = vpow2.f32 v20;
	v20 =	vpop (erf)  }
0x340: {  	v16 =	vmul.f32 v17, v16;
	v17 =	vld [tilespmem:s5+$0x0];
	v24 =	vpop (erf)  }
0x341: {  	v25 =	vmul.f32 v25, v28;
	v28 =	vpop (erf)  }
0x342: {  	v15 =	vmul.f32 v15, v19;
	v19 =	vmul.f32 v23, v10;
	v23 =	vadd.f32 $1.000000000e+00, v30;
	v30 =	vpop (erf)  }
0x343: {  	v30 =	vadd.f32 $1.000000000e+00, v30  }
0x344: {  	v33 =	vmul.f32 v44, v10;
	v35 =	vmul.f32 v35, v9  }
0x345: {  	v17 =	vmul.f32 v18, v17;
	v29 =	vmul.f32 v29, v9  }
0x346: {  	v19 =	vadd.f32 v19, v35;
	v18 =	vmul.f32 v37, v7;
	(erf) = vrcp.f32 v23  }
0x347: {  	v29 =	vadd.f32 v33, v29;
	v23 =	vmul.f32 v39, v8;
	(erf) = vrcp.f32 v30;
	v30 =	vpop (erf)  }
0x348: {  	v19 =	vadd.f32 v19, v21;
	v21 =	vmul.f32 v46, v7;
	v15 =	vmul.f32 v22, v15;
	v22 =	vpop (erf)  }
0x349: {  	v20 =	vmul.f32 v20, v10;
	v24 =	vmul.f32 v24, v9;
	v23 =	vadd.f32 v29, v23;
	v50 =	vpop (erf)  }
0x34a: {  	v19 =	vadd.f32 v19, v21;
	v29 =	vmul.f32 v49, v10;
	v21 =	vmul.f32 v50, v9  }
0x34b: {  	v32 =	vmul.f32 v48, v8;
	v18 =	vadd.f32 v23, v18  }
0x34c: {  	v23 =	vadd.f32 v29, v24;
	v20 =	vadd.f32 v20, v21;
	v21 =	vmul.f32 v25, v27  }
0x34d: {  	v24 =	vmul.f32 v30, v8  }
0x34e: {  	v17 =	vmul.f32 v17, v36;
	v23 =	vadd.f32 v23, v32;
	v22 =	vmul.f32 v22, v7  }
0x34f: {  	v16 =	vmul.f32 v31, v16;
	v25 =	vmul.f32 v28, v7;
	v27 =	vpop (erf);
	v20 =	vadd.f32 v20, v24  }
0x350: {  	v15 =	vmul.f32 v19, v15;
	v22 =	vadd.f32 v23, v22;
	v19 =	vmul.f32 v27, v21;
	v21 =	vpop (erf)  }
0x351: {  	[tilespmem:s23+$0x0] =	vst v26;
	v16 =	vmul.f32 v18, v16;
	v18 =	vadd.f32 v20, v25;
	v17 =	vmul.f32 v21, v17  }
0x352: {  	[tilespmem:s24+$0xFFFFFFF0] =	vst v15;
	v15 =	vmul.f32 v22, v19  }
0x353: {  	s23 =	sadd.s32 $0x20, s19;
	[tilespmem:s24+$0x0] =	vst v16;
	v16 =	vmul.f32 v18, v17  }
0x354: {  	[tilespmem:s23+$0xFFFFFFF0] =	vst v15  }
0x355: {  	s25 =	simm.s32 $0x17180;
	[tilespmem:s23+$0x0] =	vst v16  }
0x356: {  	[spmem:s6] =	stream.indirect.scatter.add.f32 [tilespmem:s25], [sflag:$0x4], $0x1, s20, s11, $0xb8;
	[tilespmem:$0x1B9F0] =	vst v63  }
0x357: {  	_ =	swait.ge [sflag:s28], $0xFA0  }
0x358: {  	[sflag:s28] =	ssyncset.done $0x0  }
0x359: {  	[sflag:s28] =	ssyncadd.s32 $0xFFFFF060  }
0x35a: {  	_ =	swait.ge [sflag:s28], $0xFA0  }
0x35b: {  	[sflag:s28] =	ssyncset.done $0x0  }
0x35c: {  	[sflag:s28] =	ssyncadd.s32 $0xFFFFF060  }
0x35d: {  	_ =	swait.ge [sflag:s28], $0xFA0  }
0x35e: {  	[sflag:s28] =	ssyncset.done $0x0  }
0x35f: {  	[sflag:s28] =	ssyncadd.s32 $0xFFFFF060  }
0x360: {  	_ =	swait.ge [sflag:s28], $0xFA0  }
0x361: {  	[sflag:s28] =	ssyncset.done $0x0  }
0x362: {  	[sflag:s28] =	ssyncadd.s32 $0xFFFFF060  }
0x363: {  	_ =	swait.ge [sflag:s29], $0xFA0  }
0x364: {  	[sflag:s29] =	ssyncset.done $0x0  }
0x365: {  	s8 =	simm.s32 $0xD180;
	s26 =	rddreg [dreg:$0x14];
	[sflag:s29] =	ssyncadd.s32 $0xFFFFF060  }
0x366: {  	[tilespmem:s8], [sflag:$0x3] =	stream.linear.gather [hbm4b:s26+s7], $0xFA0, $0x38;
	[tilespmem:$0x1B9F0] =	vst v63  }
0x367: {  	s12 =	simm.s32 $0x10180;
	s9 =	rddreg [dreg:$0x15]  }
0x368: {  	[tilespmem:s12], [sflag:$0x3] =	stream.linear.gather [hbm4b:s9+s7], $0xFA0, $0x38;
	[tilespmem:$0x1B9F0] =	vst v63  }
0x369: {  	s23 =	simm.s32 $0x13180;
	s19 =	rddreg [dreg:$0x16]  }
0x36a: {  	[tilespmem:s23], [sflag:$0x3] =	stream.linear.gather [hbm4b:s19+s7], $0xFA0, $0x38;
	[tilespmem:$0x1B9F0] =	vst v63  }
0x36b: {  	s25 =	simm.s32 $0x15190;
	s24 =	rddreg [dreg:$0x17]  }
0x36c: {  	[tilespmem:s13], [sflag:$0x3] =	stream.linear.gather [hbm4b:s24+s7], $0xFA0, $0x38;
	[tilespmem:$0x1B9F0] =	vst v63  }
0x36d: {  	s26 =	simm.s32 $0x12190;
	v15 =	vld [tilespmem:s25+$0xFFFFFFF0]  }
0x36e: {  	v16 =	vld [tilespmem:s26+$0xFFFFFFF0];
	_ =	sdelay $0x1  }
0x36f: {  	v17 =	vld [tilespmem:s25+$0x0]  }
0x370: {  	v18 =	vld [tilespmem:s26+$0x0]  }
0x371: {  	v19 =	vshrl.u32 v15, $0x2  }
0x372: {  	v20 =	vshrl.u32 v16, $0x2;
	_ =	sdelay $0x1  }
0x373: {  	v21 =	vshrl.u32 v17, $0x2  }
0x374: {  	v22 =	vshrl.u32 v18, $0x2  }
0x375: {  	v19 =	vld.idx.msk [tilespmem:v19+s7+$0x0], $0xffff  }
0x376: {  	v20 =	vld.idx.msk [tilespmem:v20+s7+$0x0], $0xffff;
	_ =	sdelay $0x1  }
0x377: {  	v15 =	vshll.u32 v15, $0x3;
	v21 =	vld.idx.msk [tilespmem:v21+s7+$0x0], $0xffff  }
0x378: {  	s9 =	simm.s32 $0xC190;
	v16 =	vshll.u32 v16, $0x3;
	v15 =	vand.u32 $0x18, v15;
	v22 =	vld.idx.msk [tilespmem:v22+s7+$0x0], $0xffff  }
0x379: {  	v16 =	vand.u32 $0x18, v16;
	v15 =	vshrl.u32 v19, v15;
	v19 =	vld [tilespmem:s9+$0xFFFFFFF0]  }
0x37a: {  	v17 =	vshll.u32 v17, $0x3;
	v16 =	vshrl.u32 v20, v16;
	v20 =	vld [tilespmem:s9+$0x0];
	v15 =	vand.u32 $0xFF, v15  }
0x37b: {  	v17 =	vand.u32 $0x18, v17;
	v15 =	vmul.u32 $0x64, v15  }
0x37c: {  	v18 =	vshll.u32 v18, $0x3;
	v17 =	vshrl.u32 v21, v17;
	v16 =	vand.u32 $0xFF, v16  }
0x37d: {  	s12 =	simm.s32 $0x151B0;
	v17 =	vand.u32 $0xFF, v17;
	v15 =	vadd.s32 v16, v15;
	v16 =	vand.u32 $0x18, v18  }
0x37e: {  	v24 =	vld [tilespmem:s12+$0x0];
	v17 =	vmul.u32 $0x64, v17;
	v16 =	vshrl.u32 v22, v16;
	v18 =	vmul.f32 $6.666666860e-01, v19  }
0x37f: {  	v21 =	vmul.f32 $6.666666860e-01, v20;
	v16 =	vand.u32 $0xFF, v16  }
0x380: {  	v16 =	vadd.s32 v16, v17;
	v17 =	vmax.f32 v18, $9.999999930e-09  }
0x381: {  	s19 =	simm.s32 $0x121B0;
	v23 =	vld [tilespmem:s12+$0xFFFFFFF0];
	v22 =	vsub.f32 $1.000000000e+00, v21;
	v21 =	vmax.f32 v21, $9.999999930e-09;
	(erf) = vrcp.f32 v17  }
0x382: {  	v26 =	vld [tilespmem:s19+$0x0];
	(erf) = vrcp.f32 v21;
	v21 =	vadd.f32 $9.999999930e-09, v20  }
0x383: {  	v53 =	vshrl.u32 v24, $0x2;
	v17 =	vld.idx.msk [tilespmem:v15+s3+$0x0], $0xffff;
	(erf) = vrcp.f32 v22  }
0x384: {  	v18 =	vsub.f32 $1.000000000e+00, v18;
	(erf) = vrcp.f32 v21;
	v21 =	vld [tilespmem:s19+$0xFFFFFFF0]  }
0x385: {  	s9 =	simm.s32 $0xF190;
	v15 =	vld.idx.msk [tilespmem:v15+s31+$0x0], $0xffff  }
0x386: {  	v22 =	vld [tilespmem:s9+$0xFFFFFFF0];
	(erf) = vrcp.f32 v18  }
0x387: {  	v25 =	vshrl.u32 v23, $0x2;
	v18 =	vld.idx.msk [tilespmem:v16+s3+$0x0], $0xffff  }
0x388: {  	v34 =	vld.idx.msk [tilespmem:v53+s7+$0x0], $0xffff  }
0x389: {  	v23 =	vshll.u32 v23, $0x3;
	v51 =	vld [tilespmem:s9+$0x0];
	v17 =	vmul.f32 v17, v19;
	v27 =	vshrl.u32 v21, $0x2  }
0x38a: {  	v24 =	vshll.u32 v24, $0x3;
	v54 =	vshrl.u32 v26, $0x2;
	v26 =	vshll.u32 v26, $0x3;
	v16 =	vld.idx.msk [tilespmem:v16+s31+$0x0], $0xffff  }
0x38b: {  	v26 =	vand.u32 $0x18, v26;
	v22 =	vmul.f32 v15, v22;
	v28 =	vmul.f32 v17, v13;
	v15 =	vpop (erf)  }
0x38c: {  	v23 =	vand.u32 $0x18, v23;
	v19 =	vadd.f32 $9.999999930e-09, v19;
	v18 =	vmul.f32 v18, v20;
	v20 =	vld.idx.msk [tilespmem:v25+s7+$0x0], $0xffff;
	v29 =	vpop (erf)  }
0x38d: {  	v24 =	vand.u32 $0x18, v24;
	v30 =	vmul.f32 v17, v12;
	v31 =	vmul.f32 v17, v14;
	v52 =	vpop (erf)  }
0x38e: {  	v24 =	vshrl.u32 v34, v24;
	v17 =	vmul.f32 v17, v11;
	(erf) = vrcp.f32 v19;
	v25 =	vpop (erf);
	v19 =	vld.idx.msk [tilespmem:v27+s7+$0x0], $0xffff  }
0x38f: {  	s23 =	simm.s32 $0xC1B0;
	v21 =	vshll.u32 v21, $0x3;
	v16 =	vmul.f32 v16, v51;
	v27 =	vmul.f32 $1.442695020e+00, v28;
	v28 =	vpop (erf)  }
0x390: {  	v21 =	vand.u32 $0x18, v21;
	v17 =	vmul.f32 $1.442695020e+00, v17;
	v15 =	vsub.f32 v28, v15;
	v28 =	vld [tilespmem:s23+$0xFFFFFFF0]  }
0x391: {  	v31 =	vmul.f32 $1.442695020e+00, v31;
	v30 =	vmul.f32 $1.442695020e+00, v30;
	v20 =	vshrl.u32 v20, v23;
	v23 =	vld [tilespmem:s23+$0x0]  }
0x392: {  	v55 =	vmul.f32 v18, v14;
	v57 =	vmul.f32 v18, v12;
	v20 =	vand.u32 $0xFF, v20  }
0x393: {  	v29 =	vsub.f32 v52, v29;
	v20 =	vmul.u32 $0x64, v20;
	v19 =	vshrl.u32 v19, v21  }
0x394: {  	(erf) = vpow2.f32 v27;
	v15 =	vmul.f32 $1.442695020e+00, v15;
	v19 =	vand.u32 $0xFF, v19  }
0x395: {  	v21 =	vmul.f32 $1.442695020e+00, v29;
	v29 =	vld.idx.msk [tilespmem:v54+s7+$0x0], $0xffff;
	v19 =	vadd.s32 v19, v20;
	v20 =	vmul.f32 $6.666666860e-01, v28  }
0x396: {  	v24 =	vand.u32 $0xFF, v24;
	(erf) = vpow2.f32 v31;
	v27 =	vmul.f32 $6.666666860e-01, v23  }
0x397: {  	v56 =	vmul.f32 $1.442695020e+00, v55;
	(erf) = vpow2.f32 v15;
	v31 =	vmax.f32 v20, $9.999999930e-09  }
0x398: {  	s26 =	simm.s32 $0x151D0;
	v15 =	vsub.f32 $1.000000000e+00, v27;
	v27 =	vmax.f32 v27, $9.999999930e-09;
	(erf) = vrcp.f32 v31  }
0x399: {  	v59 =	vld [tilespmem:s26+$0xFFFFFFF0];
	v24 =	vmul.u32 $0x64, v24;
	v34 =	vmul.f32 v16, v25;
	(erf) = vrcp.f32 v27  }
0x39a: {  	v31 =	vmul.f32 v18, v13;
	v26 =	vshrl.u32 v29, v26;
	v27 =	vld.idx.msk [tilespmem:v19+s3+$0x0], $0xffff;
	(erf) = vrcp.f32 v15  }
0x39b: {  	s24 =	simm.s32 $0xF1B0;
	v29 =	vmul.f32 $1.442695020e+00, v57;
	v15 =	vld.idx.msk [tilespmem:v19+s31+$0x0], $0xffff;
	v19 =	vadd.f32 $9.999999930e-09, v23;
	(erf) = vpow2.f32 v56  }
0x39c: {  	v58 =	vld [tilespmem:s24+$0xFFFFFFF0];
	v18 =	vmul.f32 v18, v11;
	v26 =	vand.u32 $0xFF, v26;
	(erf) = vpow2.f32 v17  }
0x39d: {  	v17 =	vpop (erf);
	(erf) = vrcp.f32 v19;
	v19 =	vadd.s32 v26, v24;
	v26 =	vmul.f32 $1.442695020e+00, v31  }
0x39e: {  	v18 =	vmul.f32 $1.442695020e+00, v18;
	v24 =	vpop (erf);
	(erf) = vpow2.f32 v29  }
0x39f: {  	s25 =	simm.s32 $0x121D0;
	v25 =	vld [tilespmem:s26+$0x0];
	v22 =	vmul.f32 v22, v17;
	v29 =	vpop (erf);
	(erf) = vpow2.f32 v21  }
0x3a0: {  	s8 =	simm.s32 $0xC1D0;
	v50 =	vshrl.u32 v59, $0x2;
	v31 =	vld [tilespmem:s25+$0xFFFFFFF0];
	v21 =	vmul.f32 v27, v28;
	v27 =	vpop (erf);
	(erf) = vpow2.f32 v26  }
0x3a1: {  	v20 =	vsub.f32 $1.000000000e+00, v20;
	v15 =	vmul.f32 v15, v58;
	v58 =	vld [tilespmem:s8+$0xFFFFFFF0];
	v26 =	vpop (erf);
	(erf) = vpow2.f32 v30  }
0x3a2: {  	v32 =	vshll.u32 v59, $0x3;
	v17 =	vmul.f32 v21, v13;
	v61 =	vmul.f32 v21, v12  }
0x3a3: {  	v63 =	vmul.f32 v21, v14;
	v30 =	vpop (erf);
	(erf) = vrcp.f32 v20;
	v20 =	vadd.f32 $9.999999930e-09, v28;
	v28 =	vld.idx.msk [tilespmem:v19+s3+$0x0], $0xffff  }
0x3a4: {  	v51 =	vshrl.u32 v25, $0x2;
	v21 =	vmul.f32 v21, v11;
	v60 =	vpop (erf);
	(erf) = vpow2.f32 v18;
	v18 =	vld [tilespmem:s25+$0x0]  }
0x3a5: {  	v24 =	vmul.f32 v24, v8;
	v29 =	vmul.f32 v29, v10;
	v27 =	vadd.f32 $1.000000000e+00, v27;
	v16 =	vpop (erf)  }
0x3a6: {  	v62 =	vshrl.u32 v31, $0x2;
	v44 =	vmul.f32 $1.442695020e+00, v21;
	v59 =	vmul.f32 $6.666666860e-01, v58;
	v48 =	vpop (erf)  }
0x3a7: {  	v25 =	vshll.u32 v25, $0x3;
	v49 =	vmul.f32 v16, v10;
	v16 =	vpop (erf);
	v38 =	vmul.f32 v48, v9  }
0x3a8: {  	v43 =	vld [tilespmem:s24+$0x0];
	v42 =	vpop (erf);
	(erf) = vrcp.f32 v27;
	v23 =	vmul.f32 v28, v23;
	v27 =	vsub.f32 v60, v30  }
0x3a9: {  	v19 =	vld.idx.msk [tilespmem:v19+s31+$0x0], $0xffff;
	v28 =	vpop (erf);
	v29 =	vadd.f32 v29, v38;
	v30 =	vshrl.u32 v18, $0x2;
	(erf) = vrcp.f32 v20  }
0x3aa: {  	v18 =	vshll.u32 v18, $0x3;
	v54 =	vmul.f32 v42, v7;
	v20 =	vpop (erf);
	v53 =	vmul.f32 v23, v14  }
0x3ab: {  	v36 =	vld.idx.msk [tilespmem:v62+s7+$0x0], $0xffff;
	v28 =	vadd.f32 $1.000000000e+00, v28;
	v57 =	vmul.f32 $1.442695020e+00, v27;
	v52 =	vmul.f32 v20, v8;
	v20 =	vpop (erf)  }
0x3ac: {  	v40 =	vld.idx.msk [tilespmem:v50+s7+$0x0], $0xffff;
	v24 =	vadd.f32 v29, v24;
	v29 =	vmul.f32 $1.442695020e+00, v17;
	v17 =	vpop (erf);
	v38 =	vmul.f32 $1.442695020e+00, v53  }
0x3ad: {  	(erf) = vrcp.f32 v28;
	v28 =	vmul.f32 $1.442695020e+00, v63;
	v21 =	vsub.f32 v17, v26  }
0x3ae: {  	v26 =	vld.idx.msk [tilespmem:v51+s7+$0x0], $0xffff;
	v17 =	vmul.f32 v19, v43;
	v19 =	vand.u32 $0x18, v18;
	v18 =	vshll.u32 v31, $0x3  }
0x3af: {  	v55 =	vmul.f32 v20, v7;
	v20 =	vand.u32 $0x18, v32;
	v18 =	vand.u32 $0x18, v18  }
0x3b0: {  	v31 =	vmul.f32 v23, v12;
	(erf) = vpow2.f32 v29;
	v30 =	vld.idx.msk [tilespmem:v30+s7+$0x0], $0xffff;
	v56 =	vshrl.u32 v36, v18  }
0x3b1: {  	v18 =	vshrl.u32 v40, v20;
	v20 =	vand.u32 $0x18, v25;
	v25 =	vpop (erf);
	(erf) = vpow2.f32 v28  }
0x3b2: {  	v21 =	vmul.f32 $1.442695020e+00, v21;
	v31 =	vmul.f32 $1.442695020e+00, v31;
	v27 =	vand.u32 $0xFF, v18;
	v18 =	vld [tilespmem:s8+$0x0]  }
0x3b3: {  	v25 =	vmul.f32 v25, v9;
	v20 =	vshrl.u32 v26, v20;
	v26 =	vmul.u32 $0x64, v27  }
0x3b4: {  	v28 =	vand.u32 $0xFF, v56;
	(erf) = vpow2.f32 v21;
	v20 =	vand.u32 $0xFF, v20  }
0x3b5: {  	v27 =	vpop (erf);
	v19 =	vshrl.u32 v30, v19;
	v20 =	vmul.u32 $0x64, v20;
	v26 =	vadd.s32 v28, v26  }
0x3b6: {  	v30 =	vmul.f32 $1.442695020e+00, v61;
	v22 =	vmul.f32 v27, v22;
	v19 =	vand.u32 $0xFF, v19  }
0x3b7: {  	v28 =	vmul.f32 v23, v13;
	v60 =	vadd.s32 v19, v20;
	v19 =	vmul.f32 $6.666666860e-01, v18  }
0x3b8: {  	v23 =	vmul.f32 v23, v11;
	v27 =	vmax.f32 v59, $9.999999930e-09;
	v62 =	vadd.f32 $9.999999930e-09, v18  }
0x3b9: {  	v20 =	vpop (erf);
	v21 =	vsub.f32 $1.000000000e+00, v19;
	v19 =	vmax.f32 v19, $9.999999930e-09;
	(erf) = vrcp.f32 v27  }
0x3ba: {  	s5 =	simm.s32 $0xF1D0;
	v33 =	vmul.f32 $1.442695020e+00, v28;
	(erf) = vrcp.f32 v19;
	v19 =	vadd.f32 v49, v25;
	v61 =	vld.idx.msk [tilespmem:v26+s3+$0x0], $0xffff  }
0x3bb: {  	v28 =	vld [tilespmem:s5+$0xFFFFFFF0];
	v27 =	vmul.f32 $1.442695020e+00, v23;
	v23 =	vadd.f32 v24, v55;
	v29 =	vpop (erf);
	(erf) = vrcp.f32 v21  }
0x3bc: {  	v25 =	vld.idx.msk [tilespmem:v26+s31+$0x0], $0xffff;
	v26 =	vmul.f32 v29, v34;
	v24 =	vadd.f32 v19, v52;
	(erf) = vpow2.f32 v38  }
0x3bd: {  	v22 =	vmul.f32 v23, v22;
	v21 =	vpop (erf);
	(erf) = vpow2.f32 v44  }
0x3be: {  	v21 =	vmul.f32 v21, v8;
	v63 =	vadd.f32 v24, v54;
	(erf) = vrcp.f32 v62  }
0x3bf: {  	s12 =	simm.s32 $0x121F0;
	s24 =	simm.s32 $0x181B0;
	s23 =	simm.s32 $0x18190;
	v29 =	vadd.f32 $9.999999930e-09, v58;
	v19 =	vld.idx.msk [tilespmem:v60+s31+$0x0], $0xffff;
	v23 =	vpop (erf);
	v24 =	vmul.f32 v61, v58;
	(erf) = vpow2.f32 v31  }
0x3c0: {  	s9 =	simm.s32 $0x151F0;
	s19 =	simm.s32 $0x181B0;
	s25 =	simm.s32 $0x40;
	v32 =	vld.idx.msk [tilespmem:v60+s3+$0x0], $0xffff;
	[tilespmem:s23+$0xFFFFFFF0] =	vst v22;
	v31 =	vsub.f32 $1.000000000e+00, v59;
	v34 =	vpop (erf);
	(erf) = vpow2.f32 v57;
	v26 =	vmul.f32 v63, v26  }
.LBB2_12:
0x3c1: {  	v25 =	vmul.f32 v25, v28  }
0x3c2: {  	v35 =	vld [tilespmem:s12+$0xFFFFFFF0];
	s25 =	sadd.s32 $0x20, s25;
	v28 =	vpop (erf);
	s19 =	sadd.s32 $0x20, s19;
	(erf) = vpow2.f32 v33;
	v22 =	vmul.f32 v17, v16  }
0x3c3: {  	v23 =	vmul.f32 v23, v10;
	v33 =	vld [tilespmem:s9+$0xFFFFFFF0];
	p1 =	slt.u32 s25, $0xF80;
	v36 =	vpop (erf);
	(erf) = vpow2.f32 v30;
	[tilespmem:s23+$0x0] =	vst v26;
	s23 =	smov.u32 s24;
	s24 =	smov.u32 s19  }
0x3c4: {  	v30 =	vmul.f32 v15, v20;
	v20 =	vadd.f32 $1.000000000e+00, v34;
	v17 =	vld [tilespmem:s9+$0x0];
	(erf) = vrcp.f32 v31;
	v26 =	vpop (erf)  }
0x3c5: {  	v31 =	vmul.f32 v24, v13;
	v15 =	vmov v25;
	(erf) = vpow2.f32 v27  }
0x3c6: {  	v37 =	vmul.f32 v24, v14;
	v27 =	vmul.f32 v24, v12;
	v25 =	vld [tilespmem:s12+$0x0];
	v16 =	vpop (erf)  }
0x3c7: {  	v24 =	vmul.f32 v24, v11;
	v34 =	vshrl.u32 v35, $0x2;
	v38 =	vmul.f32 v16, v10;
	v39 =	vpop (erf)  }
0x3c8: {  	v40 =	vshrl.u32 v33, $0x2;
	v33 =	vshll.u32 v33, $0x3;
	v16 =	vpop (erf);
	v39 =	vmul.f32 v39, v9  }
0x3c9: {  	v41 =	vshrl.u32 v17, $0x2;
	v42 =	vshll.u32 v17, $0x3;
	v17 =	vld [tilespmem:s5+$0x0];
	(erf) = vrcp.f32 v20;
	v20 =	vpop (erf)  }
0x3ca: {  	v32 =	vmul.f32 v32, v18;
	v18 =	vsub.f32 v26, v36;
	v39 =	vadd.f32 v23, v39;
	v26 =	vpop (erf)  }
0x3cb: {  	v36 =	vshrl.u32 v25, $0x2;
	v25 =	vshll.u32 v25, $0x3;
	(erf) = vrcp.f32 v29;
	v29 =	vpop (erf)  }
0x3cc: {  	s8 =	sadd.s32 $0x20, s8;
	v31 =	vmul.f32 $1.442695020e+00, v31;
	v34 =	vld.idx.msk [tilespmem:v34+s7+$0x0], $0xffff;
	v21 =	vadd.f32 v39, v21;
	v29 =	vmul.f32 v29, v8;
	v23 =	vpop (erf)  }
0x3cd: {  	v24 =	vmul.f32 $1.442695020e+00, v24;
	v26 =	vadd.f32 $1.000000000e+00, v26;
	v39 =	vld.idx.msk [tilespmem:v40+s7+$0x0], $0xffff;
	v40 =	vmul.f32 v32, v14;
	v43 =	vpop (erf)  }
0x3ce: {  	v33 =	vand.u32 $0x18, v33;
	v41 =	vld.idx.msk [tilespmem:v41+s7+$0x0], $0xffff;
	v28 =	vsub.f32 v43, v28;
	v17 =	vmul.f32 v19, v17;
	v19 =	vpop (erf)  }
0x3cf: {  	v25 =	vand.u32 $0x18, v25;
	v43 =	vmul.f32 v20, v7;
	v40 =	vmul.f32 $1.442695020e+00, v40  }
0x3d0: {  	v20 =	vshll.u32 v35, $0x3;
	v35 =	vld.idx.msk [tilespmem:v36+s7+$0x0], $0xffff;
	v36 =	vmul.f32 v32, v12;
	(erf) = vrcp.f32 v26  }
0x3d1: {  	v23 =	vmul.f32 v23, v7;
	v20 =	vand.u32 $0x18, v20;
	v26 =	vmul.f32 $1.442695020e+00, v37  }
0x3d2: {  	v42 =	vand.u32 $0x18, v42;
	v37 =	vmul.f32 $1.442695020e+00, v18;
	v34 =	vshrl.u32 v34, v20;
	v44 =	vpop (erf)  }
0x3d3: {  	v19 =	vmul.f32 v19, v9;
	v28 =	vmul.f32 $1.442695020e+00, v28;
	v18 =	vshrl.u32 v39, v33;
	v45 =	vld [tilespmem:s8+$0xFFFFFFF0]  }
0x3d4: {  	v33 =	vand.u32 $0xFF, v18;
	v39 =	vshrl.u32 v41, v42;
	v18 =	vld [tilespmem:s8+$0x0];
	v20 =	vpop (erf);
	(erf) = vpow2.f32 v31  }
0x3d5: {  	v31 =	vmul.u32 $0x64, v33;
	v33 =	vand.u32 $0xFF, v39;
	(erf) = vpow2.f32 v26  }
0x3d6: {  	v26 =	vand.u32 $0xFF, v34;
	v33 =	vmul.u32 $0x64, v33;
	v25 =	vshrl.u32 v35, v25  }
0x3d7: {  	v34 =	vmul.f32 v44, v30;
	v35 =	vmul.f32 v32, v13;
	v25 =	vand.u32 $0xFF, v25  }
0x3d8: {  	v26 =	vadd.s32 v26, v31;
	v39 =	vadd.s32 v25, v33;
	v33 =	vadd.f32 v38, v19  }
0x3d9: {  	v32 =	vmul.f32 v32, v11;
	v30 =	vmul.f32 $6.666666860e-01, v45  }
0x3da: {  	v25 =	vmul.f32 $6.666666860e-01, v18;
	v41 =	vpop (erf);
	v29 =	vadd.f32 v33, v29;
	v33 =	vmul.f32 $1.442695020e+00, v35  }
0x3db: {  	v31 =	vsub.f32 $1.000000000e+00, v30;
	v30 =	vmax.f32 v30, $9.999999930e-09;
	(erf) = vpow2.f32 v28  }
0x3dc: {  	v28 =	vsub.f32 $1.000000000e+00, v25;
	v25 =	vmax.f32 v25, $9.999999930e-09;
	(erf) = vrcp.f32 v30  }
0x3dd: {  	v30 =	vmul.f32 $1.442695020e+00, v27;
	v42 =	vld.idx.msk [tilespmem:v26+s3+$0x0], $0xffff;
	(erf) = vrcp.f32 v25  }
0x3de: {  	v27 =	vmul.f32 $1.442695020e+00, v32;
	v32 =	vadd.f32 v21, v23;
	v25 =	vld.idx.msk [tilespmem:v26+s31+$0x0], $0xffff;
	(erf) = vrcp.f32 v28;
	v26 =	vpop (erf)  }
0x3df: {  	s5 =	sadd.s32 $0x20, s5;
	v19 =	vld.idx.msk [tilespmem:v39+s31+$0x0], $0xffff;
	v21 =	vmul.f32 v26, v8;
	v26 =	vmul.f32 $1.442695020e+00, v36;
	v23 =	vpop (erf)  }
.Ltmp5:
0x3e0: {  	v36 =	vadd.f32 $9.999999930e-09, v18;
	v28 =	vld [tilespmem:s5+$0xFFFFFFF0];
	(erf) = vpow2.f32 v40;
	(pc) =	sbr.rel @p1 .LBB2_12-.Ltmp5, $4  }
0x3e1: {  	v22 =	vmul.f32 v41, v22;
	v35 =	vadd.f32 v29, v43;
	(erf) = vpow2.f32 v24  }
0x3e2: {  	(erf) = vrcp.f32 v36;
	v36 =	vmul.f32 v32, v34  }
0x3e3: {  	v29 =	vadd.f32 $9.999999930e-09, v45;
	v24 =	vmul.f32 v42, v45;
	(erf) = vpow2.f32 v26  }
0x3e4: {  	s9 =	sadd.s32 $0x20, s9;
	s12 =	sadd.s32 $0x20, s12;
	v26 =	vmul.f32 v35, v22;
	v32 =	vld.idx.msk [tilespmem:v39+s3+$0x0], $0xffff;
	v34 =	vpop (erf);
	(erf) = vpow2.f32 v37;
	[tilespmem:s23+$0xFFFFFFF0] =	vst v36  }
0x3e5: {  	(erf) = vpow2.f32 v33  }
0x3e6: {  	v22 =	vpop (erf);
	(erf) = vpow2.f32 v30  }
0x3e7: {  	v40 =	vpop (erf);
	(erf) = vrcp.f32 v31  }
0x3e8: {  	v41 =	vpop (erf)  }
0x3e9: {  	v33 =	vpop (erf)  }
0x3ea: {  	v35 =	vpop (erf)  }
0x3eb: {  	v36 =	vpop (erf)  }
0x3ec: {  	v34 =	vadd.f32 $1.000000000e+00, v34;
	v37 =	vpop (erf)  }
0x3ed: {  	v38 =	vmul.f32 v24, v13;
	(erf) = vpow2.f32 v27;
	v42 =	vpop (erf)  }
0x3ee: {  	v18 =	vmul.f32 v32, v18;
	(erf) = vrcp.f32 v34;
	v32 =	vpop (erf)  }
0x3ef: {  	v44 =	vmul.f32 v24, v14;
	(erf) = vrcp.f32 v29;
	v29 =	vpop (erf)  }
0x3f0: {  	v47 =	vmul.f32 v24, v11;
	v43 =	vmul.f32 $1.442695020e+00, v38;
	v27 =	vadd.f32 $1.000000000e+00, v42;
	v45 =	vpop (erf)  }
0x3f1: {  	v48 =	vmul.f32 $1.442695020e+00, v44;
	v46 =	vmul.f32 v18, v14;
	v22 =	vsub.f32 v45, v22  }
0x3f2: {  	v49 =	vmul.f32 v18, v12;
	(erf) = vrcp.f32 v27  }
0x3f3: {  	(erf) = vpow2.f32 v43;
	v22 =	vmul.f32 $1.442695020e+00, v22  }
0x3f4: {  	v14 =	vmul.f32 $1.442695020e+00, v46;
	(erf) = vpow2.f32 v48  }
0x3f5: {  	v50 =	vmul.f32 $1.442695020e+00, v47;
	v30 =	vsub.f32 v41, v40;
	(erf) = vpow2.f32 v22  }
0x3f6: {  	v51 =	vmul.f32 $1.442695020e+00, v49;
	(erf) = vpow2.f32 v14  }
0x3f7: {  	v52 =	vmul.f32 $1.442695020e+00, v30;
	(erf) = vpow2.f32 v50  }
0x3f8: {  	v53 =	vpop (erf);
	(erf) = vpow2.f32 v51  }
0x3f9: {  	v55 =	vmul.f32 v18, v13;
	v54 =	vpop (erf);
	(erf) = vpow2.f32 v52  }
0x3fa: {  	v56 =	vmul.f32 v24, v12;
	v57 =	vpop (erf)  }
0x3fb: {  	v58 =	vmul.f32 v18, v11;
	v13 =	vmul.f32 $1.442695020e+00, v55;
	v59 =	vpop (erf)  }
0x3fc: {  	v39 =	vld [tilespmem:s5+$0x0];
	v12 =	vmul.f32 $1.442695020e+00, v56;
	v60 =	vpop (erf)  }
0x3fd: {  	v11 =	vmul.f32 $1.442695020e+00, v58;
	(erf) = vpow2.f32 v13;
	v61 =	vpop (erf)  }
0x3fe: {  	(erf) = vpow2.f32 v12;
	v62 =	vpop (erf)  }
0x3ff: {  	(erf) = vpow2.f32 v11;
	v63 =	vpop (erf)  }
0x400: {  	v25 =	vmul.f32 v25, v28;
	v16 =	vmul.f32 v17, v16;
	v38 =	vpop (erf)  }
0x401: {  	v15 =	vmul.f32 v15, v20;
	v17 =	vmul.f32 v19, v39;
	v40 =	vpop (erf)  }
0x402: {  	v41 =	vmul.f32 v23, v10;
	v44 =	vmul.f32 v35, v9;
	v13 =	vadd.f32 $1.000000000e+00, v62;
	v42 =	vpop (erf)  }
0x403: {  	v47 =	vmul.f32 v37, v7;
	v58 =	vmul.f32 v17, v36;
	v23 =	vadd.f32 $1.000000000e+00, v42  }
0x404: {  	v43 =	vmul.f32 v33, v10;
	(erf) = vrcp.f32 v13  }
0x405: {  	v22 =	vmul.f32 v53, v9;
	(erf) = vrcp.f32 v23  }
0x406: {  	v46 =	vmul.f32 v32, v8;
	v49 =	vmul.f32 v29, v7;
	v48 =	vpop (erf)  }
0x407: {  	v15 =	vmul.f32 v54, v15;
	v56 =	vmul.f32 v25, v57;
	v22 =	vadd.f32 v43, v22;
	v50 =	vpop (erf)  }
0x408: {  	v45 =	vadd.f32 v41, v44;
	v51 =	vmul.f32 v61, v10;
	v12 =	vmul.f32 v38, v9;
	v52 =	vpop (erf)  }
0x409: {  	v20 =	vadd.f32 v22, v46;
	v53 =	vmul.f32 v63, v10;
	v54 =	vmul.f32 v52, v9  }
0x40a: {  	v16 =	vmul.f32 v59, v16;
	v55 =	vmul.f32 v60, v8;
	v12 =	vadd.f32 v51, v12  }
0x40b: {  	v13 =	vadd.f32 v45, v21;
	v8 =	vmul.f32 v48, v8;
	v9 =	vadd.f32 v53, v54  }
0x40c: {  	v19 =	vadd.f32 v20, v47;
	v11 =	vadd.f32 v12, v55;
	v57 =	vmul.f32 v50, v7  }
0x40d: {  	v13 =	vadd.f32 v13, v49;
	v7 =	vmul.f32 v40, v7;
	v59 =	vpop (erf);
	v8 =	vadd.f32 v9, v8  }
0x40e: {  	v62 =	vmul.f32 v19, v16;
	v11 =	vadd.f32 v11, v57;
	v10 =	vmul.f32 v59, v56;
	v61 =	vpop (erf)  }
0x40f: {  	[tilespmem:s23+$0x0] =	vst v26;
	v60 =	vmul.f32 v13, v15;
	v7 =	vadd.f32 v8, v7;
	v8 =	vmul.f32 v61, v58  }
0x410: {  	[tilespmem:s24+$0x0] =	vst v62;
	v63 =	vmul.f32 v11, v10  }
0x411: {  	s23 =	sadd.s32 $0x20, s19;
	[tilespmem:s24+$0xFFFFFFF0] =	vst v60;
	v7 =	vmul.f32 v7, v8  }
0x412: {  	[tilespmem:s23+$0xFFFFFFF0] =	vst v63  }
0x413: {  	[tilespmem:s23+$0x0] =	vst v7  }
0x414: {  	[spmem:s6] =	stream.indirect.scatter.add.f32 [tilespmem:s30], [sflag:$0x5], $0x1, s10, s11, $0xb8;
	[tilespmem:$0x1B9F0] =	vst v63  }
0x415: {  	_ =	swait.ge [sflag:s15], $0xFA0  }
0x416: {  	[sflag:s15] =	ssyncset.done $0x0  }
0x417: {  	[sflag:s15] =	ssyncadd.s32 $0xFFFFF060  }
0x418: {  	_ =	swait.ge [sflag:s22], $0xFA0  }
0x419: {  	[sflag:s22] =	ssyncset.done $0x0  }
0x41a: {  	[sflag:s22] =	ssyncadd.s32 $0xFFFFF060  }
0x41b: {  	_ =	swait.ge [sflag:s14], $0xFA0  }
0x41c: {  	[sflag:s14] =	ssyncset.done $0x0  }
0x41d: {  	[sflag:s14] =	ssyncadd.s32 $0xFFFFF060  }
0x41e: {  	_ =	swait.ge [sflag:s14], $0xFA0  }
0x41f: {  	[sflag:s14] =	ssyncset.done $0x0  }
0x420: {  	[sflag:s14] =	ssyncadd.s32 $0xFFFFF060  }
0x421: {  	_ =	swait.ge [sflag:s14], $0xFA0  }
0x422: {  	[sflag:s14] =	ssyncset.done $0x0  }
0x423: {  	[sflag:s14] =	ssyncadd.s32 $0xFFFFF060  }
0x424: {  	_ =	swait.ge [sflag:s14], $0xFA0  }
0x425: {  	[sflag:s14] =	ssyncset.done $0x0  }
0x426: {  	[sflag:s14] =	ssyncadd.s32 $0xFFFFF060  }
0x427: {  	[bflag:$0x0] =	sbarrier.arrive $0xFFFF  }
0x428: {  	s5 =	simm.s32 @!p0 $0x1;
	s8 =	simm.s32 @!p0 $0x20;
	s19 =	rddreg [dreg:$0x18]  }
0x429: {  	s9 =	simm.s32 @!p0 $0x10;
	s12 =	simm.s32 @!p0 $0x1C07;
	s23 =	rddreg [dreg:$0x1b]  }
0x42a: {  	[hbm:s19@s8], [sflag:s12] =	dma.strided @!p0 [spmem:s23@s9], $0x30E0, s5, $0x10   }
0x42b: {  	s5 =	simm.s32 @!p0 $0x7  }
0x42c: {  	_ =	swait.ge @!p0 [sflag:s5], $0x30E0  }
0x42d: {  	s25 =	rddreg [dreg:$0x1a]  }
0x42e: {  	s26 =	rddreg [dreg:$0x19];
	s9 =	sadd.s32 $0x1, s25  }
0x42f: {  	p1 =	sne.s32 s9, s26  }
.Ltmp6:
0x430: {  	_ = 	snop;
	(pc) =	sbr.rel @p1 .LBB2_1-.Ltmp6, $3  }
0x431: {  	_ =	sdelay $0x1  }
0x432: {  	[sflag:s5] =	ssyncset.done @!p0 $0x0  }
0x433: {  	[sflag:s5] =	ssyncadd.s32 @!p0 $0xFFFFCF20  }
0x434: {  	_ =	sfence.sel $0x180000  }
0x435: {  	[bflag:$0x0] =	sbarrier.arrive $0xFFFF  }
0x436: {  	_ =	strace $0x90000047  }
0x437: {  	[bflag:$0x2] =	sbarrier.arrive $0xFFFF  }
0x438: {  	s0 =	rddreg [dreg:$0x7]  }
0x439: {  	s0 =	sadd.s32 @!p0 $0x100000, s0  }
0x43a: {  	[sflag:s0] =	ssyncadd.tile.s32 @!p0 $0x1;
	_ =	shalt  }
.Lfunc_end2:
_tile_overlayer_lowered:
.L_overlay_start_2:
0x43b: {  	(tag) =	ssettag $0x2  }
0x43c: {  	s0 =	rddreg [dreg:$0x0];
	s2 =	stileid.u32  }
0x43d: {  	s1 =	rddreg [dreg:$0x1];
	p0 =	sne.s32 s2, $0x0  }
0x43e: {  	s3 =	rddreg [dreg:$0x2];
	[bflag:$0x3] =	sbarrier.arrive $0xFFFF;
	s2 =	simm.s32 @!p0 $0x1C07  }
0x43f: {  	[timem:s3], [sflag:s2] =	dma.local @!p0 [hbm:s0], s1  }
0x440: {  	s0 =	simm.s32 @!p0 $0x7  }
0x441: {  	_ =	swait.ge @!p0 [sflag:s0], s1  }
0x442: {  	s1 =	ssub.s32 @!p0 $0x0, s1;
	[sflag:s0] =	ssyncset.done @!p0 $0x0  }
0x443: {  	[sflag:s0] =	ssyncadd.s32 @!p0 s1  }
0x444: {  	[bflag:$0x3] =	sbarrier.arrive $0xFFFF  }
0x445: {  	_ =	shalt  }

</sc_bundles>
